<compile_context>
chip_gen: v7x
topology: tpu7x:2x2x1
jax: 0.10.2.dev20260603
libtpu: 0.0.44.dev20260713+nightly
codegen_flags: <defaults>
</compile_context>

<pallas_src>
import dataclasses
import functools

import jax
import jax.numpy as jnp
from jax import lax
from jax.experimental import pallas as pl
from jax.experimental.pallas import tpu as pltpu
from jax.experimental.pallas import tpu_sc as plsc

N = 10000
E = 320000
D = 128
G = 64
EPS = 1e-5
NEG = 0.01

NC = 2
NS = 16
NW = NC * NS
FPT = D // NW
L = 16
EC = 2048
NCH = 157
E_PAD = NCH * EC
N_PAD = 10112
EPT = E_PAD // NW

_HIGH = jax.lax.Precision.HIGHEST


def _mesh():
    return plsc.VectorSubcoreMesh(core_axis_name="c", subcore_axis_name="s",
                                  num_cores=NC, num_subcores=NS)


def _sc_params():
    cp = pltpu.CompilerParams()
    if "needs_layout_passes" in pltpu.CompilerParams.__dataclass_fields__:
        cp = dataclasses.replace(cp, needs_layout_passes=False)
    return cp


def _zero_1d(buf, nwords):
    z16 = jnp.zeros((L,), jnp.float32)

    @pl.loop(0, nwords, step=L)
    def _(i):
        buf[pl.ds(i, L)] = z16


def _make_sc_agg():

    @functools.partial(
        pl.kernel,
        out_type=jax.ShapeDtypeStruct((D * N_PAD,), jnp.float32),
        mesh=_mesh(),
        compiler_params=_sc_params(),
        scratch_types=[
            pltpu.VMEM((FPT * N_PAD,), jnp.float32),
            pltpu.VMEM((FPT * N_PAD,), jnp.float32),
            [pltpu.VMEM((EC,), jnp.int32)] * 2,
            [pltpu.VMEM((EC,), jnp.int32)] * 2,
        ],
    )
    def agg(h_hbm, src_hbm, dst_hbm, out_hbm, hbuf, abuf, sbuf, dbuf):
        c = lax.axis_index("c")
        s = lax.axis_index("s")
        t = s * NC + c
        fbase = pl.multiple_of(t * (FPT * N_PAD), 8)

        pltpu.sync_copy(h_hbm.at[pl.ds(fbase, FPT * N_PAD)], hbuf)
        _zero_1d(abuf, FPT * N_PAD)

        def process(b):
            @plsc.parallel_loop(0, EC // L, unroll=1)
            def _(k):
                src16 = sbuf[b][pl.ds(k * L, L)]
                dst16 = dbuf[b][pl.ds(k * L, L)]
                for f in range(FPT):
                    v = plsc.load_gather(hbuf, [src16 + (f * N_PAD)])
                    plsc.addupdate_scatter(abuf, [dst16 + (f * N_PAD)], v)

        @functools.partial(pl.run_scoped,
                           ss0=pltpu.SemaphoreType.DMA(()),
                           ss1=pltpu.SemaphoreType.DMA(()),
                           sd0=pltpu.SemaphoreType.DMA(()),
                           sd1=pltpu.SemaphoreType.DMA(()))
        def _(ss0, ss1, sd0, sd1):
            ssem = (ss0, ss1)
            dsem = (sd0, sd1)

            def issue(ci, b):
                off = pl.multiple_of(ci * EC, 8)
                pltpu.async_copy(src_hbm.at[pl.ds(off, EC)], sbuf[b], ssem[b])
                pltpu.async_copy(dst_hbm.at[pl.ds(off, EC)], dbuf[b], dsem[b])

            def wait(ci, b):
                off = pl.multiple_of(ci * EC, 8)
                pltpu.make_async_copy(src_hbm.at[pl.ds(off, EC)],
                                      sbuf[b], ssem[b]).wait()
                pltpu.make_async_copy(dst_hbm.at[pl.ds(off, EC)],
                                      dbuf[b], dsem[b]).wait()

            issue(0, 0)

            @pl.loop(0, (NCH - 1) // 2)
            def _(tt):
                for b in range(2):
                    ci = tt * 2 + b
                    issue(ci + 1, 1 - b)
                    wait(ci, b)
                    process(b)

            wait(NCH - 1, (NCH - 1) % 2)
            process((NCH - 1) % 2)

        pltpu.sync_copy(abuf, out_hbm.at[pl.ds(fbase, FPT * N_PAD)])

    return agg


def _make_sc_degree():

    @functools.partial(
        pl.kernel,
        out_type=jax.ShapeDtypeStruct((NW * N_PAD,), jnp.float32),
        mesh=_mesh(),
        compiler_params=_sc_params(),
        scratch_types=[
            pltpu.VMEM((N_PAD,), jnp.float32),
            pltpu.VMEM((EPT,), jnp.int32),
        ],
    )
    def degree(dst_hbm, out_hbm, dacc, dbuf):
        c = lax.axis_index("c")
        s = lax.axis_index("s")
        t = s * NC + c
        ebase = pl.multiple_of(t * EPT, 8)

        pltpu.sync_copy(dst_hbm.at[pl.ds(ebase, EPT)], dbuf)
        _zero_1d(dacc, N_PAD)
        ones16 = jnp.full((L,), 1.0, jnp.float32)

        @plsc.parallel_loop(0, EPT // L)
        def _(k):
            dst16 = dbuf[pl.ds(k * L, L)]
            plsc.addupdate_scatter(dacc, [dst16], ones16)

        pltpu.sync_copy(dacc, out_hbm.at[pl.ds(
            pl.multiple_of(t * N_PAD, 8), N_PAD)])

    return degree



def _mm_body(x_ref, w_ref, o_ref):
    h = jax.lax.dot_general(w_ref[...], x_ref[...], (((0,), (1,)), ((), ())),
                            precision=_HIGH,
                            preferred_element_type=jnp.float32)
    o_ref[:, 0:N] = h
    o_ref[:, N:N_PAD] = jnp.zeros((D, N_PAD - N), jnp.float32)


def _tc_matmul_pad(x, w):
    return pl.pallas_call(
        _mm_body,
        out_shape=jax.ShapeDtypeStruct((D, N_PAD), jnp.float32),
    )(x, w)


def _scale_body(h_ref, degp_ref, hp_ref, dinv_ref):
    deg = jnp.sum(degp_ref[...], axis=0, keepdims=True) + 1.0
    colid = lax.broadcasted_iota(jnp.int32, (1, N_PAD), 1)
    dinv = jnp.where(colid < N, lax.rsqrt(deg), 0.0)
    dinv_ref[...] = dinv
    hp_ref[...] = h_ref[...] * dinv


def _tc_scale(h, degp):
    return pl.pallas_call(
        _scale_body,
        out_shape=(jax.ShapeDtypeStruct((D, N_PAD), jnp.float32),
                   jax.ShapeDtypeStruct((1, N_PAD), jnp.float32)),
    )(h, degp)


def _post_conv(p_ref, h_ref, dinv_ref, b_ref, g_ref, be_ref):
    y = (p_ref[:, 0:N] + h_ref[:, 0:N]) * dinv_ref[:, 0:N] + b_ref[...]
    y = jnp.where(y >= 0, y, NEG * y)
    mean = jnp.mean(y, axis=1, keepdims=True)
    cent = y - mean
    var = jnp.mean(cent * cent, axis=1, keepdims=True)
    return cent / jnp.sqrt(var + EPS) * g_ref[...] + be_ref[...]


def _mid_body(p_ref, h_ref, dinv_ref, b_ref, g_ref, be_ref, w_ref, o_ref):
    z = _post_conv(p_ref, h_ref, dinv_ref, b_ref, g_ref, be_ref)
    hn = jax.lax.dot_general(w_ref[...], z, (((0,), (0,)), ((), ())),
                             precision=_HIGH,
                             preferred_element_type=jnp.float32)
    o_ref[:, 0:N] = hn * dinv_ref[:, 0:N]
    o_ref[:, N:N_PAD] = jnp.zeros((D, N_PAD - N), jnp.float32)


def _tc_mid(p, h, dinv, b, g, be, w_next):
    return pl.pallas_call(
        _mid_body,
        out_shape=jax.ShapeDtypeStruct((D, N_PAD), jnp.float32),
    )(p, h, dinv, b, g, be, w_next)


def _final_body(p_ref, h_ref, dinv_ref, b_ref, g_ref, be_ref, batch_ref,
                o_ref):
    z = _post_conv(p_ref, h_ref, dinv_ref, b_ref, g_ref, be_ref)
    onehot = (batch_ref[...] == lax.broadcasted_iota(jnp.int32, (1, G), 1))
    onehot = onehot.astype(jnp.float32)
    sums = jax.lax.dot_general(onehot, z, (((0,), (1,)), ((), ())),
                               precision=_HIGH,
                               preferred_element_type=jnp.float32)
    counts = jnp.sum(onehot, axis=0)[:, None]
    o_ref[...] = sums / jnp.maximum(counts, 1.0)


def _tc_final(p, h, dinv, b, g, be, batch2d):
    return pl.pallas_call(
        _final_body,
        out_shape=jax.ShapeDtypeStruct((G, D), jnp.float32),
    )(p, h, dinv, b, g, be, batch2d)


def kernel(x, edge_index, batch, W1, b1, g1, be1, W2, b2, g2, be2,
           W3, b3, g3, be3):
    src = edge_index[0].astype(jnp.int32)
    dst = edge_index[1].astype(jnp.int32)
    pad = jnp.full((E_PAD - E,), N, jnp.int32)
    src1d = jnp.concatenate([src, pad])
    dst1d = jnp.concatenate([dst, pad])
    batch2d = batch.astype(jnp.int32).reshape(N, 1)
    b1, g1, be1 = b1.reshape(D, 1), g1.reshape(D, 1), be1.reshape(D, 1)
    b2, g2, be2 = b2.reshape(D, 1), g2.reshape(D, 1), be2.reshape(D, 1)
    b3, g3, be3 = b3.reshape(D, 1), g3.reshape(D, 1), be3.reshape(D, 1)

    sc_agg = _make_sc_agg()
    degp = _make_sc_degree()(dst1d)
    h1 = _tc_matmul_pad(x, W1)
    h1p, dinv = _tc_scale(h1, degp.reshape(NW, N_PAD))

    def layer_agg(hp):
        return sc_agg(hp.reshape(D * N_PAD), src1d, dst1d).reshape(D, N_PAD)

    p1 = layer_agg(h1p)
    h2p = _tc_mid(p1, h1p, dinv, b1, g1, be1, W2)
    p2 = layer_agg(h2p)
    h3p = _tc_mid(p2, h2p, dinv, b2, g2, be2, W3)
    p3 = layer_agg(h3p)
    return _tc_final(p3, h3p, dinv, b3, g3, be3, batch2d)

# --- scband reference (transcript-rebuilt; emitter-appended) ---
"""Pipeline reference for scband-gcnencoder-4604204941840 (READ-ONLY COPY).

The authoritative reference and input builder live on the scoring server;
editing this copy changes nothing except your own understanding.
"""

import jax, jax.numpy as jnp
import numpy as np

N_NODES = 10000
N_EDGES = 320000
D = 128
NUM_GRAPHS = 64
EPS = 1e-5
NEG_SLOPE = 0.01


def setup_inputs(seed: int = 0) -> dict:
    key = jax.random.key(seed)
    ks = jax.random.split(key, 16)
    inp = {}
    inp['x'] = jax.random.normal(ks[0], (N_NODES, D), dtype=jnp.float32)
    inp['edge_index'] = jax.random.randint(ks[1], (2, N_EDGES), 0, N_NODES, dtype=jnp.int64)
    inp['batch'] = jnp.sort(jax.random.randint(ks[2], (N_NODES,), 0, NUM_GRAPHS, dtype=jnp.int64))
    # parameters: 3 GraphConvBlocks (input, 1 hidden since n_hidden_blocks=2 -> n-1=1, output)
    for i, kk in zip([1, 2, 3], [3, 4, 5]):
        inp[f'W{i}'] = jax.random.normal(ks[kk], (D, D), dtype=jnp.float32) * (1.0 / np.sqrt(D))
        inp[f'b{i}'] = jnp.zeros((D,), dtype=jnp.float32)
        inp[f'g{i}'] = jnp.ones((D,), dtype=jnp.float32)
        inp[f'be{i}'] = jnp.zeros((D,), dtype=jnp.float32)
    return inp


def _gcn_conv(x, edge_index, W, b):
    n = x.shape[0]
    # linear transform first (as in PyG GCNConv)
    h = x @ W
    # add self loops
    sl = jnp.arange(n, dtype=edge_index.dtype)
    src = jnp.concatenate([edge_index[0], sl])
    dst = jnp.concatenate([edge_index[1], sl])
    # symmetric normalization D^{-1/2} (A+I) D^{-1/2}
    deg = jnp.zeros((n,), dtype=h.dtype).at[dst].add(1.0)
    dinv = jnp.where(deg > 0, deg ** -0.5, 0.0)
    norm = dinv[src] * dinv[dst]
    msg = h[src] * norm[:, None]
    out = jnp.zeros((n, h.shape[1]), dtype=h.dtype).at[dst].add(msg)
    return out + b


def _batch_norm(x, gamma, beta):
    mean = jnp.mean(x, axis=0)
    var = jnp.mean((x - mean) ** 2, axis=0)
    xhat = (x - mean) / jnp.sqrt(var + EPS)
    return xhat * gamma + beta


def _block(x, edge_index, W, b, g, be):
    x = _gcn_conv(x, edge_index, W, b)
    x = jnp.where(x >= 0, x, NEG_SLOPE * x)  # LeakyReLU
    x = _batch_norm(x, g, be)
    return x  # dropout p=0 -> identity


def reference(x, edge_index, batch, W1, b1, g1, be1, W2, b2, g2, be2, W3, b3, g3, be3):
    h = _block(x, edge_index, W1, b1, g1, be1)
    h = _block(h, edge_index, W2, b2, g2, be2)
    h = _block(h, edge_index, W3, b3, g3, be3)
    # global_mean_pool
    sums = jax.ops.segment_sum(h, batch, num_segments=NUM_GRAPHS)
    counts = jax.ops.segment_sum(jnp.ones((h.shape[0],), dtype=h.dtype), batch, num_segments=NUM_GRAPHS)
    counts = jnp.maximum(counts, 1.0)
    return sums / counts[:, None]

if __name__ == "__main__":
    import jax
    _d = setup_inputs()
    print(jax.jit(kernel)(*tuple(_d.values())))

</pallas_src>

<mosaic_0001>
#map = affine_map<(d0, d1) -> (0)>
module attributes {stable_mosaic.version = 14 : i64} {
  func.func @degree(%arg0: i32, %arg1: i32, %arg2: memref<321536xi32, #tpu.memory_space<hbm>>, %arg3: memref<323584xf32, #tpu.memory_space<hbm>>, %arg4: memref<10112xf32, #tpu.memory_space<vmem>>, %arg5: memref<10048xi32, #tpu.memory_space<vmem>>) attributes {dimension_semantics = [#tpu.dimension_semantics<core_parallel>, #tpu.dimension_semantics<subcore_parallel>], iteration_bounds = array<i64: 2, 16>, scalar_prefetch = 0 : i64, scratch_operands = 2 : i64, tpu.core_type = #tpu.core_type<sc_vector_subcore>, window_params = [{transform_indices = #map}, {transform_indices = #map}]} {
    %mul3A = arith.constant 2 : i32
    %mul3A_0 = arith.muli %arg1, %mul3A : i32
    %add3A = arith.addi %mul3A_0, %arg0 : i32
    %mul3A_1 = arith.constant 10048 : i32
    %mul3A_2 = arith.muli %add3A, %mul3A_1 : i32
    %multiple_of3A = tpu.assume_multiple %mul3A_2, 8 : i32
    "tpu.region"() ({
      %run_scoped3A = tpu.sem_alloc : memref<!tpu.dma_semaphore, #tpu.memory_space<semaphore_mem>>
      %dma_start3A = tpu.memref_slice %arg2[%multiple_of3A] : memref<321536xi32, #tpu.memory_space<hbm>> -> memref<10048xi32, #tpu.memory_space<hbm>>
      %dma_start3A_15 = tpu.memref_slice %arg2[%multiple_of3A] : memref<321536xi32, #tpu.memory_space<hbm>> -> memref<10048xi32, #tpu.memory_space<hbm>>
      tpu.enqueue_dma source(%dma_start3A_15 : memref<10048xi32, #tpu.memory_space<hbm>>) target(%arg5 : memref<10048xi32, #tpu.memory_space<vmem>>) target_semaphore(%run_scoped3A : memref<!tpu.dma_semaphore, #tpu.memory_space<semaphore_mem>>)
      %dma_wait3A = tpu.memref_slice %arg2[%multiple_of3A] : memref<321536xi32, #tpu.memory_space<hbm>> -> memref<10048xi32, #tpu.memory_space<hbm>>
      %dma_wait3A_16 = tpu.memref_slice %arg2[%multiple_of3A] : memref<321536xi32, #tpu.memory_space<hbm>> -> memref<10048xi32, #tpu.memory_space<hbm>>
      tpu.wait_dma2 semaphore(%run_scoped3A : memref<!tpu.dma_semaphore, #tpu.memory_space<semaphore_mem>>) src(%dma_wait3A_16 : memref<10048xi32, #tpu.memory_space<hbm>>) dst(%arg5 : memref<10048xi32, #tpu.memory_space<vmem>>)
      tpu.yield
    }) : () -> ()
    %broadcast_in_dim3A = arith.constant 0.000000e+00 : f32
    %broadcast_in_dim3A_3 = vector.broadcast %broadcast_in_dim3A : f32 to vector<16xf32>
    %scan3A = arith.constant 0 : i32
    %scan3A_4 = arith.constant 632 : i32
    %scan3A_5 = arith.addi %scan3A, %scan3A_4 : i32
    %scan3A_6 = arith.constant 1 : i32
    scf.for %scan3A_15 = %scan3A to %scan3A_5 step %scan3A_6  : i32 {
      %mul3A_16 = arith.constant 16 : i32
      %mul3A_17 = arith.muli %scan3A_15, %mul3A_16 : i32
      %add3A_18 = arith.constant 0 : i32
      %add3A_19 = arith.addi %add3A_18, %mul3A_17 : i32
      %swap3A = arith.index_cast %add3A_19 : i32 to index
      %swap3A_20 = tpu.vector_load %arg4[%swap3A] {strides = array<i32>} : memref<10112xf32, #tpu.memory_space<vmem>>, vector<16xf32>,
      tpu.vector_store %arg4[%swap3A], %broadcast_in_dim3A_3 {strides = array<i32>} : memref<10112xf32, #tpu.memory_space<vmem>>, vector<16xf32>,
    }
    %scan3A_7 = arith.constant 632 : i32
    %broadcast_in_dim3A_8 = arith.constant 1.000000e+00 : f32
    %broadcast_in_dim3A_9 = vector.broadcast %broadcast_in_dim3A_8 : f32 to vector<16xf32>
    %parallel_loop3A = arith.constant 0 : i32
    %parallel_loop3A_10 = arith.constant 628 : i32
    %parallel_loop3A_11 = arith.constant 1 : i32
    scf.for %parallel_loop3A_15 = %parallel_loop3A to %parallel_loop3A_10 step %parallel_loop3A_11  : i32 {
      %parallel_loop3A_16 = arith.constant 16 : i32
      %parallel_loop3A_17 = arith.muli %parallel_loop3A_15, %parallel_loop3A_16 : i32
      %parallel_loop3A_18 = arith.index_cast %parallel_loop3A_17 : i32 to index
      %parallel_loop3A_19 = tpu.vector_load %arg5[%parallel_loop3A_18] {strides = array<i32>} : memref<10048xi32, #tpu.memory_space<vmem>>, vector<16xi32>,
      tpu.vector_store_idx %arg4[%parallel_loop3A_19], %broadcast_in_dim3A_9 {add = true} : memref<10112xf32, #tpu.memory_space<vmem>>[vector<16xi32>], vector<16xf32>,
    } {sc.loop_unroll_factor = 1 : i64, sc.parallel_access}
    %mul3A_12 = arith.constant 10112 : i32
    %mul3A_13 = arith.muli %add3A, %mul3A_12 : i32
    %multiple_of3A_14 = tpu.assume_multiple %mul3A_13, 8 : i32
    "tpu.region"() ({
      %run_scoped3A = tpu.sem_alloc : memref<!tpu.dma_semaphore, #tpu.memory_space<semaphore_mem>>
      %dma_start3A = tpu.memref_slice %arg3[%multiple_of3A_14] : memref<323584xf32, #tpu.memory_space<hbm>> -> memref<10112xf32, #tpu.memory_space<hbm>>
      %dma_start3A_15 = tpu.memref_slice %arg3[%multiple_of3A_14] : memref<323584xf32, #tpu.memory_space<hbm>> -> memref<10112xf32, #tpu.memory_space<hbm>>
      tpu.enqueue_dma source(%arg4 : memref<10112xf32, #tpu.memory_space<vmem>>) target(%dma_start3A_15 : memref<10112xf32, #tpu.memory_space<hbm>>) target_semaphore(%run_scoped3A : memref<!tpu.dma_semaphore, #tpu.memory_space<semaphore_mem>>)
      %dma_wait3A = tpu.memref_slice %arg3[%multiple_of3A_14] : memref<323584xf32, #tpu.memory_space<hbm>> -> memref<10112xf32, #tpu.memory_space<hbm>>
      %dma_wait3A_16 = tpu.memref_slice %arg3[%multiple_of3A_14] : memref<323584xf32, #tpu.memory_space<hbm>> -> memref<10112xf32, #tpu.memory_space<hbm>>
      tpu.wait_dma2 semaphore(%run_scoped3A : memref<!tpu.dma_semaphore, #tpu.memory_space<semaphore_mem>>) src(%arg4 : memref<10112xf32, #tpu.memory_space<vmem>>) dst(%dma_wait3A_16 : memref<10112xf32, #tpu.memory_space<hbm>>)
      tpu.yield
    }) : () -> ()
    return
  }
}

#map = affine_map<(d0, d1) -> (0)>
module attributes {stable_mosaic.version = 14 : i64} {
  func.func @agg(%arg0: i32, %arg1: i32, %arg2: memref<1294336xf32, #tpu.memory_space<hbm>>, %arg3: memref<321536xi32, #tpu.memory_space<hbm>>, %arg4: memref<321536xi32, #tpu.memory_space<hbm>>, %arg5: memref<1294336xf32, #tpu.memory_space<hbm>>, %arg6: memref<40448xf32, #tpu.memory_space<vmem>>, %arg7: memref<40448xf32, #tpu.memory_space<vmem>>, %arg8: memref<2048xi32, #tpu.memory_space<vmem>>, %arg9: memref<2048xi32, #tpu.memory_space<vmem>>, %arg10: memref<2048xi32, #tpu.memory_space<vmem>>, %arg11: memref<2048xi32, #tpu.memory_space<vmem>>) attributes {dimension_semantics = [#tpu.dimension_semantics<core_parallel>, #tpu.dimension_semantics<subcore_parallel>], iteration_bounds = array<i64: 2, 16>, scalar_prefetch = 0 : i64, scratch_operands = 6 : i64, tpu.core_type = #tpu.core_type<sc_vector_subcore>, window_params = [{transform_indices = #map}, {transform_indices = #map}, {transform_indices = #map}, {transform_indices = #map}]} {
    %mul3A = arith.constant 2 : i32
    %mul3A_0 = arith.muli %arg1, %mul3A : i32
    %add3A = arith.addi %mul3A_0, %arg0 : i32
    %mul3A_1 = arith.constant 40448 : i32
    %mul3A_2 = arith.muli %add3A, %mul3A_1 : i32
    %multiple_of3A = tpu.assume_multiple %mul3A_2, 8 : i32
    "tpu.region"() ({
      %run_scoped3A = tpu.sem_alloc : memref<!tpu.dma_semaphore, #tpu.memory_space<semaphore_mem>>
      %dma_start3A = tpu.memref_slice %arg2[%multiple_of3A] : memref<1294336xf32, #tpu.memory_space<hbm>> -> memref<40448xf32, #tpu.memory_space<hbm>>
      %dma_start3A_8 = tpu.memref_slice %arg2[%multiple_of3A] : memref<1294336xf32, #tpu.memory_space<hbm>> -> memref<40448xf32, #tpu.memory_space<hbm>>
      tpu.enqueue_dma source(%dma_start3A_8 : memref<40448xf32, #tpu.memory_space<hbm>>) target(%arg6 : memref<40448xf32, #tpu.memory_space<vmem>>) target_semaphore(%run_scoped3A : memref<!tpu.dma_semaphore, #tpu.memory_space<semaphore_mem>>)
      %dma_wait3A = tpu.memref_slice %arg2[%multiple_of3A] : memref<1294336xf32, #tpu.memory_space<hbm>> -> memref<40448xf32, #tpu.memory_space<hbm>>
      %dma_wait3A_9 = tpu.memref_slice %arg2[%multiple_of3A] : memref<1294336xf32, #tpu.memory_space<hbm>> -> memref<40448xf32, #tpu.memory_space<hbm>>
      tpu.wait_dma2 semaphore(%run_scoped3A : memref<!tpu.dma_semaphore, #tpu.memory_space<semaphore_mem>>) src(%dma_wait3A_9 : memref<40448xf32, #tpu.memory_space<hbm>>) dst(%arg6 : memref<40448xf32, #tpu.memory_space<vmem>>)
      tpu.yield
    }) : () -> ()
    %broadcast_in_dim3A = arith.constant 0.000000e+00 : f32
    %broadcast_in_dim3A_3 = vector.broadcast %broadcast_in_dim3A : f32 to vector<16xf32>
    %scan3A = arith.constant 0 : i32
    %scan3A_4 = arith.constant 2528 : i32
    %scan3A_5 = arith.addi %scan3A, %scan3A_4 : i32
    %scan3A_6 = arith.constant 1 : i32
    scf.for %scan3A_8 = %scan3A to %scan3A_5 step %scan3A_6  : i32 {
      %mul3A_9 = arith.constant 16 : i32
      %mul3A_10 = arith.muli %scan3A_8, %mul3A_9 : i32
      %add3A_11 = arith.constant 0 : i32
      %add3A_12 = arith.addi %add3A_11, %mul3A_10 : i32
      %swap3A = arith.index_cast %add3A_12 : i32 to index
      %swap3A_13 = tpu.vector_load %arg7[%swap3A] {strides = array<i32>} : memref<40448xf32, #tpu.memory_space<vmem>>, vector<16xf32>,
      tpu.vector_store %arg7[%swap3A], %broadcast_in_dim3A_3 {strides = array<i32>} : memref<40448xf32, #tpu.memory_space<vmem>>, vector<16xf32>,
    }
    %scan3A_7 = arith.constant 2528 : i32
    "tpu.region"() ({
      %run_scoped3A = tpu.sem_alloc : memref<!tpu.dma_semaphore, #tpu.memory_space<semaphore_mem>>
      %run_scoped3A_8 = tpu.sem_alloc : memref<!tpu.dma_semaphore, #tpu.memory_space<semaphore_mem>>
      %run_scoped3A_9 = tpu.sem_alloc : memref<!tpu.dma_semaphore, #tpu.memory_space<semaphore_mem>>
      %run_scoped3A_10 = tpu.sem_alloc : memref<!tpu.dma_semaphore, #tpu.memory_space<semaphore_mem>>
      %multiple_of3A_11 = arith.constant 0 : i32
      %multiple_of3A_12 = tpu.assume_multiple %multiple_of3A_11, 8 : i32
      %dma_start3A = tpu.memref_slice %arg3[%multiple_of3A_12] : memref<321536xi32, #tpu.memory_space<hbm>> -> memref<2048xi32, #tpu.memory_space<hbm>>
      %dma_start3A_13 = tpu.memref_slice %arg3[%multiple_of3A_12] : memref<321536xi32, #tpu.memory_space<hbm>> -> memref<2048xi32, #tpu.memory_space<hbm>>
      tpu.enqueue_dma source(%dma_start3A_13 : memref<2048xi32, #tpu.memory_space<hbm>>) target(%arg8 : memref<2048xi32, #tpu.memory_space<vmem>>) target_semaphore(%run_scoped3A_9 : memref<!tpu.dma_semaphore, #tpu.memory_space<semaphore_mem>>)
      %dma_start3A_14 = tpu.memref_slice %arg4[%multiple_of3A_12] : memref<321536xi32, #tpu.memory_space<hbm>> -> memref<2048xi32, #tpu.memory_space<hbm>>
      %dma_start3A_15 = tpu.memref_slice %arg4[%multiple_of3A_12] : memref<321536xi32, #tpu.memory_space<hbm>> -> memref<2048xi32, #tpu.memory_space<hbm>>
      tpu.enqueue_dma source(%dma_start3A_15 : memref<2048xi32, #tpu.memory_space<hbm>>) target(%arg10 : memref<2048xi32, #tpu.memory_space<vmem>>) target_semaphore(%run_scoped3A : memref<!tpu.dma_semaphore, #tpu.memory_space<semaphore_mem>>)
      %scan3A_16 = arith.constant 0 : i32
      %scan3A_17 = arith.constant 78 : i32
      %scan3A_18 = arith.addi %scan3A_16, %scan3A_17 : i32
      %scan3A_19 = arith.constant 1 : i32
      scf.for %scan3A_28 = %scan3A_16 to %scan3A_18 step %scan3A_19  : i32 {
        %mul3A_29 = arith.constant 1 : i32
        %mul3A_30 = arith.muli %scan3A_28, %mul3A_29 : i32
        %add3A_31 = arith.constant 0 : i32
        %add3A_32 = arith.addi %add3A_31, %mul3A_30 : i32
        %mul3A_33 = arith.constant 2 : i32
        %mul3A_34 = arith.muli %add3A_32, %mul3A_33 : i32
        %add3A_35 = arith.constant 0 : i32
        %add3A_36 = arith.addi %mul3A_34, %add3A_35 : i32
        %add3A_37 = arith.constant 1 : i32
        %add3A_38 = arith.addi %add3A_36, %add3A_37 : i32
        %mul3A_39 = arith.constant 2048 : i32
        %mul3A_40 = arith.muli %add3A_38, %mul3A_39 : i32
        %multiple_of3A_41 = tpu.assume_multiple %mul3A_40, 8 : i32
        %dma_start3A_42 = tpu.memref_slice %arg3[%multiple_of3A_41] : memref<321536xi32, #tpu.memory_space<hbm>> -> memref<2048xi32, #tpu.memory_space<hbm>>
        %dma_start3A_43 = tpu.memref_slice %arg3[%multiple_of3A_41] : memref<321536xi32, #tpu.memory_space<hbm>> -> memref<2048xi32, #tpu.memory_space<hbm>>
        tpu.enqueue_dma source(%dma_start3A_43 : memref<2048xi32, #tpu.memory_space<hbm>>) target(%arg9 : memref<2048xi32, #tpu.memory_space<vmem>>) target_semaphore(%run_scoped3A_10 : memref<!tpu.dma_semaphore, #tpu.memory_space<semaphore_mem>>)
        %dma_start3A_44 = tpu.memref_slice %arg4[%multiple_of3A_41] : memref<321536xi32, #tpu.memory_space<hbm>> -> memref<2048xi32, #tpu.memory_space<hbm>>
        %dma_start3A_45 = tpu.memref_slice %arg4[%multiple_of3A_41] : memref<321536xi32, #tpu.memory_space<hbm>> -> memref<2048xi32, #tpu.memory_space<hbm>>
        tpu.enqueue_dma source(%dma_start3A_45 : memref<2048xi32, #tpu.memory_space<hbm>>) target(%arg11 : memref<2048xi32, #tpu.memory_space<vmem>>) target_semaphore(%run_scoped3A_8 : memref<!tpu.dma_semaphore, #tpu.memory_space<semaphore_mem>>)
        %mul3A_46 = arith.constant 2048 : i32
        %mul3A_47 = arith.muli %add3A_36, %mul3A_46 : i32
        %multiple_of3A_48 = tpu.assume_multiple %mul3A_47, 8 : i32
        %dma_wait3A_49 = tpu.memref_slice %arg3[%multiple_of3A_48] : memref<321536xi32, #tpu.memory_space<hbm>> -> memref<2048xi32, #tpu.memory_space<hbm>>
        %dma_wait3A_50 = tpu.memref_slice %arg3[%multiple_of3A_48] : memref<321536xi32, #tpu.memory_space<hbm>> -> memref<2048xi32, #tpu.memory_space<hbm>>
        tpu.wait_dma2 semaphore(%run_scoped3A_9 : memref<!tpu.dma_semaphore, #tpu.memory_space<semaphore_mem>>) src(%dma_wait3A_50 : memref<2048xi32, #tpu.memory_space<hbm>>) dst(%arg8 : memref<2048xi32, #tpu.memory_space<vmem>>)
        %dma_wait3A_51 = tpu.memref_slice %arg4[%multiple_of3A_48] : memref<321536xi32, #tpu.memory_space<hbm>> -> memref<2048xi32, #tpu.memory_space<hbm>>
        %dma_wait3A_52 = tpu.memref_slice %arg4[%multiple_of3A_48] : memref<321536xi32, #tpu.memory_space<hbm>> -> memref<2048xi32, #tpu.memory_space<hbm>>
        tpu.wait_dma2 semaphore(%run_scoped3A : memref<!tpu.dma_semaphore, #tpu.memory_space<semaphore_mem>>) src(%dma_wait3A_52 : memref<2048xi32, #tpu.memory_space<hbm>>) dst(%arg10 : memref<2048xi32, #tpu.memory_space<vmem>>)
        %parallel_loop3A_53 = arith.constant 0 : i32
        %parallel_loop3A_54 = arith.constant 128 : i32
        %parallel_loop3A_55 = arith.constant 1 : i32
        scf.for %parallel_loop3A_79 = %parallel_loop3A_53 to %parallel_loop3A_54 step %parallel_loop3A_55  : i32 {
          %parallel_loop3A_80 = arith.constant 16 : i32
          %parallel_loop3A_81 = arith.muli %parallel_loop3A_79, %parallel_loop3A_80 : i32
          %parallel_loop3A_82 = arith.index_cast %parallel_loop3A_81 : i32 to index
          %parallel_loop3A_83 = tpu.vector_load %arg8[%parallel_loop3A_82] {strides = array<i32>} : memref<2048xi32, #tpu.memory_space<vmem>>, vector<16xi32>,
          %parallel_loop3A_84 = arith.constant 16 : i32
          %parallel_loop3A_85 = arith.muli %parallel_loop3A_79, %parallel_loop3A_84 : i32
          %parallel_loop3A_86 = arith.index_cast %parallel_loop3A_85 : i32 to index
          %parallel_loop3A_87 = tpu.vector_load %arg10[%parallel_loop3A_86] {strides = array<i32>} : memref<2048xi32, #tpu.memory_space<vmem>>, vector<16xi32>,
          %parallel_loop3A_88 = arith.constant 0 : i32
          %parallel_loop3A_89 = vector.broadcast %parallel_loop3A_88 : i32 to vector<16xi32>
          %parallel_loop3A_90 = arith.addi %parallel_loop3A_83, %parallel_loop3A_89 : vector<16xi32>
          %parallel_loop3A_91 = tpu.vector_load_idx %arg6[%parallel_loop3A_90] : memref<40448xf32, #tpu.memory_space<vmem>>[vector<16xi32>], vector<16xf32>,
          %parallel_loop3A_92 = arith.constant 0 : i32
          %parallel_loop3A_93 = vector.broadcast %parallel_loop3A_92 : i32 to vector<16xi32>
          %parallel_loop3A_94 = arith.addi %parallel_loop3A_87, %parallel_loop3A_93 : vector<16xi32>
          tpu.vector_store_idx %arg7[%parallel_loop3A_94], %parallel_loop3A_91 {add = true} : memref<40448xf32, #tpu.memory_space<vmem>>[vector<16xi32>], vector<16xf32>,
          %parallel_loop3A_95 = arith.constant 10112 : i32
          %parallel_loop3A_96 = vector.broadcast %parallel_loop3A_95 : i32 to vector<16xi32>
          %parallel_loop3A_97 = arith.addi %parallel_loop3A_83, %parallel_loop3A_96 : vector<16xi32>
          %parallel_loop3A_98 = tpu.vector_load_idx %arg6[%parallel_loop3A_97] : memref<40448xf32, #tpu.memory_space<vmem>>[vector<16xi32>], vector<16xf32>,
          %parallel_loop3A_99 = arith.constant 10112 : i32
          %parallel_loop3A_100 = vector.broadcast %parallel_loop3A_99 : i32 to vector<16xi32>
          %parallel_loop3A_101 = arith.addi %parallel_loop3A_87, %parallel_loop3A_100 : vector<16xi32>
          tpu.vector_store_idx %arg7[%parallel_loop3A_101], %parallel_loop3A_98 {add = true} : memref<40448xf32, #tpu.memory_space<vmem>>[vector<16xi32>], vector<16xf32>,
          %parallel_loop3A_102 = arith.constant 20224 : i32
          %parallel_loop3A_103 = vector.broadcast %parallel_loop3A_102 : i32 to vector<16xi32>
          %parallel_loop3A_104 = arith.addi %parallel_loop3A_83, %parallel_loop3A_103 : vector<16xi32>
          %parallel_loop3A_105 = tpu.vector_load_idx %arg6[%parallel_loop3A_104] : memref<40448xf32, #tpu.memory_space<vmem>>[vector<16xi32>], vector<16xf32>,
          %parallel_loop3A_106 = arith.constant 20224 : i32
          %parallel_loop3A_107 = vector.broadcast %parallel_loop3A_106 : i32 to vector<16xi32>
          %parallel_loop3A_108 = arith.addi %parallel_loop3A_87, %parallel_loop3A_107 : vector<16xi32>
          tpu.vector_store_idx %arg7[%parallel_loop3A_108], %parallel_loop3A_105 {add = true} : memref<40448xf32, #tpu.memory_space<vmem>>[vector<16xi32>], vector<16xf32>,
          %parallel_loop3A_109 = arith.constant 30336 : i32
          %parallel_loop3A_110 = vector.broadcast %parallel_loop3A_109 : i32 to vector<16xi32>
          %parallel_loop3A_111 = arith.addi %parallel_loop3A_83, %parallel_loop3A_110 : vector<16xi32>
          %parallel_loop3A_112 = tpu.vector_load_idx %arg6[%parallel_loop3A_111] : memref<40448xf32, #tpu.memory_space<vmem>>[vector<16xi32>], vector<16xf32>,
          %parallel_loop3A_113 = arith.constant 30336 : i32
          %parallel_loop3A_114 = vector.broadcast %parallel_loop3A_113 : i32 to vector<16xi32>
          %parallel_loop3A_115 = arith.addi %parallel_loop3A_87, %parallel_loop3A_114 : vector<16xi32>
          tpu.vector_store_idx %arg7[%parallel_loop3A_115], %parallel_loop3A_112 {add = true} : memref<40448xf32, #tpu.memory_space<vmem>>[vector<16xi32>], vector<16xf32>,
        } {sc.loop_unroll_factor = 1 : i64, sc.parallel_access}
        %mul3A_56 = arith.constant 2 : i32
        %mul3A_57 = arith.muli %add3A_32, %mul3A_56 : i32
        %add3A_58 = arith.constant 1 : i32
        %add3A_59 = arith.addi %mul3A_57, %add3A_58 : i32
        %add3A_60 = arith.constant 1 : i32
        %add3A_61 = arith.addi %add3A_59, %add3A_60 : i32
        %mul3A_62 = arith.constant 2048 : i32
        %mul3A_63 = arith.muli %add3A_61, %mul3A_62 : i32
        %multiple_of3A_64 = tpu.assume_multiple %mul3A_63, 8 : i32
        %dma_start3A_65 = tpu.memref_slice %arg3[%multiple_of3A_64] : memref<321536xi32, #tpu.memory_space<hbm>> -> memref<2048xi32, #tpu.memory_space<hbm>>
        %dma_start3A_66 = tpu.memref_slice %arg3[%multiple_of3A_64] : memref<321536xi32, #tpu.memory_space<hbm>> -> memref<2048xi32, #tpu.memory_space<hbm>>
        tpu.enqueue_dma source(%dma_start3A_66 : memref<2048xi32, #tpu.memory_space<hbm>>) target(%arg8 : memref<2048xi32, #tpu.memory_space<vmem>>) target_semaphore(%run_scoped3A_9 : memref<!tpu.dma_semaphore, #tpu.memory_space<semaphore_mem>>)
        %dma_start3A_67 = tpu.memref_slice %arg4[%multiple_of3A_64] : memref<321536xi32, #tpu.memory_space<hbm>> -> memref<2048xi32, #tpu.memory_space<hbm>>
        %dma_start3A_68 = tpu.memref_slice %arg4[%multiple_of3A_64] : memref<321536xi32, #tpu.memory_space<hbm>> -> memref<2048xi32, #tpu.memory_space<hbm>>
        tpu.enqueue_dma source(%dma_start3A_68 : memref<2048xi32, #tpu.memory_space<hbm>>) target(%arg10 : memref<2048xi32, #tpu.memory_space<vmem>>) target_semaphore(%run_scoped3A : memref<!tpu.dma_semaphore, #tpu.memory_space<semaphore_mem>>)
        %mul3A_69 = arith.constant 2048 : i32
        %mul3A_70 = arith.muli %add3A_59, %mul3A_69 : i32
        %multiple_of3A_71 = tpu.assume_multiple %mul3A_70, 8 : i32
        %dma_wait3A_72 = tpu.memref_slice %arg3[%multiple_of3A_71] : memref<321536xi32, #tpu.memory_space<hbm>> -> memref<2048xi32, #tpu.memory_space<hbm>>
        %dma_wait3A_73 = tpu.memref_slice %arg3[%multiple_of3A_71] : memref<321536xi32, #tpu.memory_space<hbm>> -> memref<2048xi32, #tpu.memory_space<hbm>>
        tpu.wait_dma2 semaphore(%run_scoped3A_10 : memref<!tpu.dma_semaphore, #tpu.memory_space<semaphore_mem>>) src(%dma_wait3A_73 : memref<2048xi32, #tpu.memory_space<hbm>>) dst(%arg9 : memref<2048xi32, #tpu.memory_space<vmem>>)
        %dma_wait3A_74 = tpu.memref_slice %arg4[%multiple_of3A_71] : memref<321536xi32, #tpu.memory_space<hbm>> -> memref<2048xi32, #tpu.memory_space<hbm>>
        %dma_wait3A_75 = tpu.memref_slice %arg4[%multiple_of3A_71] : memref<321536xi32, #tpu.memory_space<hbm>> -> memref<2048xi32, #tpu.memory_space<hbm>>
        tpu.wait_dma2 semaphore(%run_scoped3A_8 : memref<!tpu.dma_semaphore, #tpu.memory_space<semaphore_mem>>) src(%dma_wait3A_75 : memref<2048xi32, #tpu.memory_space<hbm>>) dst(%arg11 : memref<2048xi32, #tpu.memory_space<vmem>>)
        %parallel_loop3A_76 = arith.constant 0 : i32
        %parallel_loop3A_77 = arith.constant 128 : i32
        %parallel_loop3A_78 = arith.constant 1 : i32
        scf.for %parallel_loop3A_79 = %parallel_loop3A_76 to %parallel_loop3A_77 step %parallel_loop3A_78  : i32 {
          %parallel_loop3A_80 = arith.constant 16 : i32
          %parallel_loop3A_81 = arith.muli %parallel_loop3A_79, %parallel_loop3A_80 : i32
          %parallel_loop3A_82 = arith.index_cast %parallel_loop3A_81 : i32 to index
          %parallel_loop3A_83 = tpu.vector_load %arg9[%parallel_loop3A_82] {strides = array<i32>} : memref<2048xi32, #tpu.memory_space<vmem>>, vector<16xi32>,
          %parallel_loop3A_84 = arith.constant 16 : i32
          %parallel_loop3A_85 = arith.muli %parallel_loop3A_79, %parallel_loop3A_84 : i32
          %parallel_loop3A_86 = arith.index_cast %parallel_loop3A_85 : i32 to index
          %parallel_loop3A_87 = tpu.vector_load %arg11[%parallel_loop3A_86] {strides = array<i32>} : memref<2048xi32, #tpu.memory_space<vmem>>, vector<16xi32>,
          %parallel_loop3A_88 = arith.constant 0 : i32
          %parallel_loop3A_89 = vector.broadcast %parallel_loop3A_88 : i32 to vector<16xi32>
          %parallel_loop3A_90 = arith.addi %parallel_loop3A_83, %parallel_loop3A_89 : vector<16xi32>
          %parallel_loop3A_91 = tpu.vector_load_idx %arg6[%parallel_loop3A_90] : memref<40448xf32, #tpu.memory_space<vmem>>[vector<16xi32>], vector<16xf32>,
          %parallel_loop3A_92 = arith.constant 0 : i32
          %parallel_loop3A_93 = vector.broadcast %parallel_loop3A_92 : i32 to vector<16xi32>
          %parallel_loop3A_94 = arith.addi %parallel_loop3A_87, %parallel_loop3A_93 : vector<16xi32>
          tpu.vector_store_idx %arg7[%parallel_loop3A_94], %parallel_loop3A_91 {add = true} : memref<40448xf32, #tpu.memory_space<vmem>>[vector<16xi32>], vector<16xf32>,
          %parallel_loop3A_95 = arith.constant 10112 : i32
          %parallel_loop3A_96 = vector.broadcast %parallel_loop3A_95 : i32 to vector<16xi32>
          %parallel_loop3A_97 = arith.addi %parallel_loop3A_83, %parallel_loop3A_96 : vector<16xi32>
          %parallel_loop3A_98 = tpu.vector_load_idx %arg6[%parallel_loop3A_97] : memref<40448xf32, #tpu.memory_space<vmem>>[vector<16xi32>], vector<16xf32>,
          %parallel_loop3A_99 = arith.constant 10112 : i32
          %parallel_loop3A_100 = vector.broadcast %parallel_loop3A_99 : i32 to vector<16xi32>
          %parallel_loop3A_101 = arith.addi %parallel_loop3A_87, %parallel_loop3A_100 : vector<16xi32>
          tpu.vector_store_idx %arg7[%parallel_loop3A_101], %parallel_loop3A_98 {add = true} : memref<40448xf32, #tpu.memory_space<vmem>>[vector<16xi32>], vector<16xf32>,
          %parallel_loop3A_102 = arith.constant 20224 : i32
          %parallel_loop3A_103 = vector.broadcast %parallel_loop3A_102 : i32 to vector<16xi32>
          %parallel_loop3A_104 = arith.addi %parallel_loop3A_83, %parallel_loop3A_103 : vector<16xi32>
          %parallel_loop3A_105 = tpu.vector_load_idx %arg6[%parallel_loop3A_104] : memref<40448xf32, #tpu.memory_space<vmem>>[vector<16xi32>], vector<16xf32>,
          %parallel_loop3A_106 = arith.constant 20224 : i32
          %parallel_loop3A_107 = vector.broadcast %parallel_loop3A_106 : i32 to vector<16xi32>
          %parallel_loop3A_108 = arith.addi %parallel_loop3A_87, %parallel_loop3A_107 : vector<16xi32>
          tpu.vector_store_idx %arg7[%parallel_loop3A_108], %parallel_loop3A_105 {add = true} : memref<40448xf32, #tpu.memory_space<vmem>>[vector<16xi32>], vector<16xf32>,
          %parallel_loop3A_109 = arith.constant 30336 : i32
          %parallel_loop3A_110 = vector.broadcast %parallel_loop3A_109 : i32 to vector<16xi32>
          %parallel_loop3A_111 = arith.addi %parallel_loop3A_83, %parallel_loop3A_110 : vector<16xi32>
          %parallel_loop3A_112 = tpu.vector_load_idx %arg6[%parallel_loop3A_111] : memref<40448xf32, #tpu.memory_space<vmem>>[vector<16xi32>], vector<16xf32>,
          %parallel_loop3A_113 = arith.constant 30336 : i32
          %parallel_loop3A_114 = vector.broadcast %parallel_loop3A_113 : i32 to vector<16xi32>
          %parallel_loop3A_115 = arith.addi %parallel_loop3A_87, %parallel_loop3A_114 : vector<16xi32>
          tpu.vector_store_idx %arg7[%parallel_loop3A_115], %parallel_loop3A_112 {add = true} : memref<40448xf32, #tpu.memory_space<vmem>>[vector<16xi32>], vector<16xf32>,
        } {sc.loop_unroll_factor = 1 : i64, sc.parallel_access}
      }
      %scan3A_20 = arith.constant 78 : i32
      %multiple_of3A_21 = arith.constant 319488 : i32
      %multiple_of3A_22 = tpu.assume_multiple %multiple_of3A_21, 8 : i32
      %dma_wait3A = tpu.memref_slice %arg3[%multiple_of3A_22] : memref<321536xi32, #tpu.memory_space<hbm>> -> memref<2048xi32, #tpu.memory_space<hbm>>
      %dma_wait3A_23 = tpu.memref_slice %arg3[%multiple_of3A_22] : memref<321536xi32, #tpu.memory_space<hbm>> -> memref<2048xi32, #tpu.memory_space<hbm>>
      tpu.wait_dma2 semaphore(%run_scoped3A_9 : memref<!tpu.dma_semaphore, #tpu.memory_space<semaphore_mem>>) src(%dma_wait3A_23 : memref<2048xi32, #tpu.memory_space<hbm>>) dst(%arg8 : memref<2048xi32, #tpu.memory_space<vmem>>)
      %dma_wait3A_24 = tpu.memref_slice %arg4[%multiple_of3A_22] : memref<321536xi32, #tpu.memory_space<hbm>> -> memref<2048xi32, #tpu.memory_space<hbm>>
      %dma_wait3A_25 = tpu.memref_slice %arg4[%multiple_of3A_22] : memref<321536xi32, #tpu.memory_space<hbm>> -> memref<2048xi32, #tpu.memory_space<hbm>>
      tpu.wait_dma2 semaphore(%run_scoped3A : memref<!tpu.dma_semaphore, #tpu.memory_space<semaphore_mem>>) src(%dma_wait3A_25 : memref<2048xi32, #tpu.memory_space<hbm>>) dst(%arg10 : memref<2048xi32, #tpu.memory_space<vmem>>)
      %parallel_loop3A = arith.constant 0 : i32
      %parallel_loop3A_26 = arith.constant 128 : i32
      %parallel_loop3A_27 = arith.constant 1 : i32
      scf.for %parallel_loop3A_28 = %parallel_loop3A to %parallel_loop3A_26 step %parallel_loop3A_27  : i32 {
        %parallel_loop3A_29 = arith.constant 16 : i32
        %parallel_loop3A_30 = arith.muli %parallel_loop3A_28, %parallel_loop3A_29 : i32
        %parallel_loop3A_31 = arith.index_cast %parallel_loop3A_30 : i32 to index
        %parallel_loop3A_32 = tpu.vector_load %arg8[%parallel_loop3A_31] {strides = array<i32>} : memref<2048xi32, #tpu.memory_space<vmem>>, vector<16xi32>,
        %parallel_loop3A_33 = arith.constant 16 : i32
        %parallel_loop3A_34 = arith.muli %parallel_loop3A_28, %parallel_loop3A_33 : i32
        %parallel_loop3A_35 = arith.index_cast %parallel_loop3A_34 : i32 to index
        %parallel_loop3A_36 = tpu.vector_load %arg10[%parallel_loop3A_35] {strides = array<i32>} : memref<2048xi32, #tpu.memory_space<vmem>>, vector<16xi32>,
        %parallel_loop3A_37 = arith.constant 0 : i32
        %parallel_loop3A_38 = vector.broadcast %parallel_loop3A_37 : i32 to vector<16xi32>
        %parallel_loop3A_39 = arith.addi %parallel_loop3A_32, %parallel_loop3A_38 : vector<16xi32>
        %parallel_loop3A_40 = tpu.vector_load_idx %arg6[%parallel_loop3A_39] : memref<40448xf32, #tpu.memory_space<vmem>>[vector<16xi32>], vector<16xf32>,
        %parallel_loop3A_41 = arith.constant 0 : i32
        %parallel_loop3A_42 = vector.broadcast %parallel_loop3A_41 : i32 to vector<16xi32>
        %parallel_loop3A_43 = arith.addi %parallel_loop3A_36, %parallel_loop3A_42 : vector<16xi32>
        tpu.vector_store_idx %arg7[%parallel_loop3A_43], %parallel_loop3A_40 {add = true} : memref<40448xf32, #tpu.memory_space<vmem>>[vector<16xi32>], vector<16xf32>,
        %parallel_loop3A_44 = arith.constant 10112 : i32
        %parallel_loop3A_45 = vector.broadcast %parallel_loop3A_44 : i32 to vector<16xi32>
        %parallel_loop3A_46 = arith.addi %parallel_loop3A_32, %parallel_loop3A_45 : vector<16xi32>
        %parallel_loop3A_47 = tpu.vector_load_idx %arg6[%parallel_loop3A_46] : memref<40448xf32, #tpu.memory_space<vmem>>[vector<16xi32>], vector<16xf32>,
        %parallel_loop3A_48 = arith.constant 10112 : i32
        %parallel_loop3A_49 = vector.broadcast %parallel_loop3A_48 : i32 to vector<16xi32>
        %parallel_loop3A_50 = arith.addi %parallel_loop3A_36, %parallel_loop3A_49 : vector<16xi32>
        tpu.vector_store_idx %arg7[%parallel_loop3A_50], %parallel_loop3A_47 {add = true} : memref<40448xf32, #tpu.memory_space<vmem>>[vector<16xi32>], vector<16xf32>,
        %parallel_loop3A_51 = arith.constant 20224 : i32
        %parallel_loop3A_52 = vector.broadcast %parallel_loop3A_51 : i32 to vector<16xi32>
        %parallel_loop3A_53 = arith.addi %parallel_loop3A_32, %parallel_loop3A_52 : vector<16xi32>
        %parallel_loop3A_54 = tpu.vector_load_idx %arg6[%parallel_loop3A_53] : memref<40448xf32, #tpu.memory_space<vmem>>[vector<16xi32>], vector<16xf32>,
        %parallel_loop3A_55 = arith.constant 20224 : i32
        %parallel_loop3A_56 = vector.broadcast %parallel_loop3A_55 : i32 to vector<16xi32>
        %parallel_loop3A_57 = arith.addi %parallel_loop3A_36, %parallel_loop3A_56 : vector<16xi32>
        tpu.vector_store_idx %arg7[%parallel_loop3A_57], %parallel_loop3A_54 {add = true} : memref<40448xf32, #tpu.memory_space<vmem>>[vector<16xi32>], vector<16xf32>,
        %parallel_loop3A_58 = arith.constant 30336 : i32
        %parallel_loop3A_59 = vector.broadcast %parallel_loop3A_58 : i32 to vector<16xi32>
        %parallel_loop3A_60 = arith.addi %parallel_loop3A_32, %parallel_loop3A_59 : vector<16xi32>
        %parallel_loop3A_61 = tpu.vector_load_idx %arg6[%parallel_loop3A_60] : memref<40448xf32, #tpu.memory_space<vmem>>[vector<16xi32>], vector<16xf32>,
        %parallel_loop3A_62 = arith.constant 30336 : i32
        %parallel_loop3A_63 = vector.broadcast %parallel_loop3A_62 : i32 to vector<16xi32>
        %parallel_loop3A_64 = arith.addi %parallel_loop3A_36, %parallel_loop3A_63 : vector<16xi32>
        tpu.vector_store_idx %arg7[%parallel_loop3A_64], %parallel_loop3A_61 {add = true} : memref<40448xf32, #tpu.memory_space<vmem>>[vector<16xi32>], vector<16xf32>,
      } {sc.loop_unroll_factor = 1 : i64, sc.parallel_access}
      tpu.yield
    }) : () -> ()
    "tpu.region"() ({
      %run_scoped3A = tpu.sem_alloc : memref<!tpu.dma_semaphore, #tpu.memory_space<semaphore_mem>>
      %dma_start3A = tpu.memref_slice %arg5[%multiple_of3A] : memref<1294336xf32, #tpu.memory_space<hbm>> -> memref<40448xf32, #tpu.memory_space<hbm>>
      %dma_start3A_8 = tpu.memref_slice %arg5[%multiple_of3A] : memref<1294336xf32, #tpu.memory_space<hbm>> -> memref<40448xf32, #tpu.memory_space<hbm>>
      tpu.enqueue_dma source(%arg7 : memref<40448xf32, #tpu.memory_space<vmem>>) target(%dma_start3A_8 : memref<40448xf32, #tpu.memory_space<hbm>>) target_semaphore(%run_scoped3A : memref<!tpu.dma_semaphore, #tpu.memory_space<semaphore_mem>>)
      %dma_wait3A = tpu.memref_slice %arg5[%multiple_of3A] : memref<1294336xf32, #tpu.memory_space<hbm>> -> memref<40448xf32, #tpu.memory_space<hbm>>
      %dma_wait3A_9 = tpu.memref_slice %arg5[%multiple_of3A] : memref<1294336xf32, #tpu.memory_space<hbm>> -> memref<40448xf32, #tpu.memory_space<hbm>>
      tpu.wait_dma2 semaphore(%run_scoped3A : memref<!tpu.dma_semaphore, #tpu.memory_space<semaphore_mem>>) src(%arg7 : memref<40448xf32, #tpu.memory_space<vmem>>) dst(%dma_wait3A_9 : memref<40448xf32, #tpu.memory_space<hbm>>)
      tpu.yield
    }) : () -> ()
    return
  }
}

#map = affine_map<(d0, d1) -> (0)>
module attributes {stable_mosaic.version = 14 : i64} {
  func.func @agg(%arg0: i32, %arg1: i32, %arg2: memref<1294336xf32, #tpu.memory_space<hbm>>, %arg3: memref<321536xi32, #tpu.memory_space<hbm>>, %arg4: memref<321536xi32, #tpu.memory_space<hbm>>, %arg5: memref<1294336xf32, #tpu.memory_space<hbm>>, %arg6: memref<40448xf32, #tpu.memory_space<vmem>>, %arg7: memref<40448xf32, #tpu.memory_space<vmem>>, %arg8: memref<2048xi32, #tpu.memory_space<vmem>>, %arg9: memref<2048xi32, #tpu.memory_space<vmem>>, %arg10: memref<2048xi32, #tpu.memory_space<vmem>>, %arg11: memref<2048xi32, #tpu.memory_space<vmem>>) attributes {dimension_semantics = [#tpu.dimension_semantics<core_parallel>, #tpu.dimension_semantics<subcore_parallel>], iteration_bounds = array<i64: 2, 16>, scalar_prefetch = 0 : i64, scratch_operands = 6 : i64, tpu.core_type = #tpu.core_type<sc_vector_subcore>, window_params = [{transform_indices = #map}, {transform_indices = #map}, {transform_indices = #map}, {transform_indices = #map}]} {
    %mul3A = arith.constant 2 : i32
    %mul3A_0 = arith.muli %arg1, %mul3A : i32
    %add3A = arith.addi %mul3A_0, %arg0 : i32
    %mul3A_1 = arith.constant 40448 : i32
    %mul3A_2 = arith.muli %add3A, %mul3A_1 : i32
    %multiple_of3A = tpu.assume_multiple %mul3A_2, 8 : i32
    "tpu.region"() ({
      %run_scoped3A = tpu.sem_alloc : memref<!tpu.dma_semaphore, #tpu.memory_space<semaphore_mem>>
      %dma_start3A = tpu.memref_slice %arg2[%multiple_of3A] : memref<1294336xf32, #tpu.memory_space<hbm>> -> memref<40448xf32, #tpu.memory_space<hbm>>
      %dma_start3A_8 = tpu.memref_slice %arg2[%multiple_of3A] : memref<1294336xf32, #tpu.memory_space<hbm>> -> memref<40448xf32, #tpu.memory_space<hbm>>
      tpu.enqueue_dma source(%dma_start3A_8 : memref<40448xf32, #tpu.memory_space<hbm>>) target(%arg6 : memref<40448xf32, #tpu.memory_space<vmem>>) target_semaphore(%run_scoped3A : memref<!tpu.dma_semaphore, #tpu.memory_space<semaphore_mem>>)
      %dma_wait3A = tpu.memref_slice %arg2[%multiple_of3A] : memref<1294336xf32, #tpu.memory_space<hbm>> -> memref<40448xf32, #tpu.memory_space<hbm>>
      %dma_wait3A_9 = tpu.memref_slice %arg2[%multiple_of3A] : memref<1294336xf32, #tpu.memory_space<hbm>> -> memref<40448xf32, #tpu.memory_space<hbm>>
      tpu.wait_dma2 semaphore(%run_scoped3A : memref<!tpu.dma_semaphore, #tpu.memory_space<semaphore_mem>>) src(%dma_wait3A_9 : memref<40448xf32, #tpu.memory_space<hbm>>) dst(%arg6 : memref<40448xf32, #tpu.memory_space<vmem>>)
      tpu.yield
    }) : () -> ()
    %broadcast_in_dim3A = arith.constant 0.000000e+00 : f32
    %broadcast_in_dim3A_3 = vector.broadcast %broadcast_in_dim3A : f32 to vector<16xf32>
    %scan3A = arith.constant 0 : i32
    %scan3A_4 = arith.constant 2528 : i32
    %scan3A_5 = arith.addi %scan3A, %scan3A_4 : i32
    %scan3A_6 = arith.constant 1 : i32
    scf.for %scan3A_8 = %scan3A to %scan3A_5 step %scan3A_6  : i32 {
      %mul3A_9 = arith.constant 16 : i32
      %mul3A_10 = arith.muli %scan3A_8, %mul3A_9 : i32
      %add3A_11 = arith.constant 0 : i32
      %add3A_12 = arith.addi %add3A_11, %mul3A_10 : i32
      %swap3A = arith.index_cast %add3A_12 : i32 to index
      %swap3A_13 = tpu.vector_load %arg7[%swap3A] {strides = array<i32>} : memref<40448xf32, #tpu.memory_space<vmem>>, vector<16xf32>,
      tpu.vector_store %arg7[%swap3A], %broadcast_in_dim3A_3 {strides = array<i32>} : memref<40448xf32, #tpu.memory_space<vmem>>, vector<16xf32>,
    }
    %scan3A_7 = arith.constant 2528 : i32
    "tpu.region"() ({
      %run_scoped3A = tpu.sem_alloc : memref<!tpu.dma_semaphore, #tpu.memory_space<semaphore_mem>>
      %run_scoped3A_8 = tpu.sem_alloc : memref<!tpu.dma_semaphore, #tpu.memory_space<semaphore_mem>>
      %run_scoped3A_9 = tpu.sem_alloc : memref<!tpu.dma_semaphore, #tpu.memory_space<semaphore_mem>>
      %run_scoped3A_10 = tpu.sem_alloc : memref<!tpu.dma_semaphore, #tpu.memory_space<semaphore_mem>>
      %multiple_of3A_11 = arith.constant 0 : i32
      %multiple_of3A_12 = tpu.assume_multiple %multiple_of3A_11, 8 : i32
      %dma_start3A = tpu.memref_slice %arg3[%multiple_of3A_12] : memref<321536xi32, #tpu.memory_space<hbm>> -> memref<2048xi32, #tpu.memory_space<hbm>>
      %dma_start3A_13 = tpu.memref_slice %arg3[%multiple_of3A_12] : memref<321536xi32, #tpu.memory_space<hbm>> -> memref<2048xi32, #tpu.memory_space<hbm>>
      tpu.enqueue_dma source(%dma_start3A_13 : memref<2048xi32, #tpu.memory_space<hbm>>) target(%arg8 : memref<2048xi32, #tpu.memory_space<vmem>>) target_semaphore(%run_scoped3A_9 : memref<!tpu.dma_semaphore, #tpu.memory_space<semaphore_mem>>)
      %dma_start3A_14 = tpu.memref_slice %arg4[%multiple_of3A_12] : memref<321536xi32, #tpu.memory_space<hbm>> -> memref<2048xi32, #tpu.memory_space<hbm>>
      %dma_start3A_15 = tpu.memref_slice %arg4[%multiple_of3A_12] : memref<321536xi32, #tpu.memory_space<hbm>> -> memref<2048xi32, #tpu.memory_space<hbm>>
      tpu.enqueue_dma source(%dma_start3A_15 : memref<2048xi32, #tpu.memory_space<hbm>>) target(%arg10 : memref<2048xi32, #tpu.memory_space<vmem>>) target_semaphore(%run_scoped3A : memref<!tpu.dma_semaphore, #tpu.memory_space<semaphore_mem>>)
      %scan3A_16 = arith.constant 0 : i32
      %scan3A_17 = arith.constant 78 : i32
      %scan3A_18 = arith.addi %scan3A_16, %scan3A_17 : i32
      %scan3A_19 = arith.constant 1 : i32
      scf.for %scan3A_28 = %scan3A_16 to %scan3A_18 step %scan3A_19  : i32 {
        %mul3A_29 = arith.constant 1 : i32
        %mul3A_30 = arith.muli %scan3A_28, %mul3A_29 : i32
        %add3A_31 = arith.constant 0 : i32
        %add3A_32 = arith.addi %add3A_31, %mul3A_30 : i32
        %mul3A_33 = arith.constant 2 : i32
        %mul3A_34 = arith.muli %add3A_32, %mul3A_33 : i32
        %add3A_35 = arith.constant 0 : i32
        %add3A_36 = arith.addi %mul3A_34, %add3A_35 : i32
        %add3A_37 = arith.constant 1 : i32
        %add3A_38 = arith.addi %add3A_36, %add3A_37 : i32
        %mul3A_39 = arith.constant 2048 : i32
        %mul3A_40 = arith.muli %add3A_38, %mul3A_39 : i32
        %multiple_of3A_41 = tpu.assume_multiple %mul3A_40, 8 : i32
        %dma_start3A_42 = tpu.memref_slice %arg3[%multiple_of3A_41] : memref<321536xi32, #tpu.memory_space<hbm>> -> memref<2048xi32, #tpu.memory_space<hbm>>
        %dma_start3A_43 = tpu.memref_slice %arg3[%multiple_of3A_41] : memref<321536xi32, #tpu.memory_space<hbm>> -> memref<2048xi32, #tpu.memory_space<hbm>>
        tpu.enqueue_dma source(%dma_start3A_43 : memref<2048xi32, #tpu.memory_space<hbm>>) target(%arg9 : memref<2048xi32, #tpu.memory_space<vmem>>) target_semaphore(%run_scoped3A_10 : memref<!tpu.dma_semaphore, #tpu.memory_space<semaphore_mem>>)
        %dma_start3A_44 = tpu.memref_slice %arg4[%multiple_of3A_41] : memref<321536xi32, #tpu.memory_space<hbm>> -> memref<2048xi32, #tpu.memory_space<hbm>>
        %dma_start3A_45 = tpu.memref_slice %arg4[%multiple_of3A_41] : memref<321536xi32, #tpu.memory_space<hbm>> -> memref<2048xi32, #tpu.memory_space<hbm>>
        tpu.enqueue_dma source(%dma_start3A_45 : memref<2048xi32, #tpu.memory_space<hbm>>) target(%arg11 : memref<2048xi32, #tpu.memory_space<vmem>>) target_semaphore(%run_scoped3A_8 : memref<!tpu.dma_semaphore, #tpu.memory_space<semaphore_mem>>)
        %mul3A_46 = arith.constant 2048 : i32
        %mul3A_47 = arith.muli %add3A_36, %mul3A_46 : i32
        %multiple_of3A_48 = tpu.assume_multiple %mul3A_47, 8 : i32
        %dma_wait3A_49 = tpu.memref_slice %arg3[%multiple_of3A_48] : memref<321536xi32, #tpu.memory_space<hbm>> -> memref<2048xi32, #tpu.memory_space<hbm>>
        %dma_wait3A_50 = tpu.memref_slice %arg3[%multiple_of3A_48] : memref<321536xi32, #tpu.memory_space<hbm>> -> memref<2048xi32, #tpu.memory_space<hbm>>
        tpu.wait_dma2 semaphore(%run_scoped3A_9 : memref<!tpu.dma_semaphore, #tpu.memory_space<semaphore_mem>>) src(%dma_wait3A_50 : memref<2048xi32, #tpu.memory_space<hbm>>) dst(%arg8 : memref<2048xi32, #tpu.memory_space<vmem>>)
        %dma_wait3A_51 = tpu.memref_slice %arg4[%multiple_of3A_48] : memref<321536xi32, #tpu.memory_space<hbm>> -> memref<2048xi32, #tpu.memory_space<hbm>>
        %dma_wait3A_52 = tpu.memref_slice %arg4[%multiple_of3A_48] : memref<321536xi32, #tpu.memory_space<hbm>> -> memref<2048xi32, #tpu.memory_space<hbm>>
        tpu.wait_dma2 semaphore(%run_scoped3A : memref<!tpu.dma_semaphore, #tpu.memory_space<semaphore_mem>>) src(%dma_wait3A_52 : memref<2048xi32, #tpu.memory_space<hbm>>) dst(%arg10 : memref<2048xi32, #tpu.memory_space<vmem>>)
        %parallel_loop3A_53 = arith.constant 0 : i32
        %parallel_loop3A_54 = arith.constant 128 : i32
        %parallel_loop3A_55 = arith.constant 1 : i32
        scf.for %parallel_loop3A_79 = %parallel_loop3A_53 to %parallel_loop3A_54 step %parallel_loop3A_55  : i32 {
          %parallel_loop3A_80 = arith.constant 16 : i32
          %parallel_loop3A_81 = arith.muli %parallel_loop3A_79, %parallel_loop3A_80 : i32
          %parallel_loop3A_82 = arith.index_cast %parallel_loop3A_81 : i32 to index
          %parallel_loop3A_83 = tpu.vector_load %arg8[%parallel_loop3A_82] {strides = array<i32>} : memref<2048xi32, #tpu.memory_space<vmem>>, vector<16xi32>,
          %parallel_loop3A_84 = arith.constant 16 : i32
          %parallel_loop3A_85 = arith.muli %parallel_loop3A_79, %parallel_loop3A_84 : i32
          %parallel_loop3A_86 = arith.index_cast %parallel_loop3A_85 : i32 to index
          %parallel_loop3A_87 = tpu.vector_load %arg10[%parallel_loop3A_86] {strides = array<i32>} : memref<2048xi32, #tpu.memory_space<vmem>>, vector<16xi32>,
          %parallel_loop3A_88 = arith.constant 0 : i32
          %parallel_loop3A_89 = vector.broadcast %parallel_loop3A_88 : i32 to vector<16xi32>
          %parallel_loop3A_90 = arith.addi %parallel_loop3A_83, %parallel_loop3A_89 : vector<16xi32>
          %parallel_loop3A_91 = tpu.vector_load_idx %arg6[%parallel_loop3A_90] : memref<40448xf32, #tpu.memory_space<vmem>>[vector<16xi32>], vector<16xf32>,
          %parallel_loop3A_92 = arith.constant 0 : i32
          %parallel_loop3A_93 = vector.broadcast %parallel_loop3A_92 : i32 to vector<16xi32>
          %parallel_loop3A_94 = arith.addi %parallel_loop3A_87, %parallel_loop3A_93 : vector<16xi32>
          tpu.vector_store_idx %arg7[%parallel_loop3A_94], %parallel_loop3A_91 {add = true} : memref<40448xf32, #tpu.memory_space<vmem>>[vector<16xi32>], vector<16xf32>,
          %parallel_loop3A_95 = arith.constant 10112 : i32
          %parallel_loop3A_96 = vector.broadcast %parallel_loop3A_95 : i32 to vector<16xi32>
          %parallel_loop3A_97 = arith.addi %parallel_loop3A_83, %parallel_loop3A_96 : vector<16xi32>
          %parallel_loop3A_98 = tpu.vector_load_idx %arg6[%parallel_loop3A_97] : memref<40448xf32, #tpu.memory_space<vmem>>[vector<16xi32>], vector<16xf32>,
          %parallel_loop3A_99 = arith.constant 10112 : i32
          %parallel_loop3A_100 = vector.broadcast %parallel_loop3A_99 : i32 to vector<16xi32>
          %parallel_loop3A_101 = arith.addi %parallel_loop3A_87, %parallel_loop3A_100 : vector<16xi32>
          tpu.vector_store_idx %arg7[%parallel_loop3A_101], %parallel_loop3A_98 {add = true} : memref<40448xf32, #tpu.memory_space<vmem>>[vector<16xi32>], vector<16xf32>,
          %parallel_loop3A_102 = arith.constant 20224 : i32
          %parallel_loop3A_103 = vector.broadcast %parallel_loop3A_102 : i32 to vector<16xi32>
          %parallel_loop3A_104 = arith.addi %parallel_loop3A_83, %parallel_loop3A_103 : vector<16xi32>
          %parallel_loop3A_105 = tpu.vector_load_idx %arg6[%parallel_loop3A_104] : memref<40448xf32, #tpu.memory_space<vmem>>[vector<16xi32>], vector<16xf32>,
          %parallel_loop3A_106 = arith.constant 20224 : i32
          %parallel_loop3A_107 = vector.broadcast %parallel_loop3A_106 : i32 to vector<16xi32>
          %parallel_loop3A_108 = arith.addi %parallel_loop3A_87, %parallel_loop3A_107 : vector<16xi32>
          tpu.vector_store_idx %arg7[%parallel_loop3A_108], %parallel_loop3A_105 {add = true} : memref<40448xf32, #tpu.memory_space<vmem>>[vector<16xi32>], vector<16xf32>,
          %parallel_loop3A_109 = arith.constant 30336 : i32
          %parallel_loop3A_110 = vector.broadcast %parallel_loop3A_109 : i32 to vector<16xi32>
          %parallel_loop3A_111 = arith.addi %parallel_loop3A_83, %parallel_loop3A_110 : vector<16xi32>
          %parallel_loop3A_112 = tpu.vector_load_idx %arg6[%parallel_loop3A_111] : memref<40448xf32, #tpu.memory_space<vmem>>[vector<16xi32>], vector<16xf32>,
          %parallel_loop3A_113 = arith.constant 30336 : i32
          %parallel_loop3A_114 = vector.broadcast %parallel_loop3A_113 : i32 to vector<16xi32>
          %parallel_loop3A_115 = arith.addi %parallel_loop3A_87, %parallel_loop3A_114 : vector<16xi32>
          tpu.vector_store_idx %arg7[%parallel_loop3A_115], %parallel_loop3A_112 {add = true} : memref<40448xf32, #tpu.memory_space<vmem>>[vector<16xi32>], vector<16xf32>,
        } {sc.loop_unroll_factor = 1 : i64, sc.parallel_access}
        %mul3A_56 = arith.constant 2 : i32
        %mul3A_57 = arith.muli %add3A_32, %mul3A_56 : i32
        %add3A_58 = arith.constant 1 : i32
        %add3A_59 = arith.addi %mul3A_57, %add3A_58 : i32
        %add3A_60 = arith.constant 1 : i32
        %add3A_61 = arith.addi %add3A_59, %add3A_60 : i32
        %mul3A_62 = arith.constant 2048 : i32
        %mul3A_63 = arith.muli %add3A_61, %mul3A_62 : i32
        %multiple_of3A_64 = tpu.assume_multiple %mul3A_63, 8 : i32
        %dma_start3A_65 = tpu.memref_slice %arg3[%multiple_of3A_64] : memref<321536xi32, #tpu.memory_space<hbm>> -> memref<2048xi32, #tpu.memory_space<hbm>>
        %dma_start3A_66 = tpu.memref_slice %arg3[%multiple_of3A_64] : memref<321536xi32, #tpu.memory_space<hbm>> -> memref<2048xi32, #tpu.memory_space<hbm>>
        tpu.enqueue_dma source(%dma_start3A_66 : memref<2048xi32, #tpu.memory_space<hbm>>) target(%arg8 : memref<2048xi32, #tpu.memory_space<vmem>>) target_semaphore(%run_scoped3A_9 : memref<!tpu.dma_semaphore, #tpu.memory_space<semaphore_mem>>)
        %dma_start3A_67 = tpu.memref_slice %arg4[%multiple_of3A_64] : memref<321536xi32, #tpu.memory_space<hbm>> -> memref<2048xi32, #tpu.memory_space<hbm>>
        %dma_start3A_68 = tpu.memref_slice %arg4[%multiple_of3A_64] : memref<321536xi32, #tpu.memory_space<hbm>> -> memref<2048xi32, #tpu.memory_space<hbm>>
        tpu.enqueue_dma source(%dma_start3A_68 : memref<2048xi32, #tpu.memory_space<hbm>>) target(%arg10 : memref<2048xi32, #tpu.memory_space<vmem>>) target_semaphore(%run_scoped3A : memref<!tpu.dma_semaphore, #tpu.memory_space<semaphore_mem>>)
        %mul3A_69 = arith.constant 2048 : i32
        %mul3A_70 = arith.muli %add3A_59, %mul3A_69 : i32
        %multiple_of3A_71 = tpu.assume_multiple %mul3A_70, 8 : i32
        %dma_wait3A_72 = tpu.memref_slice %arg3[%multiple_of3A_71] : memref<321536xi32, #tpu.memory_space<hbm>> -> memref<2048xi32, #tpu.memory_space<hbm>>
        %dma_wait3A_73 = tpu.memref_slice %arg3[%multiple_of3A_71] : memref<321536xi32, #tpu.memory_space<hbm>> -> memref<2048xi32, #tpu.memory_space<hbm>>
        tpu.wait_dma2 semaphore(%run_scoped3A_10 : memref<!tpu.dma_semaphore, #tpu.memory_space<semaphore_mem>>) src(%dma_wait3A_73 : memref<2048xi32, #tpu.memory_space<hbm>>) dst(%arg9 : memref<2048xi32, #tpu.memory_space<vmem>>)
        %dma_wait3A_74 = tpu.memref_slice %arg4[%multiple_of3A_71] : memref<321536xi32, #tpu.memory_space<hbm>> -> memref<2048xi32, #tpu.memory_space<hbm>>
        %dma_wait3A_75 = tpu.memref_slice %arg4[%multiple_of3A_71] : memref<321536xi32, #tpu.memory_space<hbm>> -> memref<2048xi32, #tpu.memory_space<hbm>>
        tpu.wait_dma2 semaphore(%run_scoped3A_8 : memref<!tpu.dma_semaphore, #tpu.memory_space<semaphore_mem>>) src(%dma_wait3A_75 : memref<2048xi32, #tpu.memory_space<hbm>>) dst(%arg11 : memref<2048xi32, #tpu.memory_space<vmem>>)
        %parallel_loop3A_76 = arith.constant 0 : i32
        %parallel_loop3A_77 = arith.constant 128 : i32
        %parallel_loop3A_78 = arith.constant 1 : i32
        scf.for %parallel_loop3A_79 = %parallel_loop3A_76 to %parallel_loop3A_77 step %parallel_loop3A_78  : i32 {
          %parallel_loop3A_80 = arith.constant 16 : i32
          %parallel_loop3A_81 = arith.muli %parallel_loop3A_79, %parallel_loop3A_80 : i32
          %parallel_loop3A_82 = arith.index_cast %parallel_loop3A_81 : i32 to index
          %parallel_loop3A_83 = tpu.vector_load %arg9[%parallel_loop3A_82] {strides = array<i32>} : memref<2048xi32, #tpu.memory_space<vmem>>, vector<16xi32>,
          %parallel_loop3A_84 = arith.constant 16 : i32
          %parallel_loop3A_85 = arith.muli %parallel_loop3A_79, %parallel_loop3A_84 : i32
          %parallel_loop3A_86 = arith.index_cast %parallel_loop3A_85 : i32 to index
          %parallel_loop3A_87 = tpu.vector_load %arg11[%parallel_loop3A_86] {strides = array<i32>} : memref<2048xi32, #tpu.memory_space<vmem>>, vector<16xi32>,
          %parallel_loop3A_88 = arith.constant 0 : i32
          %parallel_loop3A_89 = vector.broadcast %parallel_loop3A_88 : i32 to vector<16xi32>
          %parallel_loop3A_90 = arith.addi %parallel_loop3A_83, %parallel_loop3A_89 : vector<16xi32>
          %parallel_loop3A_91 = tpu.vector_load_idx %arg6[%parallel_loop3A_90] : memref<40448xf32, #tpu.memory_space<vmem>>[vector<16xi32>], vector<16xf32>,
          %parallel_loop3A_92 = arith.constant 0 : i32
          %parallel_loop3A_93 = vector.broadcast %parallel_loop3A_92 : i32 to vector<16xi32>
          %parallel_loop3A_94 = arith.addi %parallel_loop3A_87, %parallel_loop3A_93 : vector<16xi32>
          tpu.vector_store_idx %arg7[%parallel_loop3A_94], %parallel_loop3A_91 {add = true} : memref<40448xf32, #tpu.memory_space<vmem>>[vector<16xi32>], vector<16xf32>,
          %parallel_loop3A_95 = arith.constant 10112 : i32
          %parallel_loop3A_96 = vector.broadcast %parallel_loop3A_95 : i32 to vector<16xi32>
          %parallel_loop3A_97 = arith.addi %parallel_loop3A_83, %parallel_loop3A_96 : vector<16xi32>
          %parallel_loop3A_98 = tpu.vector_load_idx %arg6[%parallel_loop3A_97] : memref<40448xf32, #tpu.memory_space<vmem>>[vector<16xi32>], vector<16xf32>,
          %parallel_loop3A_99 = arith.constant 10112 : i32
          %parallel_loop3A_100 = vector.broadcast %parallel_loop3A_99 : i32 to vector<16xi32>
          %parallel_loop3A_101 = arith.addi %parallel_loop3A_87, %parallel_loop3A_100 : vector<16xi32>
          tpu.vector_store_idx %arg7[%parallel_loop3A_101], %parallel_loop3A_98 {add = true} : memref<40448xf32, #tpu.memory_space<vmem>>[vector<16xi32>], vector<16xf32>,
          %parallel_loop3A_102 = arith.constant 20224 : i32
          %parallel_loop3A_103 = vector.broadcast %parallel_loop3A_102 : i32 to vector<16xi32>
          %parallel_loop3A_104 = arith.addi %parallel_loop3A_83, %parallel_loop3A_103 : vector<16xi32>
          %parallel_loop3A_105 = tpu.vector_load_idx %arg6[%parallel_loop3A_104] : memref<40448xf32, #tpu.memory_space<vmem>>[vector<16xi32>], vector<16xf32>,
          %parallel_loop3A_106 = arith.constant 20224 : i32
          %parallel_loop3A_107 = vector.broadcast %parallel_loop3A_106 : i32 to vector<16xi32>
          %parallel_loop3A_108 = arith.addi %parallel_loop3A_87, %parallel_loop3A_107 : vector<16xi32>
          tpu.vector_store_idx %arg7[%parallel_loop3A_108], %parallel_loop3A_105 {add = true} : memref<40448xf32, #tpu.memory_space<vmem>>[vector<16xi32>], vector<16xf32>,
          %parallel_loop3A_109 = arith.constant 30336 : i32
          %parallel_loop3A_110 = vector.broadcast %parallel_loop3A_109 : i32 to vector<16xi32>
          %parallel_loop3A_111 = arith.addi %parallel_loop3A_83, %parallel_loop3A_110 : vector<16xi32>
          %parallel_loop3A_112 = tpu.vector_load_idx %arg6[%parallel_loop3A_111] : memref<40448xf32, #tpu.memory_space<vmem>>[vector<16xi32>], vector<16xf32>,
          %parallel_loop3A_113 = arith.constant 30336 : i32
          %parallel_loop3A_114 = vector.broadcast %parallel_loop3A_113 : i32 to vector<16xi32>
          %parallel_loop3A_115 = arith.addi %parallel_loop3A_87, %parallel_loop3A_114 : vector<16xi32>
          tpu.vector_store_idx %arg7[%parallel_loop3A_115], %parallel_loop3A_112 {add = true} : memref<40448xf32, #tpu.memory_space<vmem>>[vector<16xi32>], vector<16xf32>,
        } {sc.loop_unroll_factor = 1 : i64, sc.parallel_access}
      }
      %scan3A_20 = arith.constant 78 : i32
      %multiple_of3A_21 = arith.constant 319488 : i32
      %multiple_of3A_22 = tpu.assume_multiple %multiple_of3A_21, 8 : i32
      %dma_wait3A = tpu.memref_slice %arg3[%multiple_of3A_22] : memref<321536xi32, #tpu.memory_space<hbm>> -> memref<2048xi32, #tpu.memory_space<hbm>>
      %dma_wait3A_23 = tpu.memref_slice %arg3[%multiple_of3A_22] : memref<321536xi32, #tpu.memory_space<hbm>> -> memref<2048xi32, #tpu.memory_space<hbm>>
      tpu.wait_dma2 semaphore(%run_scoped3A_9 : memref<!tpu.dma_semaphore, #tpu.memory_space<semaphore_mem>>) src(%dma_wait3A_23 : memref<2048xi32, #tpu.memory_space<hbm>>) dst(%arg8 : memref<2048xi32, #tpu.memory_space<vmem>>)
      %dma_wait3A_24 = tpu.memref_slice %arg4[%multiple_of3A_22] : memref<321536xi32, #tpu.memory_space<hbm>> -> memref<2048xi32, #tpu.memory_space<hbm>>
      %dma_wait3A_25 = tpu.memref_slice %arg4[%multiple_of3A_22] : memref<321536xi32, #tpu.memory_space<hbm>> -> memref<2048xi32, #tpu.memory_space<hbm>>
      tpu.wait_dma2 semaphore(%run_scoped3A : memref<!tpu.dma_semaphore, #tpu.memory_space<semaphore_mem>>) src(%dma_wait3A_25 : memref<2048xi32, #tpu.memory_space<hbm>>) dst(%arg10 : memref<2048xi32, #tpu.memory_space<vmem>>)
      %parallel_loop3A = arith.constant 0 : i32
      %parallel_loop3A_26 = arith.constant 128 : i32
      %parallel_loop3A_27 = arith.constant 1 : i32
      scf.for %parallel_loop3A_28 = %parallel_loop3A to %parallel_loop3A_26 step %parallel_loop3A_27  : i32 {
        %parallel_loop3A_29 = arith.constant 16 : i32
        %parallel_loop3A_30 = arith.muli %parallel_loop3A_28, %parallel_loop3A_29 : i32
        %parallel_loop3A_31 = arith.index_cast %parallel_loop3A_30 : i32 to index
        %parallel_loop3A_32 = tpu.vector_load %arg8[%parallel_loop3A_31] {strides = array<i32>} : memref<2048xi32, #tpu.memory_space<vmem>>, vector<16xi32>,
        %parallel_loop3A_33 = arith.constant 16 : i32
        %parallel_loop3A_34 = arith.muli %parallel_loop3A_28, %parallel_loop3A_33 : i32
        %parallel_loop3A_35 = arith.index_cast %parallel_loop3A_34 : i32 to index
        %parallel_loop3A_36 = tpu.vector_load %arg10[%parallel_loop3A_35] {strides = array<i32>} : memref<2048xi32, #tpu.memory_space<vmem>>, vector<16xi32>,
        %parallel_loop3A_37 = arith.constant 0 : i32
        %parallel_loop3A_38 = vector.broadcast %parallel_loop3A_37 : i32 to vector<16xi32>
        %parallel_loop3A_39 = arith.addi %parallel_loop3A_32, %parallel_loop3A_38 : vector<16xi32>
        %parallel_loop3A_40 = tpu.vector_load_idx %arg6[%parallel_loop3A_39] : memref<40448xf32, #tpu.memory_space<vmem>>[vector<16xi32>], vector<16xf32>,
        %parallel_loop3A_41 = arith.constant 0 : i32
        %parallel_loop3A_42 = vector.broadcast %parallel_loop3A_41 : i32 to vector<16xi32>
        %parallel_loop3A_43 = arith.addi %parallel_loop3A_36, %parallel_loop3A_42 : vector<16xi32>
        tpu.vector_store_idx %arg7[%parallel_loop3A_43], %parallel_loop3A_40 {add = true} : memref<40448xf32, #tpu.memory_space<vmem>>[vector<16xi32>], vector<16xf32>,
        %parallel_loop3A_44 = arith.constant 10112 : i32
        %parallel_loop3A_45 = vector.broadcast %parallel_loop3A_44 : i32 to vector<16xi32>
        %parallel_loop3A_46 = arith.addi %parallel_loop3A_32, %parallel_loop3A_45 : vector<16xi32>
        %parallel_loop3A_47 = tpu.vector_load_idx %arg6[%parallel_loop3A_46] : memref<40448xf32, #tpu.memory_space<vmem>>[vector<16xi32>], vector<16xf32>,
        %parallel_loop3A_48 = arith.constant 10112 : i32
        %parallel_loop3A_49 = vector.broadcast %parallel_loop3A_48 : i32 to vector<16xi32>
        %parallel_loop3A_50 = arith.addi %parallel_loop3A_36, %parallel_loop3A_49 : vector<16xi32>
        tpu.vector_store_idx %arg7[%parallel_loop3A_50], %parallel_loop3A_47 {add = true} : memref<40448xf32, #tpu.memory_space<vmem>>[vector<16xi32>], vector<16xf32>,
        %parallel_loop3A_51 = arith.constant 20224 : i32
        %parallel_loop3A_52 = vector.broadcast %parallel_loop3A_51 : i32 to vector<16xi32>
        %parallel_loop3A_53 = arith.addi %parallel_loop3A_32, %parallel_loop3A_52 : vector<16xi32>
        %parallel_loop3A_54 = tpu.vector_load_idx %arg6[%parallel_loop3A_53] : memref<40448xf32, #tpu.memory_space<vmem>>[vector<16xi32>], vector<16xf32>,
        %parallel_loop3A_55 = arith.constant 20224 : i32
        %parallel_loop3A_56 = vector.broadcast %parallel_loop3A_55 : i32 to vector<16xi32>
        %parallel_loop3A_57 = arith.addi %parallel_loop3A_36, %parallel_loop3A_56 : vector<16xi32>
        tpu.vector_store_idx %arg7[%parallel_loop3A_57], %parallel_loop3A_54 {add = true} : memref<40448xf32, #tpu.memory_space<vmem>>[vector<16xi32>], vector<16xf32>,
        %parallel_loop3A_58 = arith.constant 30336 : i32
        %parallel_loop3A_59 = vector.broadcast %parallel_loop3A_58 : i32 to vector<16xi32>
        %parallel_loop3A_60 = arith.addi %parallel_loop3A_32, %parallel_loop3A_59 : vector<16xi32>
        %parallel_loop3A_61 = tpu.vector_load_idx %arg6[%parallel_loop3A_60] : memref<40448xf32, #tpu.memory_space<vmem>>[vector<16xi32>], vector<16xf32>,
        %parallel_loop3A_62 = arith.constant 30336 : i32
        %parallel_loop3A_63 = vector.broadcast %parallel_loop3A_62 : i32 to vector<16xi32>
        %parallel_loop3A_64 = arith.addi %parallel_loop3A_36, %parallel_loop3A_63 : vector<16xi32>
        tpu.vector_store_idx %arg7[%parallel_loop3A_64], %parallel_loop3A_61 {add = true} : memref<40448xf32, #tpu.memory_space<vmem>>[vector<16xi32>], vector<16xf32>,
      } {sc.loop_unroll_factor = 1 : i64, sc.parallel_access}
      tpu.yield
    }) : () -> ()
    "tpu.region"() ({
      %run_scoped3A = tpu.sem_alloc : memref<!tpu.dma_semaphore, #tpu.memory_space<semaphore_mem>>
      %dma_start3A = tpu.memref_slice %arg5[%multiple_of3A] : memref<1294336xf32, #tpu.memory_space<hbm>> -> memref<40448xf32, #tpu.memory_space<hbm>>
      %dma_start3A_8 = tpu.memref_slice %arg5[%multiple_of3A] : memref<1294336xf32, #tpu.memory_space<hbm>> -> memref<40448xf32, #tpu.memory_space<hbm>>
      tpu.enqueue_dma source(%arg7 : memref<40448xf32, #tpu.memory_space<vmem>>) target(%dma_start3A_8 : memref<40448xf32, #tpu.memory_space<hbm>>) target_semaphore(%run_scoped3A : memref<!tpu.dma_semaphore, #tpu.memory_space<semaphore_mem>>)
      %dma_wait3A = tpu.memref_slice %arg5[%multiple_of3A] : memref<1294336xf32, #tpu.memory_space<hbm>> -> memref<40448xf32, #tpu.memory_space<hbm>>
      %dma_wait3A_9 = tpu.memref_slice %arg5[%multiple_of3A] : memref<1294336xf32, #tpu.memory_space<hbm>> -> memref<40448xf32, #tpu.memory_space<hbm>>
      tpu.wait_dma2 semaphore(%run_scoped3A : memref<!tpu.dma_semaphore, #tpu.memory_space<semaphore_mem>>) src(%arg7 : memref<40448xf32, #tpu.memory_space<vmem>>) dst(%dma_wait3A_9 : memref<40448xf32, #tpu.memory_space<hbm>>)
      tpu.yield
    }) : () -> ()
    return
  }
}

#map = affine_map<(d0, d1) -> (0)>
module attributes {stable_mosaic.version = 14 : i64} {
  func.func @agg(%arg0: i32, %arg1: i32, %arg2: memref<1294336xf32, #tpu.memory_space<hbm>>, %arg3: memref<321536xi32, #tpu.memory_space<hbm>>, %arg4: memref<321536xi32, #tpu.memory_space<hbm>>, %arg5: memref<1294336xf32, #tpu.memory_space<hbm>>, %arg6: memref<40448xf32, #tpu.memory_space<vmem>>, %arg7: memref<40448xf32, #tpu.memory_space<vmem>>, %arg8: memref<2048xi32, #tpu.memory_space<vmem>>, %arg9: memref<2048xi32, #tpu.memory_space<vmem>>, %arg10: memref<2048xi32, #tpu.memory_space<vmem>>, %arg11: memref<2048xi32, #tpu.memory_space<vmem>>) attributes {dimension_semantics = [#tpu.dimension_semantics<core_parallel>, #tpu.dimension_semantics<subcore_parallel>], iteration_bounds = array<i64: 2, 16>, scalar_prefetch = 0 : i64, scratch_operands = 6 : i64, tpu.core_type = #tpu.core_type<sc_vector_subcore>, window_params = [{transform_indices = #map}, {transform_indices = #map}, {transform_indices = #map}, {transform_indices = #map}]} {
    %mul3A = arith.constant 2 : i32
    %mul3A_0 = arith.muli %arg1, %mul3A : i32
    %add3A = arith.addi %mul3A_0, %arg0 : i32
    %mul3A_1 = arith.constant 40448 : i32
    %mul3A_2 = arith.muli %add3A, %mul3A_1 : i32
    %multiple_of3A = tpu.assume_multiple %mul3A_2, 8 : i32
    "tpu.region"() ({
      %run_scoped3A = tpu.sem_alloc : memref<!tpu.dma_semaphore, #tpu.memory_space<semaphore_mem>>
      %dma_start3A = tpu.memref_slice %arg2[%multiple_of3A] : memref<1294336xf32, #tpu.memory_space<hbm>> -> memref<40448xf32, #tpu.memory_space<hbm>>
      %dma_start3A_8 = tpu.memref_slice %arg2[%multiple_of3A] : memref<1294336xf32, #tpu.memory_space<hbm>> -> memref<40448xf32, #tpu.memory_space<hbm>>
      tpu.enqueue_dma source(%dma_start3A_8 : memref<40448xf32, #tpu.memory_space<hbm>>) target(%arg6 : memref<40448xf32, #tpu.memory_space<vmem>>) target_semaphore(%run_scoped3A : memref<!tpu.dma_semaphore, #tpu.memory_space<semaphore_mem>>)
      %dma_wait3A = tpu.memref_slice %arg2[%multiple_of3A] : memref<1294336xf32, #tpu.memory_space<hbm>> -> memref<40448xf32, #tpu.memory_space<hbm>>
      %dma_wait3A_9 = tpu.memref_slice %arg2[%multiple_of3A] : memref<1294336xf32, #tpu.memory_space<hbm>> -> memref<40448xf32, #tpu.memory_space<hbm>>
      tpu.wait_dma2 semaphore(%run_scoped3A : memref<!tpu.dma_semaphore, #tpu.memory_space<semaphore_mem>>) src(%dma_wait3A_9 : memref<40448xf32, #tpu.memory_space<hbm>>) dst(%arg6 : memref<40448xf32, #tpu.memory_space<vmem>>)
      tpu.yield
    }) : () -> ()
    %broadcast_in_dim3A = arith.constant 0.000000e+00 : f32
    %broadcast_in_dim3A_3 = vector.broadcast %broadcast_in_dim3A : f32 to vector<16xf32>
    %scan3A = arith.constant 0 : i32
    %scan3A_4 = arith.constant 2528 : i32
    %scan3A_5 = arith.addi %scan3A, %scan3A_4 : i32
    %scan3A_6 = arith.constant 1 : i32
    scf.for %scan3A_8 = %scan3A to %scan3A_5 step %scan3A_6  : i32 {
      %mul3A_9 = arith.constant 16 : i32
      %mul3A_10 = arith.muli %scan3A_8, %mul3A_9 : i32
      %add3A_11 = arith.constant 0 : i32
      %add3A_12 = arith.addi %add3A_11, %mul3A_10 : i32
      %swap3A = arith.index_cast %add3A_12 : i32 to index
      %swap3A_13 = tpu.vector_load %arg7[%swap3A] {strides = array<i32>} : memref<40448xf32, #tpu.memory_space<vmem>>, vector<16xf32>,
      tpu.vector_store %arg7[%swap3A], %broadcast_in_dim3A_3 {strides = array<i32>} : memref<40448xf32, #tpu.memory_space<vmem>>, vector<16xf32>,
    }
    %scan3A_7 = arith.constant 2528 : i32
    "tpu.region"() ({
      %run_scoped3A = tpu.sem_alloc : memref<!tpu.dma_semaphore, #tpu.memory_space<semaphore_mem>>
      %run_scoped3A_8 = tpu.sem_alloc : memref<!tpu.dma_semaphore, #tpu.memory_space<semaphore_mem>>
      %run_scoped3A_9 = tpu.sem_alloc : memref<!tpu.dma_semaphore, #tpu.memory_space<semaphore_mem>>
      %run_scoped3A_10 = tpu.sem_alloc : memref<!tpu.dma_semaphore, #tpu.memory_space<semaphore_mem>>
      %multiple_of3A_11 = arith.constant 0 : i32
      %multiple_of3A_12 = tpu.assume_multiple %multiple_of3A_11, 8 : i32
      %dma_start3A = tpu.memref_slice %arg3[%multiple_of3A_12] : memref<321536xi32, #tpu.memory_space<hbm>> -> memref<2048xi32, #tpu.memory_space<hbm>>
      %dma_start3A_13 = tpu.memref_slice %arg3[%multiple_of3A_12] : memref<321536xi32, #tpu.memory_space<hbm>> -> memref<2048xi32, #tpu.memory_space<hbm>>
      tpu.enqueue_dma source(%dma_start3A_13 : memref<2048xi32, #tpu.memory_space<hbm>>) target(%arg8 : memref<2048xi32, #tpu.memory_space<vmem>>) target_semaphore(%run_scoped3A_9 : memref<!tpu.dma_semaphore, #tpu.memory_space<semaphore_mem>>)
      %dma_start3A_14 = tpu.memref_slice %arg4[%multiple_of3A_12] : memref<321536xi32, #tpu.memory_space<hbm>> -> memref<2048xi32, #tpu.memory_space<hbm>>
      %dma_start3A_15 = tpu.memref_slice %arg4[%multiple_of3A_12] : memref<321536xi32, #tpu.memory_space<hbm>> -> memref<2048xi32, #tpu.memory_space<hbm>>
      tpu.enqueue_dma source(%dma_start3A_15 : memref<2048xi32, #tpu.memory_space<hbm>>) target(%arg10 : memref<2048xi32, #tpu.memory_space<vmem>>) target_semaphore(%run_scoped3A : memref<!tpu.dma_semaphore, #tpu.memory_space<semaphore_mem>>)
      %scan3A_16 = arith.constant 0 : i32
      %scan3A_17 = arith.constant 78 : i32
      %scan3A_18 = arith.addi %scan3A_16, %scan3A_17 : i32
      %scan3A_19 = arith.constant 1 : i32
      scf.for %scan3A_28 = %scan3A_16 to %scan3A_18 step %scan3A_19  : i32 {
        %mul3A_29 = arith.constant 1 : i32
        %mul3A_30 = arith.muli %scan3A_28, %mul3A_29 : i32
        %add3A_31 = arith.constant 0 : i32
        %add3A_32 = arith.addi %add3A_31, %mul3A_30 : i32
        %mul3A_33 = arith.constant 2 : i32
        %mul3A_34 = arith.muli %add3A_32, %mul3A_33 : i32
        %add3A_35 = arith.constant 0 : i32
        %add3A_36 = arith.addi %mul3A_34, %add3A_35 : i32
        %add3A_37 = arith.constant 1 : i32
        %add3A_38 = arith.addi %add3A_36, %add3A_37 : i32
        %mul3A_39 = arith.constant 2048 : i32
        %mul3A_40 = arith.muli %add3A_38, %mul3A_39 : i32
        %multiple_of3A_41 = tpu.assume_multiple %mul3A_40, 8 : i32
        %dma_start3A_42 = tpu.memref_slice %arg3[%multiple_of3A_41] : memref<321536xi32, #tpu.memory_space<hbm>> -> memref<2048xi32, #tpu.memory_space<hbm>>
        %dma_start3A_43 = tpu.memref_slice %arg3[%multiple_of3A_41] : memref<321536xi32, #tpu.memory_space<hbm>> -> memref<2048xi32, #tpu.memory_space<hbm>>
        tpu.enqueue_dma source(%dma_start3A_43 : memref<2048xi32, #tpu.memory_space<hbm>>) target(%arg9 : memref<2048xi32, #tpu.memory_space<vmem>>) target_semaphore(%run_scoped3A_10 : memref<!tpu.dma_semaphore, #tpu.memory_space<semaphore_mem>>)
        %dma_start3A_44 = tpu.memref_slice %arg4[%multiple_of3A_41] : memref<321536xi32, #tpu.memory_space<hbm>> -> memref<2048xi32, #tpu.memory_space<hbm>>
        %dma_start3A_45 = tpu.memref_slice %arg4[%multiple_of3A_41] : memref<321536xi32, #tpu.memory_space<hbm>> -> memref<2048xi32, #tpu.memory_space<hbm>>
        tpu.enqueue_dma source(%dma_start3A_45 : memref<2048xi32, #tpu.memory_space<hbm>>) target(%arg11 : memref<2048xi32, #tpu.memory_space<vmem>>) target_semaphore(%run_scoped3A_8 : memref<!tpu.dma_semaphore, #tpu.memory_space<semaphore_mem>>)
        %mul3A_46 = arith.constant 2048 : i32
        %mul3A_47 = arith.muli %add3A_36, %mul3A_46 : i32
        %multiple_of3A_48 = tpu.assume_multiple %mul3A_47, 8 : i32
        %dma_wait3A_49 = tpu.memref_slice %arg3[%multiple_of3A_48] : memref<321536xi32, #tpu.memory_space<hbm>> -> memref<2048xi32, #tpu.memory_space<hbm>>
        %dma_wait3A_50 = tpu.memref_slice %arg3[%multiple_of3A_48] : memref<321536xi32, #tpu.memory_space<hbm>> -> memref<2048xi32, #tpu.memory_space<hbm>>
        tpu.wait_dma2 semaphore(%run_scoped3A_9 : memref<!tpu.dma_semaphore, #tpu.memory_space<semaphore_mem>>) src(%dma_wait3A_50 : memref<2048xi32, #tpu.memory_space<hbm>>) dst(%arg8 : memref<2048xi32, #tpu.memory_space<vmem>>)
        %dma_wait3A_51 = tpu.memref_slice %arg4[%multiple_of3A_48] : memref<321536xi32, #tpu.memory_space<hbm>> -> memref<2048xi32, #tpu.memory_space<hbm>>
        %dma_wait3A_52 = tpu.memref_slice %arg4[%multiple_of3A_48] : memref<321536xi32, #tpu.memory_space<hbm>> -> memref<2048xi32, #tpu.memory_space<hbm>>
        tpu.wait_dma2 semaphore(%run_scoped3A : memref<!tpu.dma_semaphore, #tpu.memory_space<semaphore_mem>>) src(%dma_wait3A_52 : memref<2048xi32, #tpu.memory_space<hbm>>) dst(%arg10 : memref<2048xi32, #tpu.memory_space<vmem>>)
        %parallel_loop3A_53 = arith.constant 0 : i32
        %parallel_loop3A_54 = arith.constant 128 : i32
        %parallel_loop3A_55 = arith.constant 1 : i32
        scf.for %parallel_loop3A_79 = %parallel_loop3A_53 to %parallel_loop3A_54 step %parallel_loop3A_55  : i32 {
          %parallel_loop3A_80 = arith.constant 16 : i32
          %parallel_loop3A_81 = arith.muli %parallel_loop3A_79, %parallel_loop3A_80 : i32
          %parallel_loop3A_82 = arith.index_cast %parallel_loop3A_81 : i32 to index
          %parallel_loop3A_83 = tpu.vector_load %arg8[%parallel_loop3A_82] {strides = array<i32>} : memref<2048xi32, #tpu.memory_space<vmem>>, vector<16xi32>,
          %parallel_loop3A_84 = arith.constant 16 : i32
          %parallel_loop3A_85 = arith.muli %parallel_loop3A_79, %parallel_loop3A_84 : i32
          %parallel_loop3A_86 = arith.index_cast %parallel_loop3A_85 : i32 to index
          %parallel_loop3A_87 = tpu.vector_load %arg10[%parallel_loop3A_86] {strides = array<i32>} : memref<2048xi32, #tpu.memory_space<vmem>>, vector<16xi32>,
          %parallel_loop3A_88 = arith.constant 0 : i32
          %parallel_loop3A_89 = vector.broadcast %parallel_loop3A_88 : i32 to vector<16xi32>
          %parallel_loop3A_90 = arith.addi %parallel_loop3A_83, %parallel_loop3A_89 : vector<16xi32>
          %parallel_loop3A_91 = tpu.vector_load_idx %arg6[%parallel_loop3A_90] : memref<40448xf32, #tpu.memory_space<vmem>>[vector<16xi32>], vector<16xf32>,
          %parallel_loop3A_92 = arith.constant 0 : i32
          %parallel_loop3A_93 = vector.broadcast %parallel_loop3A_92 : i32 to vector<16xi32>
          %parallel_loop3A_94 = arith.addi %parallel_loop3A_87, %parallel_loop3A_93 : vector<16xi32>
          tpu.vector_store_idx %arg7[%parallel_loop3A_94], %parallel_loop3A_91 {add = true} : memref<40448xf32, #tpu.memory_space<vmem>>[vector<16xi32>], vector<16xf32>,
          %parallel_loop3A_95 = arith.constant 10112 : i32
          %parallel_loop3A_96 = vector.broadcast %parallel_loop3A_95 : i32 to vector<16xi32>
          %parallel_loop3A_97 = arith.addi %parallel_loop3A_83, %parallel_loop3A_96 : vector<16xi32>
          %parallel_loop3A_98 = tpu.vector_load_idx %arg6[%parallel_loop3A_97] : memref<40448xf32, #tpu.memory_space<vmem>>[vector<16xi32>], vector<16xf32>,
          %parallel_loop3A_99 = arith.constant 10112 : i32
          %parallel_loop3A_100 = vector.broadcast %parallel_loop3A_99 : i32 to vector<16xi32>
          %parallel_loop3A_101 = arith.addi %parallel_loop3A_87, %parallel_loop3A_100 : vector<16xi32>
          tpu.vector_store_idx %arg7[%parallel_loop3A_101], %parallel_loop3A_98 {add = true} : memref<40448xf32, #tpu.memory_space<vmem>>[vector<16xi32>], vector<16xf32>,
          %parallel_loop3A_102 = arith.constant 20224 : i32
          %parallel_loop3A_103 = vector.broadcast %parallel_loop3A_102 : i32 to vector<16xi32>
          %parallel_loop3A_104 = arith.addi %parallel_loop3A_83, %parallel_loop3A_103 : vector<16xi32>
          %parallel_loop3A_105 = tpu.vector_load_idx %arg6[%parallel_loop3A_104] : memref<40448xf32, #tpu.memory_space<vmem>>[vector<16xi32>], vector<16xf32>,
          %parallel_loop3A_106 = arith.constant 20224 : i32
          %parallel_loop3A_107 = vector.broadcast %parallel_loop3A_106 : i32 to vector<16xi32>
          %parallel_loop3A_108 = arith.addi %parallel_loop3A_87, %parallel_loop3A_107 : vector<16xi32>
          tpu.vector_store_idx %arg7[%parallel_loop3A_108], %parallel_loop3A_105 {add = true} : memref<40448xf32, #tpu.memory_space<vmem>>[vector<16xi32>], vector<16xf32>,
          %parallel_loop3A_109 = arith.constant 30336 : i32
          %parallel_loop3A_110 = vector.broadcast %parallel_loop3A_109 : i32 to vector<16xi32>
          %parallel_loop3A_111 = arith.addi %parallel_loop3A_83, %parallel_loop3A_110 : vector<16xi32>
          %parallel_loop3A_112 = tpu.vector_load_idx %arg6[%parallel_loop3A_111] : memref<40448xf32, #tpu.memory_space<vmem>>[vector<16xi32>], vector<16xf32>,
          %parallel_loop3A_113 = arith.constant 30336 : i32
          %parallel_loop3A_114 = vector.broadcast %parallel_loop3A_113 : i32 to vector<16xi32>
          %parallel_loop3A_115 = arith.addi %parallel_loop3A_87, %parallel_loop3A_114 : vector<16xi32>
          tpu.vector_store_idx %arg7[%parallel_loop3A_115], %parallel_loop3A_112 {add = true} : memref<40448xf32, #tpu.memory_space<vmem>>[vector<16xi32>], vector<16xf32>,
        } {sc.loop_unroll_factor = 1 : i64, sc.parallel_access}
        %mul3A_56 = arith.constant 2 : i32
        %mul3A_57 = arith.muli %add3A_32, %mul3A_56 : i32
        %add3A_58 = arith.constant 1 : i32
        %add3A_59 = arith.addi %mul3A_57, %add3A_58 : i32
        %add3A_60 = arith.constant 1 : i32
        %add3A_61 = arith.addi %add3A_59, %add3A_60 : i32
        %mul3A_62 = arith.constant 2048 : i32
        %mul3A_63 = arith.muli %add3A_61, %mul3A_62 : i32
        %multiple_of3A_64 = tpu.assume_multiple %mul3A_63, 8 : i32
        %dma_start3A_65 = tpu.memref_slice %arg3[%multiple_of3A_64] : memref<321536xi32, #tpu.memory_space<hbm>> -> memref<2048xi32, #tpu.memory_space<hbm>>
        %dma_start3A_66 = tpu.memref_slice %arg3[%multiple_of3A_64] : memref<321536xi32, #tpu.memory_space<hbm>> -> memref<2048xi32, #tpu.memory_space<hbm>>
        tpu.enqueue_dma source(%dma_start3A_66 : memref<2048xi32, #tpu.memory_space<hbm>>) target(%arg8 : memref<2048xi32, #tpu.memory_space<vmem>>) target_semaphore(%run_scoped3A_9 : memref<!tpu.dma_semaphore, #tpu.memory_space<semaphore_mem>>)
        %dma_start3A_67 = tpu.memref_slice %arg4[%multiple_of3A_64] : memref<321536xi32, #tpu.memory_space<hbm>> -> memref<2048xi32, #tpu.memory_space<hbm>>
        %dma_start3A_68 = tpu.memref_slice %arg4[%multiple_of3A_64] : memref<321536xi32, #tpu.memory_space<hbm>> -> memref<2048xi32, #tpu.memory_space<hbm>>
        tpu.enqueue_dma source(%dma_start3A_68 : memref<2048xi32, #tpu.memory_space<hbm>>) target(%arg10 : memref<2048xi32, #tpu.memory_space<vmem>>) target_semaphore(%run_scoped3A : memref<!tpu.dma_semaphore, #tpu.memory_space<semaphore_mem>>)
        %mul3A_69 = arith.constant 2048 : i32
        %mul3A_70 = arith.muli %add3A_59, %mul3A_69 : i32
        %multiple_of3A_71 = tpu.assume_multiple %mul3A_70, 8 : i32
        %dma_wait3A_72 = tpu.memref_slice %arg3[%multiple_of3A_71] : memref<321536xi32, #tpu.memory_space<hbm>> -> memref<2048xi32, #tpu.memory_space<hbm>>
        %dma_wait3A_73 = tpu.memref_slice %arg3[%multiple_of3A_71] : memref<321536xi32, #tpu.memory_space<hbm>> -> memref<2048xi32, #tpu.memory_space<hbm>>
        tpu.wait_dma2 semaphore(%run_scoped3A_10 : memref<!tpu.dma_semaphore, #tpu.memory_space<semaphore_mem>>) src(%dma_wait3A_73 : memref<2048xi32, #tpu.memory_space<hbm>>) dst(%arg9 : memref<2048xi32, #tpu.memory_space<vmem>>)
        %dma_wait3A_74 = tpu.memref_slice %arg4[%multiple_of3A_71] : memref<321536xi32, #tpu.memory_space<hbm>> -> memref<2048xi32, #tpu.memory_space<hbm>>
        %dma_wait3A_75 = tpu.memref_slice %arg4[%multiple_of3A_71] : memref<321536xi32, #tpu.memory_space<hbm>> -> memref<2048xi32, #tpu.memory_space<hbm>>
        tpu.wait_dma2 semaphore(%run_scoped3A_8 : memref<!tpu.dma_semaphore, #tpu.memory_space<semaphore_mem>>) src(%dma_wait3A_75 : memref<2048xi32, #tpu.memory_space<hbm>>) dst(%arg11 : memref<2048xi32, #tpu.memory_space<vmem>>)
        %parallel_loop3A_76 = arith.constant 0 : i32
        %parallel_loop3A_77 = arith.constant 128 : i32
        %parallel_loop3A_78 = arith.constant 1 : i32
        scf.for %parallel_loop3A_79 = %parallel_loop3A_76 to %parallel_loop3A_77 step %parallel_loop3A_78  : i32 {
          %parallel_loop3A_80 = arith.constant 16 : i32
          %parallel_loop3A_81 = arith.muli %parallel_loop3A_79, %parallel_loop3A_80 : i32
          %parallel_loop3A_82 = arith.index_cast %parallel_loop3A_81 : i32 to index
          %parallel_loop3A_83 = tpu.vector_load %arg9[%parallel_loop3A_82] {strides = array<i32>} : memref<2048xi32, #tpu.memory_space<vmem>>, vector<16xi32>,
          %parallel_loop3A_84 = arith.constant 16 : i32
          %parallel_loop3A_85 = arith.muli %parallel_loop3A_79, %parallel_loop3A_84 : i32
          %parallel_loop3A_86 = arith.index_cast %parallel_loop3A_85 : i32 to index
          %parallel_loop3A_87 = tpu.vector_load %arg11[%parallel_loop3A_86] {strides = array<i32>} : memref<2048xi32, #tpu.memory_space<vmem>>, vector<16xi32>,
          %parallel_loop3A_88 = arith.constant 0 : i32
          %parallel_loop3A_89 = vector.broadcast %parallel_loop3A_88 : i32 to vector<16xi32>
          %parallel_loop3A_90 = arith.addi %parallel_loop3A_83, %parallel_loop3A_89 : vector<16xi32>
          %parallel_loop3A_91 = tpu.vector_load_idx %arg6[%parallel_loop3A_90] : memref<40448xf32, #tpu.memory_space<vmem>>[vector<16xi32>], vector<16xf32>,
          %parallel_loop3A_92 = arith.constant 0 : i32
          %parallel_loop3A_93 = vector.broadcast %parallel_loop3A_92 : i32 to vector<16xi32>
          %parallel_loop3A_94 = arith.addi %parallel_loop3A_87, %parallel_loop3A_93 : vector<16xi32>
          tpu.vector_store_idx %arg7[%parallel_loop3A_94], %parallel_loop3A_91 {add = true} : memref<40448xf32, #tpu.memory_space<vmem>>[vector<16xi32>], vector<16xf32>,
          %parallel_loop3A_95 = arith.constant 10112 : i32
          %parallel_loop3A_96 = vector.broadcast %parallel_loop3A_95 : i32 to vector<16xi32>
          %parallel_loop3A_97 = arith.addi %parallel_loop3A_83, %parallel_loop3A_96 : vector<16xi32>
          %parallel_loop3A_98 = tpu.vector_load_idx %arg6[%parallel_loop3A_97] : memref<40448xf32, #tpu.memory_space<vmem>>[vector<16xi32>], vector<16xf32>,
          %parallel_loop3A_99 = arith.constant 10112 : i32
          %parallel_loop3A_100 = vector.broadcast %parallel_loop3A_99 : i32 to vector<16xi32>
          %parallel_loop3A_101 = arith.addi %parallel_loop3A_87, %parallel_loop3A_100 : vector<16xi32>
          tpu.vector_store_idx %arg7[%parallel_loop3A_101], %parallel_loop3A_98 {add = true} : memref<40448xf32, #tpu.memory_space<vmem>>[vector<16xi32>], vector<16xf32>,
          %parallel_loop3A_102 = arith.constant 20224 : i32
          %parallel_loop3A_103 = vector.broadcast %parallel_loop3A_102 : i32 to vector<16xi32>
          %parallel_loop3A_104 = arith.addi %parallel_loop3A_83, %parallel_loop3A_103 : vector<16xi32>
          %parallel_loop3A_105 = tpu.vector_load_idx %arg6[%parallel_loop3A_104] : memref<40448xf32, #tpu.memory_space<vmem>>[vector<16xi32>], vector<16xf32>,
          %parallel_loop3A_106 = arith.constant 20224 : i32
          %parallel_loop3A_107 = vector.broadcast %parallel_loop3A_106 : i32 to vector<16xi32>
          %parallel_loop3A_108 = arith.addi %parallel_loop3A_87, %parallel_loop3A_107 : vector<16xi32>
          tpu.vector_store_idx %arg7[%parallel_loop3A_108], %parallel_loop3A_105 {add = true} : memref<40448xf32, #tpu.memory_space<vmem>>[vector<16xi32>], vector<16xf32>,
          %parallel_loop3A_109 = arith.constant 30336 : i32
          %parallel_loop3A_110 = vector.broadcast %parallel_loop3A_109 : i32 to vector<16xi32>
          %parallel_loop3A_111 = arith.addi %parallel_loop3A_83, %parallel_loop3A_110 : vector<16xi32>
          %parallel_loop3A_112 = tpu.vector_load_idx %arg6[%parallel_loop3A_111] : memref<40448xf32, #tpu.memory_space<vmem>>[vector<16xi32>], vector<16xf32>,
          %parallel_loop3A_113 = arith.constant 30336 : i32
          %parallel_loop3A_114 = vector.broadcast %parallel_loop3A_113 : i32 to vector<16xi32>
          %parallel_loop3A_115 = arith.addi %parallel_loop3A_87, %parallel_loop3A_114 : vector<16xi32>
          tpu.vector_store_idx %arg7[%parallel_loop3A_115], %parallel_loop3A_112 {add = true} : memref<40448xf32, #tpu.memory_space<vmem>>[vector<16xi32>], vector<16xf32>,
        } {sc.loop_unroll_factor = 1 : i64, sc.parallel_access}
      }
      %scan3A_20 = arith.constant 78 : i32
      %multiple_of3A_21 = arith.constant 319488 : i32
      %multiple_of3A_22 = tpu.assume_multiple %multiple_of3A_21, 8 : i32
      %dma_wait3A = tpu.memref_slice %arg3[%multiple_of3A_22] : memref<321536xi32, #tpu.memory_space<hbm>> -> memref<2048xi32, #tpu.memory_space<hbm>>
      %dma_wait3A_23 = tpu.memref_slice %arg3[%multiple_of3A_22] : memref<321536xi32, #tpu.memory_space<hbm>> -> memref<2048xi32, #tpu.memory_space<hbm>>
      tpu.wait_dma2 semaphore(%run_scoped3A_9 : memref<!tpu.dma_semaphore, #tpu.memory_space<semaphore_mem>>) src(%dma_wait3A_23 : memref<2048xi32, #tpu.memory_space<hbm>>) dst(%arg8 : memref<2048xi32, #tpu.memory_space<vmem>>)
      %dma_wait3A_24 = tpu.memref_slice %arg4[%multiple_of3A_22] : memref<321536xi32, #tpu.memory_space<hbm>> -> memref<2048xi32, #tpu.memory_space<hbm>>
      %dma_wait3A_25 = tpu.memref_slice %arg4[%multiple_of3A_22] : memref<321536xi32, #tpu.memory_space<hbm>> -> memref<2048xi32, #tpu.memory_space<hbm>>
      tpu.wait_dma2 semaphore(%run_scoped3A : memref<!tpu.dma_semaphore, #tpu.memory_space<semaphore_mem>>) src(%dma_wait3A_25 : memref<2048xi32, #tpu.memory_space<hbm>>) dst(%arg10 : memref<2048xi32, #tpu.memory_space<vmem>>)
      %parallel_loop3A = arith.constant 0 : i32
      %parallel_loop3A_26 = arith.constant 128 : i32
      %parallel_loop3A_27 = arith.constant 1 : i32
      scf.for %parallel_loop3A_28 = %parallel_loop3A to %parallel_loop3A_26 step %parallel_loop3A_27  : i32 {
        %parallel_loop3A_29 = arith.constant 16 : i32
        %parallel_loop3A_30 = arith.muli %parallel_loop3A_28, %parallel_loop3A_29 : i32
        %parallel_loop3A_31 = arith.index_cast %parallel_loop3A_30 : i32 to index
        %parallel_loop3A_32 = tpu.vector_load %arg8[%parallel_loop3A_31] {strides = array<i32>} : memref<2048xi32, #tpu.memory_space<vmem>>, vector<16xi32>,
        %parallel_loop3A_33 = arith.constant 16 : i32
        %parallel_loop3A_34 = arith.muli %parallel_loop3A_28, %parallel_loop3A_33 : i32
        %parallel_loop3A_35 = arith.index_cast %parallel_loop3A_34 : i32 to index
        %parallel_loop3A_36 = tpu.vector_load %arg10[%parallel_loop3A_35] {strides = array<i32>} : memref<2048xi32, #tpu.memory_space<vmem>>, vector<16xi32>,
        %parallel_loop3A_37 = arith.constant 0 : i32
        %parallel_loop3A_38 = vector.broadcast %parallel_loop3A_37 : i32 to vector<16xi32>
        %parallel_loop3A_39 = arith.addi %parallel_loop3A_32, %parallel_loop3A_38 : vector<16xi32>
        %parallel_loop3A_40 = tpu.vector_load_idx %arg6[%parallel_loop3A_39] : memref<40448xf32, #tpu.memory_space<vmem>>[vector<16xi32>], vector<16xf32>,
        %parallel_loop3A_41 = arith.constant 0 : i32
        %parallel_loop3A_42 = vector.broadcast %parallel_loop3A_41 : i32 to vector<16xi32>
        %parallel_loop3A_43 = arith.addi %parallel_loop3A_36, %parallel_loop3A_42 : vector<16xi32>
        tpu.vector_store_idx %arg7[%parallel_loop3A_43], %parallel_loop3A_40 {add = true} : memref<40448xf32, #tpu.memory_space<vmem>>[vector<16xi32>], vector<16xf32>,
        %parallel_loop3A_44 = arith.constant 10112 : i32
        %parallel_loop3A_45 = vector.broadcast %parallel_loop3A_44 : i32 to vector<16xi32>
        %parallel_loop3A_46 = arith.addi %parallel_loop3A_32, %parallel_loop3A_45 : vector<16xi32>
        %parallel_loop3A_47 = tpu.vector_load_idx %arg6[%parallel_loop3A_46] : memref<40448xf32, #tpu.memory_space<vmem>>[vector<16xi32>], vector<16xf32>,
        %parallel_loop3A_48 = arith.constant 10112 : i32
        %parallel_loop3A_49 = vector.broadcast %parallel_loop3A_48 : i32 to vector<16xi32>
        %parallel_loop3A_50 = arith.addi %parallel_loop3A_36, %parallel_loop3A_49 : vector<16xi32>
        tpu.vector_store_idx %arg7[%parallel_loop3A_50], %parallel_loop3A_47 {add = true} : memref<40448xf32, #tpu.memory_space<vmem>>[vector<16xi32>], vector<16xf32>,
        %parallel_loop3A_51 = arith.constant 20224 : i32
        %parallel_loop3A_52 = vector.broadcast %parallel_loop3A_51 : i32 to vector<16xi32>
        %parallel_loop3A_53 = arith.addi %parallel_loop3A_32, %parallel_loop3A_52 : vector<16xi32>
        %parallel_loop3A_54 = tpu.vector_load_idx %arg6[%parallel_loop3A_53] : memref<40448xf32, #tpu.memory_space<vmem>>[vector<16xi32>], vector<16xf32>,
        %parallel_loop3A_55 = arith.constant 20224 : i32
        %parallel_loop3A_56 = vector.broadcast %parallel_loop3A_55 : i32 to vector<16xi32>
        %parallel_loop3A_57 = arith.addi %parallel_loop3A_36, %parallel_loop3A_56 : vector<16xi32>
        tpu.vector_store_idx %arg7[%parallel_loop3A_57], %parallel_loop3A_54 {add = true} : memref<40448xf32, #tpu.memory_space<vmem>>[vector<16xi32>], vector<16xf32>,
        %parallel_loop3A_58 = arith.constant 30336 : i32
        %parallel_loop3A_59 = vector.broadcast %parallel_loop3A_58 : i32 to vector<16xi32>
        %parallel_loop3A_60 = arith.addi %parallel_loop3A_32, %parallel_loop3A_59 : vector<16xi32>
        %parallel_loop3A_61 = tpu.vector_load_idx %arg6[%parallel_loop3A_60] : memref<40448xf32, #tpu.memory_space<vmem>>[vector<16xi32>], vector<16xf32>,
        %parallel_loop3A_62 = arith.constant 30336 : i32
        %parallel_loop3A_63 = vector.broadcast %parallel_loop3A_62 : i32 to vector<16xi32>
        %parallel_loop3A_64 = arith.addi %parallel_loop3A_36, %parallel_loop3A_63 : vector<16xi32>
        tpu.vector_store_idx %arg7[%parallel_loop3A_64], %parallel_loop3A_61 {add = true} : memref<40448xf32, #tpu.memory_space<vmem>>[vector<16xi32>], vector<16xf32>,
      } {sc.loop_unroll_factor = 1 : i64, sc.parallel_access}
      tpu.yield
    }) : () -> ()
    "tpu.region"() ({
      %run_scoped3A = tpu.sem_alloc : memref<!tpu.dma_semaphore, #tpu.memory_space<semaphore_mem>>
      %dma_start3A = tpu.memref_slice %arg5[%multiple_of3A] : memref<1294336xf32, #tpu.memory_space<hbm>> -> memref<40448xf32, #tpu.memory_space<hbm>>
      %dma_start3A_8 = tpu.memref_slice %arg5[%multiple_of3A] : memref<1294336xf32, #tpu.memory_space<hbm>> -> memref<40448xf32, #tpu.memory_space<hbm>>
      tpu.enqueue_dma source(%arg7 : memref<40448xf32, #tpu.memory_space<vmem>>) target(%dma_start3A_8 : memref<40448xf32, #tpu.memory_space<hbm>>) target_semaphore(%run_scoped3A : memref<!tpu.dma_semaphore, #tpu.memory_space<semaphore_mem>>)
      %dma_wait3A = tpu.memref_slice %arg5[%multiple_of3A] : memref<1294336xf32, #tpu.memory_space<hbm>> -> memref<40448xf32, #tpu.memory_space<hbm>>
      %dma_wait3A_9 = tpu.memref_slice %arg5[%multiple_of3A] : memref<1294336xf32, #tpu.memory_space<hbm>> -> memref<40448xf32, #tpu.memory_space<hbm>>
      tpu.wait_dma2 semaphore(%run_scoped3A : memref<!tpu.dma_semaphore, #tpu.memory_space<semaphore_mem>>) src(%arg7 : memref<40448xf32, #tpu.memory_space<vmem>>) dst(%dma_wait3A_9 : memref<40448xf32, #tpu.memory_space<hbm>>)
      tpu.yield
    }) : () -> ()
    return
  }
}

module attributes {stable_mosaic.version = 14 : i64} {
  func.func @_mm_body(%arg0: memref<10000x128xf32, #tpu.memory_space<vmem>>, %arg1: memref<128x128xf32, #tpu.memory_space<vmem>>, %arg2: memref<128x10112xf32, #tpu.memory_space<vmem>>) attributes {dimension_semantics = [], scalar_prefetch = 0 : i64, scratch_operands = 0 : i64, tpu.core_type = #tpu.core_type<tc>} {
    %get3A = arith.constant 0 : index
    %get3A_0 = arith.constant 0 : index
    %get3A_1 = vector.load %arg1[%get3A, %get3A_0] : memref<128x128xf32, #tpu.memory_space<vmem>>, vector<128x128xf32>
    %get3A_2 = arith.constant 0 : index
    %get3A_3 = arith.constant 0 : index
    %get3A_4 = vector.load %arg0[%get3A_2, %get3A_3] : memref<10000x128xf32, #tpu.memory_space<vmem>>, vector<10000x128xf32>
    %dot_general3A = arith.constant dense<0.000000e+00> : vector<128x10000xf32>
    %dot_general3A_5 = tpu.matmul %get3A_1, %get3A_4, %dot_general3A {dimension_numbers = #tpu.dot_dimension_numbers<[0], [1], [1], [0], [0, 1, 1, 0], [], []>, precision = #tpu.contract_precision<fp32>, transpose_lhs_hint = false} : vector<128x128xf32>, vector<10000x128xf32>, vector<128x10000xf32> -> vector<128x10000xf32>
    %swap3A = arith.constant 0 : index
    %swap3A_6 = arith.constant 0 : index
    %swap3A_7 = vector.load %arg2[%swap3A, %swap3A_6] : memref<128x10112xf32, #tpu.memory_space<vmem>>, vector<128x10000xf32>
    tpu.vector_store %arg2[%swap3A, %swap3A_6], %dot_general3A_5 {strides = array<i32>} : memref<128x10112xf32, #tpu.memory_space<vmem>>, vector<128x10000xf32>,
    %broadcast_in_dim3A = arith.constant 0.000000e+00 : f32
    %broadcast_in_dim3A_8 = vector.broadcast %broadcast_in_dim3A : f32 to vector<128x112xf32>
    %swap3A_9 = arith.constant 0 : index
    %swap3A_10 = arith.constant 10000 : index
    %swap3A_11 = vector.load %arg2[%swap3A_9, %swap3A_10] : memref<128x10112xf32, #tpu.memory_space<vmem>>, vector<128x112xf32>
    tpu.vector_store %arg2[%swap3A_9, %swap3A_10], %broadcast_in_dim3A_8 {strides = array<i32>} : memref<128x10112xf32, #tpu.memory_space<vmem>>, vector<128x112xf32>,
    return
  }
}

module attributes {stable_mosaic.version = 14 : i64} {
  func.func @_scale_body(%arg0: memref<128x10112xf32, #tpu.memory_space<vmem>>, %arg1: memref<32x10112xf32, #tpu.memory_space<vmem>>, %arg2: memref<128x10112xf32, #tpu.memory_space<vmem>>, %arg3: memref<1x10112xf32, #tpu.memory_space<vmem>>) attributes {dimension_semantics = [], scalar_prefetch = 0 : i64, scratch_operands = 0 : i64, tpu.core_type = #tpu.core_type<tc>} {
    %get3A = arith.constant 0 : index
    %get3A_0 = arith.constant 0 : index
    %get3A_1 = vector.load %arg1[%get3A, %get3A_0] : memref<32x10112xf32, #tpu.memory_space<vmem>>, vector<32x10112xf32>
    %reduce_sum3A = arith.constant dense<0.000000e+00> : vector<10112xf32>
    %reduce_sum3A_2 = vector.multi_reduction <add>, %get3A_1, %reduce_sum3A [0] : vector<32x10112xf32> to vector<10112xf32>
    %broadcast_in_dim3A = vector.shape_cast %reduce_sum3A_2 : vector<10112xf32> to vector<1x10112xf32>
    %add3A = arith.constant 1.000000e+00 : f32
    %add3A_3 = vector.broadcast %add3A : f32 to vector<1x10112xf32>
    %add3A_4 = arith.addf %broadcast_in_dim3A, %add3A_3 : vector<1x10112xf32>
    %iota3A = tpu.iota {dimensions = array<i32: 1>} : vector<1x10112xi32>
    %lt3A = arith.constant 10000 : i32
    %lt3A_5 = vector.broadcast %lt3A : i32 to vector<1x10112xi32>
    %lt3A_6 = arith.cmpi slt, %iota3A, %lt3A_5 : vector<1x10112xi32>
    %rsqrt3A = math.rsqrt %add3A_4 : vector<1x10112xf32>
    %jit3A = arith.constant 0.000000e+00 : f32
    %broadcast_in_dim3A_7 = vector.broadcast %jit3A : f32 to vector<1x10112xf32>
    %select_n3A = arith.select %lt3A_6, %rsqrt3A, %broadcast_in_dim3A_7 : vector<1x10112xi1>, vector<1x10112xf32>
    %swap3A = arith.constant 0 : index
    %swap3A_8 = arith.constant 0 : index
    %swap3A_9 = vector.load %arg3[%swap3A, %swap3A_8] : memref<1x10112xf32, #tpu.memory_space<vmem>>, vector<1x10112xf32>
    tpu.vector_store %arg3[%swap3A, %swap3A_8], %select_n3A {strides = array<i32>} : memref<1x10112xf32, #tpu.memory_space<vmem>>, vector<1x10112xf32>,
    %get3A_10 = arith.constant 0 : index
    %get3A_11 = arith.constant 0 : index
    %get3A_12 = vector.load %arg0[%get3A_10, %get3A_11] : memref<128x10112xf32, #tpu.memory_space<vmem>>, vector<128x10112xf32>
    %mul3A = vector.broadcast %select_n3A : vector<1x10112xf32> to vector<128x10112xf32>
    %mul3A_13 = arith.mulf %get3A_12, %mul3A : vector<128x10112xf32>
    %swap3A_14 = arith.constant 0 : index
    %swap3A_15 = arith.constant 0 : index
    %swap3A_16 = vector.load %arg2[%swap3A_14, %swap3A_15] : memref<128x10112xf32, #tpu.memory_space<vmem>>, vector<128x10112xf32>
    tpu.vector_store %arg2[%swap3A_14, %swap3A_15], %mul3A_13 {strides = array<i32>} : memref<128x10112xf32, #tpu.memory_space<vmem>>, vector<128x10112xf32>,
    return
  }
}

module attributes {stable_mosaic.version = 14 : i64} {
  func.func @_mid_body(%arg0: memref<128x10112xf32, #tpu.memory_space<vmem>>, %arg1: memref<128x10112xf32, #tpu.memory_space<vmem>>, %arg2: memref<1x10112xf32, #tpu.memory_space<vmem>>, %arg3: memref<128x1xf32, #tpu.memory_space<vmem>>, %arg4: memref<128x1xf32, #tpu.memory_space<vmem>>, %arg5: memref<128x1xf32, #tpu.memory_space<vmem>>, %arg6: memref<128x128xf32, #tpu.memory_space<vmem>>, %arg7: memref<128x10112xf32, #tpu.memory_space<vmem>>) attributes {dimension_semantics = [], scalar_prefetch = 0 : i64, scratch_operands = 0 : i64, tpu.core_type = #tpu.core_type<tc>} {
    %get3A = arith.constant 0 : index
    %get3A_0 = arith.constant 0 : index
    %get3A_1 = vector.load %arg0[%get3A, %get3A_0] : memref<128x10112xf32, #tpu.memory_space<vmem>>, vector<128x10000xf32>
    %get3A_2 = arith.constant 0 : index
    %get3A_3 = arith.constant 0 : index
    %get3A_4 = vector.load %arg1[%get3A_2, %get3A_3] : memref<128x10112xf32, #tpu.memory_space<vmem>>, vector<128x10000xf32>
    %add3A = arith.addf %get3A_1, %get3A_4 : vector<128x10000xf32>
    %get3A_5 = arith.constant 0 : index
    %get3A_6 = arith.constant 0 : index
    %get3A_7 = vector.load %arg2[%get3A_5, %get3A_6] : memref<1x10112xf32, #tpu.memory_space<vmem>>, vector<1x10000xf32>
    %mul3A = vector.broadcast %get3A_7 : vector<1x10000xf32> to vector<128x10000xf32>
    %mul3A_8 = arith.mulf %add3A, %mul3A : vector<128x10000xf32>
    %get3A_9 = arith.constant 0 : index
    %get3A_10 = arith.constant 0 : index
    %get3A_11 = vector.load %arg3[%get3A_9, %get3A_10] : memref<128x1xf32, #tpu.memory_space<vmem>>, vector<128x1xf32>
    %add3A_12 = vector.broadcast %get3A_11 : vector<128x1xf32> to vector<128x10000xf32>
    %add3A_13 = arith.addf %mul3A_8, %add3A_12 : vector<128x10000xf32>
    %ge3A = arith.constant 0.000000e+00 : f32
    %ge3A_14 = vector.broadcast %ge3A : f32 to vector<128x10000xf32>
    %ge3A_15 = arith.cmpf oge, %add3A_13, %ge3A_14 : vector<128x10000xf32>
    %mul3A_16 = arith.constant 0.00999999977 : f32
    %mul3A_17 = vector.broadcast %mul3A_16 : f32 to vector<128x10000xf32>
    %mul3A_18 = arith.mulf %mul3A_17, %add3A_13 : vector<128x10000xf32>
    %select_n3A = arith.select %ge3A_15, %add3A_13, %mul3A_18 : vector<128x10000xi1>, vector<128x10000xf32>
    %reduce_sum3A = arith.constant dense<0.000000e+00> : vector<128xf32>
    %reduce_sum3A_19 = vector.multi_reduction <add>, %select_n3A, %reduce_sum3A [1] : vector<128x10000xf32> to vector<128xf32>
    %broadcast_in_dim3A = vector.shape_cast %reduce_sum3A_19 : vector<128xf32> to vector<128x1xf32>
    %div3A = arith.constant 1.000000e+04 : f32
    %div3A_20 = vector.broadcast %div3A : f32 to vector<128x1xf32>
    %div3A_21 = arith.divf %broadcast_in_dim3A, %div3A_20 : vector<128x1xf32>
    %sub3A = vector.broadcast %div3A_21 : vector<128x1xf32> to vector<128x10000xf32>
    %sub3A_22 = arith.subf %select_n3A, %sub3A : vector<128x10000xf32>
    %mul3A_23 = arith.mulf %sub3A_22, %sub3A_22 : vector<128x10000xf32>
    %reduce_sum3A_24 = arith.constant dense<0.000000e+00> : vector<128xf32>
    %reduce_sum3A_25 = vector.multi_reduction <add>, %mul3A_23, %reduce_sum3A_24 [1] : vector<128x10000xf32> to vector<128xf32>
    %broadcast_in_dim3A_26 = vector.shape_cast %reduce_sum3A_25 : vector<128xf32> to vector<128x1xf32>
    %div3A_27 = arith.constant 1.000000e+04 : f32
    %div3A_28 = vector.broadcast %div3A_27 : f32 to vector<128x1xf32>
    %div3A_29 = arith.divf %broadcast_in_dim3A_26, %div3A_28 : vector<128x1xf32>
    %add3A_30 = arith.constant 9.99999974E-6 : f32
    %add3A_31 = vector.broadcast %add3A_30 : f32 to vector<128x1xf32>
    %add3A_32 = arith.addf %div3A_29, %add3A_31 : vector<128x1xf32>
    %sqrt3A = math.sqrt %add3A_32 : vector<128x1xf32>
    %div3A_33 = vector.broadcast %sqrt3A : vector<128x1xf32> to vector<128x10000xf32>
    %div3A_34 = arith.divf %sub3A_22, %div3A_33 : vector<128x10000xf32>
    %get3A_35 = arith.constant 0 : index
    %get3A_36 = arith.constant 0 : index
    %get3A_37 = vector.load %arg4[%get3A_35, %get3A_36] : memref<128x1xf32, #tpu.memory_space<vmem>>, vector<128x1xf32>
    %mul3A_38 = vector.broadcast %get3A_37 : vector<128x1xf32> to vector<128x10000xf32>
    %mul3A_39 = arith.mulf %div3A_34, %mul3A_38 : vector<128x10000xf32>
    %get3A_40 = arith.constant 0 : index
    %get3A_41 = arith.constant 0 : index
    %get3A_42 = vector.load %arg5[%get3A_40, %get3A_41] : memref<128x1xf32, #tpu.memory_space<vmem>>, vector<128x1xf32>
    %add3A_43 = vector.broadcast %get3A_42 : vector<128x1xf32> to vector<128x10000xf32>
    %add3A_44 = arith.addf %mul3A_39, %add3A_43 : vector<128x10000xf32>
    %get3A_45 = arith.constant 0 : index
    %get3A_46 = arith.constant 0 : index
    %get3A_47 = vector.load %arg6[%get3A_45, %get3A_46] : memref<128x128xf32, #tpu.memory_space<vmem>>, vector<128x128xf32>
    %dot_general3A = arith.constant dense<0.000000e+00> : vector<128x10000xf32>
    %dot_general3A_48 = tpu.matmul %get3A_47, %add3A_44, %dot_general3A {dimension_numbers = #tpu.dot_dimension_numbers<[0], [0], [1], [1], [0, 1, 1, 1], [], []>, precision = #tpu.contract_precision<fp32>, transpose_lhs_hint = false} : vector<128x128xf32>, vector<128x10000xf32>, vector<128x10000xf32> -> vector<128x10000xf32>
    %get3A_49 = arith.constant 0 : index
    %get3A_50 = arith.constant 0 : index
    %get3A_51 = vector.load %arg2[%get3A_49, %get3A_50] : memref<1x10112xf32, #tpu.memory_space<vmem>>, vector<1x10000xf32>
    %mul3A_52 = vector.broadcast %get3A_51 : vector<1x10000xf32> to vector<128x10000xf32>
    %mul3A_53 = arith.mulf %dot_general3A_48, %mul3A_52 : vector<128x10000xf32>
    %swap3A = arith.constant 0 : index
    %swap3A_54 = arith.constant 0 : index
    %swap3A_55 = vector.load %arg7[%swap3A, %swap3A_54] : memref<128x10112xf32, #tpu.memory_space<vmem>>, vector<128x10000xf32>
    tpu.vector_store %arg7[%swap3A, %swap3A_54], %mul3A_53 {strides = array<i32>} : memref<128x10112xf32, #tpu.memory_space<vmem>>, vector<128x10000xf32>,
    %broadcast_in_dim3A_56 = arith.constant 0.000000e+00 : f32
    %broadcast_in_dim3A_57 = vector.broadcast %broadcast_in_dim3A_56 : f32 to vector<128x112xf32>
    %swap3A_58 = arith.constant 0 : index
    %swap3A_59 = arith.constant 10000 : index
    %swap3A_60 = vector.load %arg7[%swap3A_58, %swap3A_59] : memref<128x10112xf32, #tpu.memory_space<vmem>>, vector<128x112xf32>
    tpu.vector_store %arg7[%swap3A_58, %swap3A_59], %broadcast_in_dim3A_57 {strides = array<i32>} : memref<128x10112xf32, #tpu.memory_space<vmem>>, vector<128x112xf32>,
    return
  }
}

module attributes {stable_mosaic.version = 14 : i64} {
  func.func @_final_body(%arg0: memref<128x10112xf32, #tpu.memory_space<vmem>>, %arg1: memref<128x10112xf32, #tpu.memory_space<vmem>>, %arg2: memref<1x10112xf32, #tpu.memory_space<vmem>>, %arg3: memref<128x1xf32, #tpu.memory_space<vmem>>, %arg4: memref<128x1xf32, #tpu.memory_space<vmem>>, %arg5: memref<128x1xf32, #tpu.memory_space<vmem>>, %arg6: memref<10000x1xi32, #tpu.memory_space<vmem>>, %arg7: memref<64x128xf32, #tpu.memory_space<vmem>>) attributes {dimension_semantics = [], scalar_prefetch = 0 : i64, scratch_operands = 0 : i64, tpu.core_type = #tpu.core_type<tc>} {
    %get3A = arith.constant 0 : index
    %get3A_0 = arith.constant 0 : index
    %get3A_1 = vector.load %arg0[%get3A, %get3A_0] : memref<128x10112xf32, #tpu.memory_space<vmem>>, vector<128x10000xf32>
    %get3A_2 = arith.constant 0 : index
    %get3A_3 = arith.constant 0 : index
    %get3A_4 = vector.load %arg1[%get3A_2, %get3A_3] : memref<128x10112xf32, #tpu.memory_space<vmem>>, vector<128x10000xf32>
    %add3A = arith.addf %get3A_1, %get3A_4 : vector<128x10000xf32>
    %get3A_5 = arith.constant 0 : index
    %get3A_6 = arith.constant 0 : index
    %get3A_7 = vector.load %arg2[%get3A_5, %get3A_6] : memref<1x10112xf32, #tpu.memory_space<vmem>>, vector<1x10000xf32>
    %mul3A = vector.broadcast %get3A_7 : vector<1x10000xf32> to vector<128x10000xf32>
    %mul3A_8 = arith.mulf %add3A, %mul3A : vector<128x10000xf32>
    %get3A_9 = arith.constant 0 : index
    %get3A_10 = arith.constant 0 : index
    %get3A_11 = vector.load %arg3[%get3A_9, %get3A_10] : memref<128x1xf32, #tpu.memory_space<vmem>>, vector<128x1xf32>
    %add3A_12 = vector.broadcast %get3A_11 : vector<128x1xf32> to vector<128x10000xf32>
    %add3A_13 = arith.addf %mul3A_8, %add3A_12 : vector<128x10000xf32>
    %ge3A = arith.constant 0.000000e+00 : f32
    %ge3A_14 = vector.broadcast %ge3A : f32 to vector<128x10000xf32>
    %ge3A_15 = arith.cmpf oge, %add3A_13, %ge3A_14 : vector<128x10000xf32>
    %mul3A_16 = arith.constant 0.00999999977 : f32
    %mul3A_17 = vector.broadcast %mul3A_16 : f32 to vector<128x10000xf32>
    %mul3A_18 = arith.mulf %mul3A_17, %add3A_13 : vector<128x10000xf32>
    %select_n3A = arith.select %ge3A_15, %add3A_13, %mul3A_18 : vector<128x10000xi1>, vector<128x10000xf32>
    %reduce_sum3A = arith.constant dense<0.000000e+00> : vector<128xf32>
    %reduce_sum3A_19 = vector.multi_reduction <add>, %select_n3A, %reduce_sum3A [1] : vector<128x10000xf32> to vector<128xf32>
    %broadcast_in_dim3A = vector.shape_cast %reduce_sum3A_19 : vector<128xf32> to vector<128x1xf32>
    %div3A = arith.constant 1.000000e+04 : f32
    %div3A_20 = vector.broadcast %div3A : f32 to vector<128x1xf32>
    %div3A_21 = arith.divf %broadcast_in_dim3A, %div3A_20 : vector<128x1xf32>
    %sub3A = vector.broadcast %div3A_21 : vector<128x1xf32> to vector<128x10000xf32>
    %sub3A_22 = arith.subf %select_n3A, %sub3A : vector<128x10000xf32>
    %mul3A_23 = arith.mulf %sub3A_22, %sub3A_22 : vector<128x10000xf32>
    %reduce_sum3A_24 = arith.constant dense<0.000000e+00> : vector<128xf32>
    %reduce_sum3A_25 = vector.multi_reduction <add>, %mul3A_23, %reduce_sum3A_24 [1] : vector<128x10000xf32> to vector<128xf32>
    %broadcast_in_dim3A_26 = vector.shape_cast %reduce_sum3A_25 : vector<128xf32> to vector<128x1xf32>
    %div3A_27 = arith.constant 1.000000e+04 : f32
    %div3A_28 = vector.broadcast %div3A_27 : f32 to vector<128x1xf32>
    %div3A_29 = arith.divf %broadcast_in_dim3A_26, %div3A_28 : vector<128x1xf32>
    %add3A_30 = arith.constant 9.99999974E-6 : f32
    %add3A_31 = vector.broadcast %add3A_30 : f32 to vector<128x1xf32>
    %add3A_32 = arith.addf %div3A_29, %add3A_31 : vector<128x1xf32>
    %sqrt3A = math.sqrt %add3A_32 : vector<128x1xf32>
    %div3A_33 = vector.broadcast %sqrt3A : vector<128x1xf32> to vector<128x10000xf32>
    %div3A_34 = arith.divf %sub3A_22, %div3A_33 : vector<128x10000xf32>
    %get3A_35 = arith.constant 0 : index
    %get3A_36 = arith.constant 0 : index
    %get3A_37 = vector.load %arg4[%get3A_35, %get3A_36] : memref<128x1xf32, #tpu.memory_space<vmem>>, vector<128x1xf32>
    %mul3A_38 = vector.broadcast %get3A_37 : vector<128x1xf32> to vector<128x10000xf32>
    %mul3A_39 = arith.mulf %div3A_34, %mul3A_38 : vector<128x10000xf32>
    %get3A_40 = arith.constant 0 : index
    %get3A_41 = arith.constant 0 : index
    %get3A_42 = vector.load %arg5[%get3A_40, %get3A_41] : memref<128x1xf32, #tpu.memory_space<vmem>>, vector<128x1xf32>
    %add3A_43 = vector.broadcast %get3A_42 : vector<128x1xf32> to vector<128x10000xf32>
    %add3A_44 = arith.addf %mul3A_39, %add3A_43 : vector<128x10000xf32>
    %get3A_45 = arith.constant 0 : index
    %get3A_46 = arith.constant 0 : index
    %get3A_47 = vector.load %arg6[%get3A_45, %get3A_46] : memref<10000x1xi32, #tpu.memory_space<vmem>>, vector<10000x1xi32>
    %iota3A = tpu.iota {dimensions = array<i32: 1>} : vector<1x64xi32>
    %eq3A = vector.broadcast %get3A_47 : vector<10000x1xi32> to vector<10000x64xi32>
    %eq3A_48 = vector.broadcast %iota3A : vector<1x64xi32> to vector<10000x64xi32>
    %eq3A_49 = arith.cmpi eq, %eq3A, %eq3A_48 : vector<10000x64xi32>
    %convert_element_type3A = arith.extui %eq3A_49 : vector<10000x64xi1> to vector<10000x64xi32>
    %convert_element_type3A_50 = arith.sitofp %convert_element_type3A : vector<10000x64xi32> to vector<10000x64xf32>
    %dot_general3A = arith.constant dense<0.000000e+00> : vector<64x128xf32>
    %dot_general3A_51 = tpu.matmul %convert_element_type3A_50, %add3A_44, %dot_general3A {dimension_numbers = #tpu.dot_dimension_numbers<[0], [1], [1], [0], [0, 1, 1, 0], [], []>, precision = #tpu.contract_precision<fp32>, transpose_lhs_hint = false} : vector<10000x64xf32>, vector<128x10000xf32>, vector<64x128xf32> -> vector<64x128xf32>
    %reduce_sum3A_52 = arith.constant dense<0.000000e+00> : vector<64xf32>
    %reduce_sum3A_53 = vector.multi_reduction <add>, %convert_element_type3A_50, %reduce_sum3A_52 [0] : vector<10000x64xf32> to vector<64xf32>
    %broadcast_in_dim3A_54 = vector.shape_cast %reduce_sum3A_53 : vector<64xf32> to vector<64x1xf32>
    %max3A = arith.constant 1.000000e+00 : f32
    %max3A_55 = vector.broadcast %max3A : f32 to vector<64x1xf32>
    %max3A_56 = arith.maximumf %broadcast_in_dim3A_54, %max3A_55 : vector<64x1xf32>
    %div3A_57 = vector.broadcast %max3A_56 : vector<64x1xf32> to vector<64x128xf32>
    %div3A_58 = arith.divf %dot_general3A_51, %div3A_57 : vector<64x128xf32>
    %swap3A = arith.constant 0 : index
    %swap3A_59 = arith.constant 0 : index
    %swap3A_60 = vector.load %arg7[%swap3A, %swap3A_59] : memref<64x128xf32, #tpu.memory_space<vmem>>, vector<64x128xf32>
    tpu.vector_store %arg7[%swap3A, %swap3A_59], %div3A_58 {strides = array<i32>} : memref<64x128xf32, #tpu.memory_space<vmem>>, vector<64x128xf32>,
    return
  }
}

</mosaic_0001>

<sc_bundles>
// kernel: kernel.11.cloned.1.call-start
scs
__scs_entry_jumppad:
0x0: {  	(pc) =	sbr.rel $0x88, $3  }
0x1: {  	(tag) =	ssettag $0x0;
	lr =	simm.s32 $0x1  }
0x2: {  	[smem:$0x3F92] =	sst lr;
	_ =	strace $0xD0000000  }
0x3: {  	_ = 	snop  }
0x4: {  	_ = 	snop  }
0x5: {  	_ = 	snop  }
0x6: {  	_ = 	snop  }
0x7: {  	_ = 	snop  }
__scs_overlays_trampoline_lowered:
0x8: {  	[smem:$0x3FA1] =	sst s0  }
0x9: {  	[smem:$0x3FA2] =	sst s1  }
0xa: {  	[smem:$0x3FA3] =	sst s2  }
0xb: {  	[smem:$0x3FA4] =	sst s3  }
0xc: {  	[smem:$0x3FA5] =	sst s4  }
0xd: {  	[smem:$0x3FA6] =	sst s5  }
0xe: {  	[smem:$0x3FA7] =	sst s6  }
0xf: {  	[smem:$0x3FA8] =	sst s7  }
0x10: {  	[smem:$0x3FA9] =	sst s8  }
0x11: {  	[smem:$0x3FAA] =	sst s9;
	s0 =	simm.s32 @!p0 $0x0  }
0x12: {  	s1 =	sld [smem:$0x3F90];
	s0 =	simm.s32 @p0 $0x1  }
0x13: {  	[smem:$0x3FAB] =	sst s0;
	s0 =	simm.s32 @!p1 $0x0  }
0x14: {  	s2 =	sld [smem:$0x3F8F];
	s0 =	simm.s32 @p1 $0x1  }
0x15: {  	[smem:$0x3FAC] =	sst s0;
	s0 =	simm.s32 @!p2 $0x0  }
0x16: {  	s3 =	sld [smem:$0x3FDB];
	s0 =	simm.s32 @p2 $0x1  }
0x17: {  	s4 =	simm.s32 $0x1BF5;
	[smem:$0x3FAE] =	sst s0  }
0x18: {  	s0 =	sld [smem:$0x3F91];
	_ =	swait.ge [sflag:s4], $0x0  }
0x19: {  	s7 =	sld [smem:$0x3F92]  }
0x1a: {  	s8 =	sadd.s32 $0xFFFFE003, lr  }
0x1b: {  	s9 =	sadd.s32 $0xFFFFFEF7, lr;
	s5 =	simm.s32 $0xFFFFFFFF;
	p2 =	slt.u32 s8, $0xFFFFF086  }
0x1c: {  	p1 =	slt.u32 s9, $0xF7A;
	s5 =	simm.s32 @!p2 $0x0  }
0x1d: {  	s5 =	simm.s32 @p1 $0x1;
	p0 =	seq.s32 s7, s2  }
0x1e: {  	s7 =	smul.u32 @!p0 $0xF7A, s2;
	p2 =	seq.s32 @!p0 s5, $0x0  }
0x1f: {  	s9 =	smul.u32 $0xF7A, s1;
	s8 =	simm.s32 @!p0 $0x1BF5;
	p2 =	por !p2, p0  }
0x20: {  	[sflag:s8] =	ssyncset.s32 @!p0 $0xFFFFF086;
	s6 =	sadd.s32 @!p0 s3, s7;
	s7 =	simm.s32 @!p0 $0x108  }
0x21: {  	s3 =	sadd.s32 s3, s9;
	s6 =	sadd.s32 @!p0 $0x88, s6;
	s7 =	simm.s32 @p2 $0x1082  }
0x22: {  	[simem:s7], [sflag:s8] =	dma.local @!p0 [hbm:s6], $0xF7A  }
0x23: {  	s9 =	sor.u32 $0xD0000000, s2;
	s6 =	simm.s32 $0x108;
	_ =	swait.ge @!p0 [sflag:s8], $0x0  }
0x24: {  	s3 =	sadd.s32 $0x88, s3;
	s6 =	simm.s32 @!p1 $0x1082;
	[sflag:s4] =	ssyncset.s32 $0xFFFFF086  }
0x25: {  	[simem:s6], [sflag:s4] =	dma.local [hbm:s3], $0xF7A  }
0x26: {  	[smem:$0x3F92] =	sst s1;
	(tag) =	ssettag s2;
	_ =	strace s9  }
0x27: {  	s1 =	sld [smem:$0x3FA2]  }
0x28: {  	s2 =	sld [smem:$0x3FA3]  }
0x29: {  	s4 =	sld [smem:$0x3FA5]  }
0x2a: {  	p0 =	seq.s32 s5, $0x0;
	s5 =	sld [smem:$0x3FA6]  }
0x2b: {  	s6 =	sld [smem:$0x3FA7]  }
0x2c: {  	s7 =	sld [smem:$0x3FA8]  }
0x2d: {  	s3 =	simm.s32 $0x108;
	s8 =	sld [smem:$0x3FA9]  }
0x2e: {  	s3 =	simm.s32 @!p0 $0x1082;
	s9 =	sld [smem:$0x3FAA]  }
0x2f: {  	lr =	sadd.s32 s0, s3;
	s0 =	sld [smem:$0x3FA1]  }
0x30: {  	s3 =	sld [smem:$0x3FA4]  }
0x31: {  	[smem:$0x3FAD] =	sst s10  }
0x32: {  	s10 =	sld [smem:$0x3FAB];
	_ =	sdelay $0x3  }
0x33: {  	p0 =	seq.s32 s10, $0x1;
	s10 =	sld [smem:$0x3FAD];
	_ =	sdelay $0x3  }
0x34: {  	[smem:$0x3FAD] =	sst s10  }
0x35: {  	s10 =	sld [smem:$0x3FAC];
	_ =	sdelay $0x3  }
0x36: {  	p1 =	seq.s32 s10, $0x1;
	s10 =	sld [smem:$0x3FAD];
	_ =	sdelay $0x3  }
0x37: {  	[smem:$0x3FAD] =	sst s10  }
0x38: {  	s10 =	sld [smem:$0x3FAE]  }
0x39: {  	_ = 	snop;
	(pc) =	sbr.ind lr, $3  }
0x3a: {  	_ = 	snop  }
0x3b: {  	_ = 	snop  }
0x3c: {  	p2 =	seq.s32 s10, $0x1;
	s10 =	sld [smem:$0x3FAD]  }
0x3d: {  	_ =	shalt  }
0x3e: {  	_ =	shalt  }
0x3f: {  	_ =	shalt  }
0x40: {  	_ =	shalt  }
0x41: {  	_ =	shalt  }
0x42: {  	_ =	shalt  }
0x43: {  	_ =	shalt  }
0x44: {  	_ =	shalt  }
0x45: {  	_ =	shalt  }
0x46: {  	_ =	shalt  }
0x47: {  	_ =	shalt  }
0x48: {  	_ =	shalt  }
0x49: {  	_ =	shalt  }
0x4a: {  	_ =	shalt  }
0x4b: {  	_ =	shalt  }
0x4c: {  	_ =	shalt  }
0x4d: {  	_ =	shalt  }
0x4e: {  	_ =	shalt  }
0x4f: {  	_ =	shalt  }
0x50: {  	_ =	shalt  }
0x51: {  	_ =	shalt  }
0x52: {  	_ =	shalt  }
0x53: {  	_ =	shalt  }
0x54: {  	_ =	shalt  }
0x55: {  	_ =	shalt  }
0x56: {  	_ =	shalt  }
0x57: {  	_ =	shalt  }
0x58: {  	_ =	shalt  }
0x59: {  	_ =	shalt  }
0x5a: {  	_ =	shalt  }
0x5b: {  	_ =	shalt  }
0x5c: {  	_ =	shalt  }
0x5d: {  	_ =	shalt  }
0x5e: {  	_ =	shalt  }
0x5f: {  	_ =	shalt  }
0x60: {  	_ =	shalt  }
0x61: {  	_ =	shalt  }
0x62: {  	_ =	shalt  }
0x63: {  	_ =	shalt  }
0x64: {  	_ =	shalt  }
0x65: {  	_ =	shalt  }
0x66: {  	_ =	shalt  }
0x67: {  	_ =	shalt  }
0x68: {  	_ =	shalt  }
0x69: {  	_ =	shalt  }
0x6a: {  	_ =	shalt  }
0x6b: {  	_ =	shalt  }
0x6c: {  	_ =	shalt  }
0x6d: {  	_ =	shalt  }
0x6e: {  	_ =	shalt  }
0x6f: {  	_ =	shalt  }
0x70: {  	_ =	shalt  }
0x71: {  	_ =	shalt  }
0x72: {  	_ =	shalt  }
0x73: {  	_ =	shalt  }
0x74: {  	_ =	shalt  }
0x75: {  	_ =	shalt  }
0x76: {  	_ =	shalt  }
0x77: {  	_ =	shalt  }
0x78: {  	_ =	shalt  }
0x79: {  	_ =	shalt  }
0x7a: {  	_ =	shalt  }
0x7b: {  	_ =	shalt  }
0x7c: {  	_ =	shalt  }
0x7d: {  	_ =	shalt  }
0x7e: {  	_ =	shalt  }
0x7f: {  	_ =	shalt  }
0x80: {  	_ =	shalt  }
0x81: {  	_ =	shalt  }
0x82: {  	_ =	shalt  }
0x83: {  	_ =	shalt  }
0x84: {  	_ =	shalt  }
0x85: {  	_ =	shalt  }
0x86: {  	_ =	shalt  }
0x87: {  	_ =	shalt  }
.Lfunc_end0:
.L_simem_size_0:
called_computation_lowered:
.L_overlay_start_0:
0x88: {  	s2 =	sld [smem:$0x3FD9]  }
0x89: {  	s3 =	sld [smem:$0x3FFE];
	_ =	sdelay $0x1  }
0x8a: {  	s1 =	srdreg.scid  }
0x8b: {  	s0 =	sand.u32 $0x1, s1  }
0x8c: {  	s16 =	sshll.u32 s0, $0xA;
	s2 =	sadd.s32 s3, s2  }
0x8d: {  	s2 =	sadd.s32 s2, s16  }
0x8e: {  	[smem:$0x3FB9] =	sst s2  }
0x8f: {  	_ = 	snop  }
0x90: {  	(tm) =	ssettm $0x1  }
0x91: {  	s17 =	sld [smem:$0x3FFB];
	_ =	sdelay $0x3  }
0x92: {  	_ =	strace s17  }
0x93: {  	s2 =	sld [smem:$0x3FFC];
	_ =	sdelay $0x3  }
0x94: {  	_ =	strace s2  }
0x95: {  	s2 =	sld [smem:$0x3FFD];
	_ =	sdelay $0x3  }
0x96: {  	_ =	strace s2  }
0x97: {  	_ =	strace $0x8FFFFFFF  }
0x98: {  	s18 =	sld [smem:$0x3FDB];
	_ =	sdelay $0x1  }
0x99: {  	s19 =	simm.s32 $_scs_section_size  }
0x9a: {  	s4 =	simm.s32 $_size__tile_overlayer_lowered;
	s5 =	simm.s32 $_tile_overlayer_lowered  }
0x9b: {  	s22 =	simm.s32 $0x1BFF;
	s21 =	sshll.u32 s5, $0x1;
	s2 =	sadd.s32 s19, s18  }
0x9c: {  	s6 =	simm.s32 $0x0;
	s20 =	sshll.u32 s4, $0x1;
	s4 =	sadd.s32 s21, s2  }
0x9d: {  	[timem:s6], [sflag:s22] =	dma.local [hbm:s4], s20  }
0x9e: {  	_ =	swait.ge [sflag:s22], s20  }
0x9f: {  	s3 =	ssub.s32 $0x0, s20;
	[sflag:s22] =	ssyncset.done $0x0  }
0xa0: {  	[sflag:s22] =	ssyncadd.s32 s3;
	_ =	sdelay $0x1  }
0xa1: {  	s23 =	simm.s32 $0x1B8B  }
0xa2: {  	_ =	swait.ge [sflag:s23], $0x1  }
0xa3: {  	[sflag:s23] =	ssyncset.done $0x0  }
0xa4: {  	s25 =	simm.s32 $0x1B8E;
	s24 =	sld [smem:$0x3FFE];
	[sflag:s23] =	ssyncadd.s32 $0xFFFFFFFF  }
0xa5: {  	s26 =	simm.s32 $execute0_lowered;
	[smem:$0x3FD2] =	sst s25  }
0xa6: {  	s4 =	sshll.u32 s26, $0x1;
	_ =	strace $0x80000046;
	[dreg:$0x1] =	wrdreg $0xFFFFFFFF  }
0xa7: {  	s28 =	simm.s32 $_size_execute0_lowered;
	s2 =	sadd.s32 s2, s4;
	[dreg:$0x0] =	wrdreg $0x0  }
0xa8: {  	s4 =	sshll.u32 s28, $0x1;
	[dreg:$0x2] =	wrdreg s2  }
0xa9: {  	[dreg:$0x3] =	wrdreg s4  }
0xaa: {  	[dreg:$0x4] =	wrdreg $0xC0  }
0xab: {  	_ =	task [dreg:s6], $0x5FFFF  }
0xac: {  	[dreg:$0x1] =	wrdreg $0xFFFFFFFF  }
0xad: {  	[dreg:$0x0] =	wrdreg $0x60  }
0xae: {  	[dreg:$0x2] =	wrdreg s24  }
0xaf: {  	[dreg:$0x3] =	wrdreg $0x9  }
0xb0: {  	_ =	task.clear_ibuf [dreg:s6], $0x4FFFF;
	_ =	strace $0x90000046  }
0xb1: {  	s29 =	simm.s32 $0x9;
	_ =	strace $0x80000048  }
0xb2: {  	_ =	swait.ge [sflag:s29], $0x1  }
0xb3: {  	[sflag:s29] =	ssyncadd.s32 $0xFFFFFFFF  }
0xb4: {  	_ =	strace $0x90000048  }
0xb5: {  	_ =	sfence  }
0xb6: {  	s30 =	sld [smem:$0x0];
	_ =	sdelay $0x2  }
0xb7: {  	s31 =	sshll.u32 s1, $0xD;
	s1 =	sshrl.u32 s1, $0x2  }
0xb8: {  	s3 =	sand.u32 $0x4000, s31;
	s1 =	sadd.s32 s1, s30  }
0xb9: {  	s0 =	sor.u32 s3, s0;
	s1 =	sshll.u32 s1, $0x11  }
0xba: {  	s0 =	sor.u32 s1, s0  }
0xbb: {  	s0 =	sadd.s32 $0x8F2B, s0  }
0xbc: {  	[sflag:s0] =	ssyncadd.remote.s32 $0x1  }
0xbd: {  	_ =	sfence.sel $0xFFFF  }
0xbe: {  	[dreg:$0x0] =	wrdreg $0xFFFFFFFF;
	(pc) =	sbr.abs _section_cstart, $3  }
0xbf: {  	[dreg:$0x1] =	wrdreg $0xFFFFFFFF  }
0xc0: {  	_ =	task.clear_ibuf [dreg:s6], $0x2FFFF;
	_ =	strace $0x9FFFFFFF  }
0xc1: {  	(tm) =	ssettm $0x7FFFFFFF  }
tec
execute0_lowered:
.L_overlay_start_1:
0x0: {  	(tag) =	ssettag $0x1  }
0x1: {  	s1 =	srdreg.scid;
	s0 =	stileid.u32  }
0x2: {  	s4 =	rddreg [dreg:$0x0];
	s3 =	sand.u32 $0x1, s1;
	s30 =	sshll.u32 s0, $0x1  }
0x3: {  	s2 =	simm.s32 $0x0;
	s8 =	simm.s32 $0x0;
	s5 =	sor.u32 s3, s30  }
0x4: {  	s1 =	rddreg [dreg:$0x1];
	s3 =	ssub.s32 $0x2, s3;
	s6 =	smul.u32 $0x4E8, s5  }
0x5: {  	[smem:$0x7FF] =	sst s2;
	s5 =	smul.u32 $0x4F0, s5;
	s7 =	sshrl.u32 s3, $0x1  }
0x6: {  	_ =	strace $0x80000047;
	s31 =	ssub.s32 s3, s7;
	s7 =	simm.s32 $0x1  }
0x7: {  	s6 =	sadd.s32 s6, s4;
	s4 =	sadd.s32 s5, s4;
	s5 =	smax.u32 s31, $0x1  }
0x8: {  	v0 =	vimm.f32 $0.0e+00;
	v1 =	vimm.f32 $1.000000000e+00;
	s3 =	sadd.s32 $0x2C00, s6;
	s4 =	sadd.s32 $0xCA00, s4;
	s6 =	simm.s32 $0x2780  }
.LBB2_1:
0x9: {  	[tilespmem:s6], [sflag:$0x1] =	stream.linear.gather [hbm4b:s3+s2], $0x2740, $0x38;
	[tilespmem:$0x4F00] =	vst v63  }
0xa: {  	_ =	swait.ge [sflag:s7], $0x2740  }
0xb: {  	[sflag:s7] =	ssyncset.done $0x0  }
0xc: {  	s9 =	simm.s32 $0x0;
	[sflag:s7] =	ssyncadd.s32 $0xFFFFD8C0  }
.LBB2_2:
0xd: {  	p0 =	sne.s32 s9, $0x9DC0  }
.Ltmp0:
0xe: {  	_ = 	snop;
	(pc) =	sbr.rel @p0 .LBB2_2-.Ltmp0, $3  }
0xf: {  	_ =	sdelay $0x1  }
0x10: {  	s10 =	sshra.s32 s9, $0x2  }
0x11: {  	s9 =	sadd.s32 $0x40, s9;
	[tilespmem:s10+$0x0] =	vst v0  }
0x12: {  	s10 =	simm.s32 $0x0;
	s9 =	simm.s32 $0x40  }
.LBB2_4:
0x13: {  	p0 =	sne.s32 s9, $0x9CC0;
	v2 =	vld [tilespmem:s10+$0x2780];
	_ =	sdelay $0x3  }
.Ltmp1:
0x14: {  	(pc) =	sbr.rel @p0 .LBB2_4-.Ltmp1, $2  }
0x15: {  	_ =	sdelay $0x2  }
0x16: {  	s10 =	sshra.s32 s9, $0x2;
	s9 =	sadd.s32 $0x40, s9;
	[tilespmem:v2+s2+$0x0] =	vst.idx.add.f32.msk $0xffff, v1  }
0x17: {  	v2 =	vld [tilespmem:s10+$0x2780];
	_ =	sdelay $0x5  }
0x18: {  	s8 =	sadd.s32 $0x1, s8  }
0x19: {  	p0 =	sne.s32 s8, s5  }
.Ltmp2:
0x1a: {  	[tilespmem:v2+s2+$0x0] =	vst.idx.add.f32.msk $0xffff, v1;
	(pc) =	sbr.rel @p0 .LBB2_1-.Ltmp2, $4  }
0x1b: {  	[hbm4b:s4+s2] =	stream.linear.scatter [tilespmem:s2], [sflag:$0x1], $0x2780, $0x38;
	[tilespmem:$0x4F00] =	vst v63  }
0x1c: {  	_ =	swait.ge [sflag:s7], $0x2780  }
0x1d: {  	[sflag:s7] =	ssyncset.done $0x0  }
0x1e: {  	[sflag:s7] =	ssyncadd.s32 $0xFFFFD880  }
0x1f: {  	_ =	sfence.sel $0x180000  }
0x20: {  	[bflag:$0x0] =	sbarrier.arrive $0xFFFF  }
0x21: {  	p0 =	sne.s32 s0, $0x0;
	_ =	strace $0x90000047  }
0x22: {  	s0 =	sadd.s32 @!p0 $0x100000, s1;
	[bflag:$0x2] =	sbarrier.arrive $0xFFFF  }
0x23: {  	[sflag:s0] =	ssyncadd.tile.s32 @!p0 $0x1;
	_ =	shalt  }
.Lfunc_end2:
_tile_overlayer_lowered:
.L_overlay_start_2:
0x24: {  	(tag) =	ssettag $0x2  }
0x25: {  	s0 =	rddreg [dreg:$0x0];
	s2 =	stileid.u32  }
0x26: {  	s1 =	rddreg [dreg:$0x1];
	p0 =	sne.s32 s2, $0x0  }
0x27: {  	s3 =	rddreg [dreg:$0x2];
	[bflag:$0x3] =	sbarrier.arrive $0xFFFF;
	s2 =	simm.s32 @!p0 $0x1C01  }
0x28: {  	[timem:s3], [sflag:s2] =	dma.local @!p0 [hbm:s0], s1  }
0x29: {  	s0 =	simm.s32 @!p0 $0x1  }
0x2a: {  	_ =	swait.ge @!p0 [sflag:s0], s1  }
0x2b: {  	s1 =	ssub.s32 @!p0 $0x0, s1;
	[sflag:s0] =	ssyncset.done @!p0 $0x0  }
0x2c: {  	[sflag:s0] =	ssyncadd.s32 @!p0 s1  }
0x2d: {  	[bflag:$0x3] =	sbarrier.arrive $0xFFFF  }
0x2e: {  	_ =	shalt  }

// kernel: kernel.14.cloned.1.call-start
scs
__scs_entry_jumppad:
0x0: {  	(pc) =	sbr.rel $0x88, $3  }
0x1: {  	(tag) =	ssettag $0x0;
	lr =	simm.s32 $0x1  }
0x2: {  	[smem:$0x3F92] =	sst lr;
	_ =	strace $0xD0000000  }
0x3: {  	_ = 	snop  }
0x4: {  	_ = 	snop  }
0x5: {  	_ = 	snop  }
0x6: {  	_ = 	snop  }
0x7: {  	_ = 	snop  }
__scs_overlays_trampoline_lowered:
0x8: {  	[smem:$0x3FA1] =	sst s0  }
0x9: {  	[smem:$0x3FA2] =	sst s1  }
0xa: {  	[smem:$0x3FA3] =	sst s2  }
0xb: {  	[smem:$0x3FA4] =	sst s3  }
0xc: {  	[smem:$0x3FA5] =	sst s4  }
0xd: {  	[smem:$0x3FA6] =	sst s5  }
0xe: {  	[smem:$0x3FA7] =	sst s6  }
0xf: {  	[smem:$0x3FA8] =	sst s7  }
0x10: {  	[smem:$0x3FA9] =	sst s8  }
0x11: {  	[smem:$0x3FAA] =	sst s9;
	s0 =	simm.s32 @!p0 $0x0  }
0x12: {  	s1 =	sld [smem:$0x3F90];
	s0 =	simm.s32 @p0 $0x1  }
0x13: {  	[smem:$0x3FAB] =	sst s0;
	s0 =	simm.s32 @!p1 $0x0  }
0x14: {  	s2 =	sld [smem:$0x3F8F];
	s0 =	simm.s32 @p1 $0x1  }
0x15: {  	[smem:$0x3FAC] =	sst s0;
	s0 =	simm.s32 @!p2 $0x0  }
0x16: {  	s3 =	sld [smem:$0x3FDB];
	s0 =	simm.s32 @p2 $0x1  }
0x17: {  	s4 =	simm.s32 $0x1BF5;
	[smem:$0x3FAE] =	sst s0  }
0x18: {  	s0 =	sld [smem:$0x3F91];
	_ =	swait.ge [sflag:s4], $0x0  }
0x19: {  	s7 =	sld [smem:$0x3F92]  }
0x1a: {  	s8 =	sadd.s32 $0xFFFFE003, lr  }
0x1b: {  	s9 =	sadd.s32 $0xFFFFFEF7, lr;
	s5 =	simm.s32 $0xFFFFFFFF;
	p2 =	slt.u32 s8, $0xFFFFF086  }
0x1c: {  	p1 =	slt.u32 s9, $0xF7A;
	s5 =	simm.s32 @!p2 $0x0  }
0x1d: {  	s5 =	simm.s32 @p1 $0x1;
	p0 =	seq.s32 s7, s2  }
0x1e: {  	s7 =	smul.u32 @!p0 $0xF7A, s2;
	p2 =	seq.s32 @!p0 s5, $0x0  }
0x1f: {  	s9 =	smul.u32 $0xF7A, s1;
	s8 =	simm.s32 @!p0 $0x1BF5;
	p2 =	por !p2, p0  }
0x20: {  	[sflag:s8] =	ssyncset.s32 @!p0 $0xFFFFF086;
	s6 =	sadd.s32 @!p0 s3, s7;
	s7 =	simm.s32 @!p0 $0x108  }
0x21: {  	s3 =	sadd.s32 s3, s9;
	s6 =	sadd.s32 @!p0 $0x88, s6;
	s7 =	simm.s32 @p2 $0x1082  }
0x22: {  	[simem:s7], [sflag:s8] =	dma.local @!p0 [hbm:s6], $0xF7A  }
0x23: {  	s9 =	sor.u32 $0xD0000000, s2;
	s6 =	simm.s32 $0x108;
	_ =	swait.ge @!p0 [sflag:s8], $0x0  }
0x24: {  	s3 =	sadd.s32 $0x88, s3;
	s6 =	simm.s32 @!p1 $0x1082;
	[sflag:s4] =	ssyncset.s32 $0xFFFFF086  }
0x25: {  	[simem:s6], [sflag:s4] =	dma.local [hbm:s3], $0xF7A  }
0x26: {  	[smem:$0x3F92] =	sst s1;
	(tag) =	ssettag s2;
	_ =	strace s9  }
0x27: {  	s1 =	sld [smem:$0x3FA2]  }
0x28: {  	s2 =	sld [smem:$0x3FA3]  }
0x29: {  	s4 =	sld [smem:$0x3FA5]  }
0x2a: {  	p0 =	seq.s32 s5, $0x0;
	s5 =	sld [smem:$0x3FA6]  }
0x2b: {  	s6 =	sld [smem:$0x3FA7]  }
0x2c: {  	s7 =	sld [smem:$0x3FA8]  }
0x2d: {  	s3 =	simm.s32 $0x108;
	s8 =	sld [smem:$0x3FA9]  }
0x2e: {  	s3 =	simm.s32 @!p0 $0x1082;
	s9 =	sld [smem:$0x3FAA]  }
0x2f: {  	lr =	sadd.s32 s0, s3;
	s0 =	sld [smem:$0x3FA1]  }
0x30: {  	s3 =	sld [smem:$0x3FA4]  }
0x31: {  	[smem:$0x3FAD] =	sst s10  }
0x32: {  	s10 =	sld [smem:$0x3FAB];
	_ =	sdelay $0x3  }
0x33: {  	p0 =	seq.s32 s10, $0x1;
	s10 =	sld [smem:$0x3FAD];
	_ =	sdelay $0x3  }
0x34: {  	[smem:$0x3FAD] =	sst s10  }
0x35: {  	s10 =	sld [smem:$0x3FAC];
	_ =	sdelay $0x3  }
0x36: {  	p1 =	seq.s32 s10, $0x1;
	s10 =	sld [smem:$0x3FAD];
	_ =	sdelay $0x3  }
0x37: {  	[smem:$0x3FAD] =	sst s10  }
0x38: {  	s10 =	sld [smem:$0x3FAE]  }
0x39: {  	_ = 	snop;
	(pc) =	sbr.ind lr, $3  }
0x3a: {  	_ = 	snop  }
0x3b: {  	_ = 	snop  }
0x3c: {  	p2 =	seq.s32 s10, $0x1;
	s10 =	sld [smem:$0x3FAD]  }
0x3d: {  	_ =	shalt  }
0x3e: {  	_ =	shalt  }
0x3f: {  	_ =	shalt  }
0x40: {  	_ =	shalt  }
0x41: {  	_ =	shalt  }
0x42: {  	_ =	shalt  }
0x43: {  	_ =	shalt  }
0x44: {  	_ =	shalt  }
0x45: {  	_ =	shalt  }
0x46: {  	_ =	shalt  }
0x47: {  	_ =	shalt  }
0x48: {  	_ =	shalt  }
0x49: {  	_ =	shalt  }
0x4a: {  	_ =	shalt  }
0x4b: {  	_ =	shalt  }
0x4c: {  	_ =	shalt  }
0x4d: {  	_ =	shalt  }
0x4e: {  	_ =	shalt  }
0x4f: {  	_ =	shalt  }
0x50: {  	_ =	shalt  }
0x51: {  	_ =	shalt  }
0x52: {  	_ =	shalt  }
0x53: {  	_ =	shalt  }
0x54: {  	_ =	shalt  }
0x55: {  	_ =	shalt  }
0x56: {  	_ =	shalt  }
0x57: {  	_ =	shalt  }
0x58: {  	_ =	shalt  }
0x59: {  	_ =	shalt  }
0x5a: {  	_ =	shalt  }
0x5b: {  	_ =	shalt  }
0x5c: {  	_ =	shalt  }
0x5d: {  	_ =	shalt  }
0x5e: {  	_ =	shalt  }
0x5f: {  	_ =	shalt  }
0x60: {  	_ =	shalt  }
0x61: {  	_ =	shalt  }
0x62: {  	_ =	shalt  }
0x63: {  	_ =	shalt  }
0x64: {  	_ =	shalt  }
0x65: {  	_ =	shalt  }
0x66: {  	_ =	shalt  }
0x67: {  	_ =	shalt  }
0x68: {  	_ =	shalt  }
0x69: {  	_ =	shalt  }
0x6a: {  	_ =	shalt  }
0x6b: {  	_ =	shalt  }
0x6c: {  	_ =	shalt  }
0x6d: {  	_ =	shalt  }
0x6e: {  	_ =	shalt  }
0x6f: {  	_ =	shalt  }
0x70: {  	_ =	shalt  }
0x71: {  	_ =	shalt  }
0x72: {  	_ =	shalt  }
0x73: {  	_ =	shalt  }
0x74: {  	_ =	shalt  }
0x75: {  	_ =	shalt  }
0x76: {  	_ =	shalt  }
0x77: {  	_ =	shalt  }
0x78: {  	_ =	shalt  }
0x79: {  	_ =	shalt  }
0x7a: {  	_ =	shalt  }
0x7b: {  	_ =	shalt  }
0x7c: {  	_ =	shalt  }
0x7d: {  	_ =	shalt  }
0x7e: {  	_ =	shalt  }
0x7f: {  	_ =	shalt  }
0x80: {  	_ =	shalt  }
0x81: {  	_ =	shalt  }
0x82: {  	_ =	shalt  }
0x83: {  	_ =	shalt  }
0x84: {  	_ =	shalt  }
0x85: {  	_ =	shalt  }
0x86: {  	_ =	shalt  }
0x87: {  	_ =	shalt  }
.Lfunc_end0:
.L_simem_size_0:
called_computation.1_lowered:
.L_overlay_start_0:
0x88: {  	s2 =	sld [smem:$0x3FD9]  }
0x89: {  	s3 =	sld [smem:$0x3FFE];
	_ =	sdelay $0x1  }
0x8a: {  	s1 =	srdreg.scid  }
0x8b: {  	s0 =	sand.u32 $0x1, s1  }
0x8c: {  	s16 =	sshll.u32 s0, $0xA;
	s2 =	sadd.s32 s3, s2  }
0x8d: {  	s2 =	sadd.s32 s2, s16  }
0x8e: {  	[smem:$0x3FB9] =	sst s2  }
0x8f: {  	_ = 	snop  }
0x90: {  	(tm) =	ssettm $0x1  }
0x91: {  	s17 =	sld [smem:$0x3FFB];
	_ =	sdelay $0x3  }
0x92: {  	_ =	strace s17  }
0x93: {  	s2 =	sld [smem:$0x3FFC];
	_ =	sdelay $0x3  }
0x94: {  	_ =	strace s2  }
0x95: {  	s2 =	sld [smem:$0x3FFD];
	_ =	sdelay $0x3  }
0x96: {  	_ =	strace s2  }
0x97: {  	_ =	strace $0x8FFFFFFF  }
0x98: {  	s18 =	sld [smem:$0x3FDB];
	_ =	sdelay $0x1  }
0x99: {  	s19 =	simm.s32 $_scs_section_size  }
0x9a: {  	s4 =	simm.s32 $_size__tile_overlayer_lowered;
	s5 =	simm.s32 $_tile_overlayer_lowered  }
0x9b: {  	s22 =	simm.s32 $0x1BFF;
	s21 =	sshll.u32 s5, $0x1;
	s2 =	sadd.s32 s19, s18  }
0x9c: {  	s6 =	simm.s32 $0x0;
	s20 =	sshll.u32 s4, $0x1;
	s4 =	sadd.s32 s21, s2  }
0x9d: {  	[timem:s6], [sflag:s22] =	dma.local [hbm:s4], s20  }
0x9e: {  	_ =	swait.ge [sflag:s22], s20  }
0x9f: {  	s3 =	ssub.s32 $0x0, s20;
	[sflag:s22] =	ssyncset.done $0x0  }
0xa0: {  	[sflag:s22] =	ssyncadd.s32 s3;
	_ =	sdelay $0x1  }
0xa1: {  	s23 =	simm.s32 $0x1B8B  }
0xa2: {  	_ =	swait.ge [sflag:s23], $0x1  }
0xa3: {  	[sflag:s23] =	ssyncset.done $0x0  }
0xa4: {  	s25 =	simm.s32 $0x1B8E;
	s24 =	sld [smem:$0x3FFE];
	[sflag:s23] =	ssyncadd.s32 $0xFFFFFFFF  }
0xa5: {  	s26 =	simm.s32 $execute0_lowered;
	[smem:$0x3FD2] =	sst s25  }
0xa6: {  	s4 =	sshll.u32 s26, $0x1;
	_ =	strace $0x80000049;
	[dreg:$0x1] =	wrdreg $0xFFFFFFFF  }
0xa7: {  	s28 =	simm.s32 $_size_execute0_lowered;
	s2 =	sadd.s32 s2, s4;
	[dreg:$0x0] =	wrdreg $0x0  }
0xa8: {  	s4 =	sshll.u32 s28, $0x1;
	[dreg:$0x2] =	wrdreg s2  }
0xa9: {  	[dreg:$0x3] =	wrdreg s4  }
0xaa: {  	[dreg:$0x4] =	wrdreg $0xC0  }
0xab: {  	_ =	task [dreg:s6], $0x5FFFF  }
0xac: {  	[dreg:$0x1] =	wrdreg $0xFFFFFFFF  }
0xad: {  	[dreg:$0x0] =	wrdreg $0x60  }
0xae: {  	[dreg:$0x2] =	wrdreg s24  }
0xaf: {  	[dreg:$0x3] =	wrdreg $0x9  }
0xb0: {  	_ =	task.clear_ibuf [dreg:s6], $0x4FFFF;
	_ =	strace $0x90000049  }
0xb1: {  	s29 =	simm.s32 $0x9;
	_ =	strace $0x8000004B  }
0xb2: {  	_ =	swait.ge [sflag:s29], $0x1  }
0xb3: {  	[sflag:s29] =	ssyncadd.s32 $0xFFFFFFFF  }
0xb4: {  	_ =	strace $0x9000004B  }
0xb5: {  	_ =	sfence  }
0xb6: {  	s30 =	sld [smem:$0x0];
	_ =	sdelay $0x2  }
0xb7: {  	s31 =	sshll.u32 s1, $0xD;
	s1 =	sshrl.u32 s1, $0x2  }
0xb8: {  	s3 =	sand.u32 $0x4000, s31;
	s1 =	sadd.s32 s1, s30  }
0xb9: {  	s0 =	sor.u32 s3, s0;
	s1 =	sshll.u32 s1, $0x11  }
0xba: {  	s0 =	sor.u32 s1, s0  }
0xbb: {  	s0 =	sadd.s32 $0x8F2B, s0  }
0xbc: {  	[sflag:s0] =	ssyncadd.remote.s32 $0x1  }
0xbd: {  	_ =	sfence.sel $0xFFFF  }
0xbe: {  	[dreg:$0x0] =	wrdreg $0xFFFFFFFF;
	(pc) =	sbr.abs _section_cstart, $3  }
0xbf: {  	[dreg:$0x1] =	wrdreg $0xFFFFFFFF  }
0xc0: {  	_ =	task.clear_ibuf [dreg:s6], $0x2FFFF;
	_ =	strace $0x9FFFFFFF  }
0xc1: {  	(tm) =	ssettm $0x7FFFFFFF  }
tec
execute0_lowered:
.L_overlay_start_1:
0x0: {  	(tag) =	ssettag $0x1  }
0x1: {  	s1 =	srdreg.scid  }
0x2: {  	s0 =	stileid.u32;
	s4 =	rddreg [dreg:$0x0]  }
0x3: {  	s2 =	simm.s32 $0x0;
	s9 =	simm.s32 $0x13C00;
	s10 =	simm.s32 $0x14C00  }
0x4: {  	s11 =	simm.s32 $0x14400;
	s12 =	simm.s32 $0x15400;
	s13 =	simm.s32 $0x3  }
0x5: {  	s14 =	simm.s32 $0x9E00;
	s3 =	sand.u32 $0x1, s1;
	s5 =	sshll.u32 s0, $0x1  }
0x6: {  	s15 =	simm.s32 $0x4;
	s16 =	simm.s32 $0x2;
	s5 =	sor.u32 s3, s5  }
0x7: {  	s17 =	simm.s32 $0x0;
	[smem:$0x7FF] =	sst s2;
	s5 =	smul.u32 $0x13C0, s5  }
0x8: {  	s1 =	rddreg [dreg:$0x1];
	_ =	strace $0x8000004A;
	s6 =	ssub.s32 $0x2, s3  }
0x9: {  	s3 =	sadd.s32 $0x16800, s4;
	s31 =	sshrl.u32 s6, $0x1;
	s7 =	sadd.s32 s5, s4  }
0xa: {  	s8 =	ssub.s32 s6, s31;
	s4 =	sadd.s32 $0x2C00, s4;
	s5 =	sadd.s32 $0x20600, s7  }
0xb: {  	v0 =	vimm.f32 $0.0e+00;
	s6 =	sadd.s32 $0x47E00, s7;
	s7 =	smax.u32 s8, $0x1;
	s8 =	simm.s32 $0x1  }
.LBB2_1:
0xc: {  	[tilespmem:s2], [sflag:$0x1] =	stream.linear.gather [hbm4b:s5+s2], $0x9E00, $0x38;
	[tilespmem:$0x15C00] =	vst v63  }
0xd: {  	_ =	swait.ge [sflag:s8], $0x9E00  }
0xe: {  	[sflag:s8] =	ssyncset.done $0x0  }
0xf: {  	s18 =	simm.s32 $0x40;
	s19 =	simm.s32 $0x0;
	[sflag:s8] =	ssyncadd.s32 $0xFFFF6200  }
.LBB2_2:
0x10: {  	p0 =	sne.s32 s18, $0x277C0;
	[tilespmem:s19+$0x9E00] =	vst v0;
	s19 =	smov.u32 s18;
	s18 =	sadd.s32 $0x40, s18  }
.Ltmp0:
0x11: {  	(pc) =	sbr.rel @p0 .LBB2_2-.Ltmp0, $2  }
0x12: {  	_ =	sdelay $0x2  }
0x13: {  	s19 =	sshra.s32 s19, $0x2  }
0x14: {  	[tilespmem:s19+$0x9E00] =	vst v0;
	s18 =	simm.s32 $0x0  }
0x15: {  	[tilespmem:s9], [sflag:$0x3] =	stream.linear.gather [hbm4b:s3+s18], $0x800, $0x38;
	[tilespmem:$0x15C00] =	vst v63  }
0x16: {  	s19 =	simm.s32 $0x0  }
0x17: {  	[tilespmem:s10], [sflag:$0x1] =	stream.linear.gather [hbm4b:s4+s18], $0x800, $0x38;
	[tilespmem:$0x15C00] =	vst v63  }
.LBB2_4:
0x18: {  	s20 =	sshll.u32 s19, $0x9  }
0x19: {  	s21 =	sor.u32 $0x100, s20  }
0x1a: {  	s22 =	sadd.s32 s3, s21  }
0x1b: {  	[tilespmem:s11], [sflag:$0x4] =	stream.linear.gather [hbm4b:s22+s18], $0x800, $0x38;
	[tilespmem:$0x15C00] =	vst v63  }
0x1c: {  	s21 =	sadd.s32 s4, s21  }
0x1d: {  	[tilespmem:s12], [sflag:$0x2] =	stream.linear.gather [hbm4b:s21+s18], $0x800, $0x38;
	[tilespmem:$0x15C00] =	vst v63  }
0x1e: {  	_ =	swait.ge [sflag:s13], $0x800  }
0x1f: {  	[sflag:s13] =	ssyncset.done $0x0  }
0x20: {  	[sflag:s13] =	ssyncadd.s32 $0xFFFFF800  }
0x21: {  	_ =	swait.ge [sflag:s8], $0x800  }
0x22: {  	[sflag:s8] =	ssyncset.done $0x0  }
0x23: {  	s29 =	simm.s32 $0x0;
	[sflag:s8] =	ssyncadd.s32 $0xFFFFF800  }
0x24: {  	v6 =	vld [tilespmem:s29+$0x13C00];
	_ =	sdelay $0x4  }
0x25: {  	v1 =	vld [tilespmem:s29+$0x14C00];
	_ =	sdelay $0x2  }
0x26: {  	s30 =	simm.s32 $0x10;
	v3 =	vld.idx.msk [tilespmem:v6+s2+$0x0], $0xffff  }
0x27: {  	v4 =	vld [tilespmem:s30+$0x13C00];
	v5 =	vadd.s32 $0x2780, v6;
	_ =	sdelay $0x2  }
0x28: {  	v2 =	vld [tilespmem:s30+$0x14C00]  }
0x29: {  	[tilespmem:v1+s14+$0x0] =	vst.idx.add.f32.msk $0xffff, v3  }
0x2a: {  	v8 =	vadd.s32 $0x2780, v1;
	v7 =	vld.idx.msk [tilespmem:v5+s2+$0x0], $0xffff  }
0x2b: {  	s31 =	simm.s32 $0x20;
	v9 =	vadd.s32 $0x4F00, v6  }
0x2c: {  	v5 =	vld [tilespmem:s31+$0x13C00]  }
0x2d: {  	s22 =	simm.s32 $0x30;
	v10 =	vld.idx.msk [tilespmem:v4+s2+$0x0], $0xffff  }
0x2e: {  	v11 =	vadd.s32 $0x2780, v4;
	v12 =	vadd.s32 $0x7680, v6;
	v6 =	vld [tilespmem:s22+$0x13C00]  }
0x2f: {  	[tilespmem:v8+s14+$0x0] =	vst.idx.add.f32.msk $0xffff, v7  }
0x30: {  	v7 =	vld.idx.msk [tilespmem:v9+s2+$0x0], $0xffff;
	v9 =	vadd.s32 $0x4F00, v1  }
0x31: {  	v3 =	vld [tilespmem:s31+$0x14C00]  }
0x32: {  	[tilespmem:v2+s14+$0x0] =	vst.idx.add.f32.msk $0xffff, v10  }
0x33: {  	v8 =	vld.idx.msk [tilespmem:v11+s2+$0x0], $0xffff  }
0x34: {  	v10 =	vadd.s32 $0x2780, v2;
	v11 =	vld.idx.msk [tilespmem:v5+s2+$0x0], $0xffff  }
0x35: {  	[tilespmem:v9+s14+$0x0] =	vst.idx.add.f32.msk $0xffff, v7;
	v9 =	vadd.s32 $0x4F00, v4  }
0x36: {  	v7 =	vld.idx.msk [tilespmem:v12+s2+$0x0], $0xffff;
	v12 =	vmov v3  }
0x37: {  	s21 =	simm.s32 $0x100;
	v13 =	vadd.s32 $0x2780, v5  }
.LBB2_5:
0x38: {  	p0 =	sne.s32 s21, $0x1FC0;
	v14 =	vadd.s32 $0x7680, v1;
	v1 =	vmov v2;
	v2 =	vmov v3;
	v3 =	vld [tilespmem:s22+$0x14C00]  }
0x39: {  	[tilespmem:v10+s14+$0x0] =	vst.idx.add.f32.msk $0xffff, v8;
	v15 =	vmov v6  }
0x3a: {  	v16 =	vld.idx.msk [tilespmem:v9+s2+$0x0], $0xffff  }
0x3b: {  	v17 =	vadd.s32 $0x4F00, v1;
	[tilespmem:v12+s14+$0x0] =	vst.idx.add.f32.msk $0xffff, v11  }
0x3c: {  	v18 =	vadd.s32 $0x7680, v4;
	v4 =	vmov v5;
	v5 =	vmov v6;
	v8 =	vld.idx.msk [tilespmem:v13+s2+$0x0], $0xffff  }
.Ltmp1:
0x3d: {  	s22 =	sshra.s32 s21, $0x2;
	[tilespmem:v14+s14+$0x0] =	vst.idx.add.f32.msk $0xffff, v7;
	v12 =	vmov v3;
	(pc) =	sbr.rel @p0 .LBB2_5-.Ltmp1, $4  }
0x3e: {  	v10 =	vadd.s32 $0x2780, v2;
	v6 =	vld [tilespmem:s22+$0x13C00]  }
0x3f: {  	v9 =	vadd.s32 $0x4F00, v4;
	v11 =	vld.idx.msk [tilespmem:v15+s2+$0x0], $0xffff  }
0x40: {  	[tilespmem:v17+s14+$0x0] =	vst.idx.add.f32.msk $0xffff, v16  }
0x41: {  	s21 =	sadd.s32 $0x40, s21;
	v13 =	vadd.s32 $0x2780, v5;
	v7 =	vld.idx.msk [tilespmem:v18+s2+$0x0], $0xffff  }
0x42: {  	_ =	sdelay $0x1  }
0x43: {  	v14 =	vld [tilespmem:s22+$0x14C00];
	_ =	sdelay $0x2  }
0x44: {  	v15 =	vld.idx.msk [tilespmem:v6+s2+$0x0], $0xffff  }
0x45: {  	v16 =	vadd.s32 $0x2780, v6;
	_ =	sdelay $0x1  }
0x46: {  	[tilespmem:v12+s14+$0x0] =	vst.idx.add.f32.msk $0xffff, v11  }
0x47: {  	v12 =	vadd.s32 $0x2780, v3;
	v11 =	vld.idx.msk [tilespmem:v13+s2+$0x0], $0xffff  }
0x48: {  	v13 =	vadd.s32 $0x4F00, v5;
	[tilespmem:v14+s14+$0x0] =	vst.idx.add.f32.msk $0xffff, v15  }
0x49: {  	v63 =	vadd.s32 $0x2780, v14;
	v15 =	vld.idx.msk [tilespmem:v16+s2+$0x0], $0xffff  }
0x4a: {  	[tilespmem:v10+s14+$0x0] =	vst.idx.add.f32.msk $0xffff, v8;
	v8 =	vadd.s32 $0x4F00, v6  }
0x4b: {  	v10 =	vadd.s32 $0x4F00, v2;
	v9 =	vld.idx.msk [tilespmem:v9+s2+$0x0], $0xffff  }
0x4c: {  	v4 =	vadd.s32 $0x7680, v4;
	[tilespmem:v12+s14+$0x0] =	vst.idx.add.f32.msk $0xffff, v11  }
0x4d: {  	v12 =	vadd.s32 $0x4F00, v3;
	v11 =	vld.idx.msk [tilespmem:v13+s2+$0x0], $0xffff  }
0x4e: {  	v5 =	vadd.s32 $0x7680, v5;
	[tilespmem:v63+s14+$0x0] =	vst.idx.add.f32.msk $0xffff, v15  }
0x4f: {  	v13 =	vadd.s32 $0x4F00, v14;
	v8 =	vld.idx.msk [tilespmem:v8+s2+$0x0], $0xffff  }
0x50: {  	v6 =	vadd.s32 $0x7680, v6;
	[tilespmem:v10+s14+$0x0] =	vst.idx.add.f32.msk $0xffff, v9  }
0x51: {  	v4 =	vld.idx.msk [tilespmem:v4+s2+$0x0], $0xffff  }
0x52: {  	v1 =	vadd.s32 $0x7680, v1;
	[tilespmem:v12+s14+$0x0] =	vst.idx.add.f32.msk $0xffff, v11  }
0x53: {  	v2 =	vadd.s32 $0x7680, v2;
	v5 =	vld.idx.msk [tilespmem:v5+s2+$0x0], $0xffff  }
0x54: {  	v3 =	vadd.s32 $0x7680, v3;
	[tilespmem:v13+s14+$0x0] =	vst.idx.add.f32.msk $0xffff, v8  }
0x55: {  	v8 =	vadd.s32 $0x7680, v14;
	v6 =	vld.idx.msk [tilespmem:v6+s2+$0x0], $0xffff;
	_ =	sdelay $0x1  }
0x56: {  	[tilespmem:v1+s14+$0x0] =	vst.idx.add.f32.msk $0xffff, v7  }
0x57: {  	[tilespmem:v2+s14+$0x0] =	vst.idx.add.f32.msk $0xffff, v4  }
0x58: {  	s20 =	sadd.s32 $0x200, s20;
	[tilespmem:v3+s14+$0x0] =	vst.idx.add.f32.msk $0xffff, v5  }
0x59: {  	s28 =	simm.s32 $0x0;
	s21 =	sadd.s32 s3, s20;
	[tilespmem:v8+s14+$0x0] =	vst.idx.add.f32.msk $0xffff, v6  }
0x5a: {  	[tilespmem:s9], [sflag:$0x3] =	stream.linear.gather [hbm4b:s21+s28], $0x800, $0x38;
	[tilespmem:$0x15C00] =	vst v63  }
0x5b: {  	s20 =	sadd.s32 s4, s20  }
0x5c: {  	[tilespmem:s10], [sflag:$0x1] =	stream.linear.gather [hbm4b:s20+s28], $0x800, $0x38;
	[tilespmem:$0x15C00] =	vst v63  }
0x5d: {  	_ =	swait.ge [sflag:s15], $0x800  }
0x5e: {  	[sflag:s15] =	ssyncset.done $0x0  }
0x5f: {  	[sflag:s15] =	ssyncadd.s32 $0xFFFFF800  }
0x60: {  	_ =	swait.ge [sflag:s16], $0x800  }
0x61: {  	[sflag:s16] =	ssyncset.done $0x0  }
0x62: {  	s29 =	simm.s32 $0x0;
	[sflag:s16] =	ssyncadd.s32 $0xFFFFF800  }
0x63: {  	v6 =	vld [tilespmem:s29+$0x14400];
	_ =	sdelay $0x4  }
0x64: {  	v1 =	vld [tilespmem:s29+$0x15400];
	_ =	sdelay $0x2  }
0x65: {  	s30 =	simm.s32 $0x10;
	v3 =	vld.idx.msk [tilespmem:v6+s2+$0x0], $0xffff  }
0x66: {  	v4 =	vld [tilespmem:s30+$0x14400];
	v5 =	vadd.s32 $0x2780, v6;
	_ =	sdelay $0x2  }
0x67: {  	v2 =	vld [tilespmem:s30+$0x15400]  }
0x68: {  	[tilespmem:v1+s14+$0x0] =	vst.idx.add.f32.msk $0xffff, v3  }
0x69: {  	v8 =	vadd.s32 $0x2780, v1;
	v7 =	vld.idx.msk [tilespmem:v5+s2+$0x0], $0xffff  }
0x6a: {  	s31 =	simm.s32 $0x20;
	v9 =	vadd.s32 $0x4F00, v6  }
0x6b: {  	v5 =	vld [tilespmem:s31+$0x14400]  }
0x6c: {  	s21 =	simm.s32 $0x30;
	v10 =	vld.idx.msk [tilespmem:v4+s2+$0x0], $0xffff  }
0x6d: {  	v11 =	vadd.s32 $0x2780, v4;
	v12 =	vadd.s32 $0x7680, v6;
	v6 =	vld [tilespmem:s21+$0x14400]  }
0x6e: {  	[tilespmem:v8+s14+$0x0] =	vst.idx.add.f32.msk $0xffff, v7  }
0x6f: {  	v7 =	vld.idx.msk [tilespmem:v9+s2+$0x0], $0xffff;
	v9 =	vadd.s32 $0x4F00, v1  }
0x70: {  	v3 =	vld [tilespmem:s31+$0x15400]  }
0x71: {  	[tilespmem:v2+s14+$0x0] =	vst.idx.add.f32.msk $0xffff, v10  }
0x72: {  	v8 =	vld.idx.msk [tilespmem:v11+s2+$0x0], $0xffff  }
0x73: {  	v10 =	vadd.s32 $0x2780, v2;
	v11 =	vld.idx.msk [tilespmem:v5+s2+$0x0], $0xffff  }
0x74: {  	[tilespmem:v9+s14+$0x0] =	vst.idx.add.f32.msk $0xffff, v7;
	v9 =	vadd.s32 $0x4F00, v4  }
0x75: {  	v7 =	vld.idx.msk [tilespmem:v12+s2+$0x0], $0xffff;
	v12 =	vmov v3  }
0x76: {  	s20 =	simm.s32 $0x100;
	v13 =	vadd.s32 $0x2780, v5  }
.LBB2_7:
0x77: {  	p0 =	sne.s32 s20, $0x1FC0;
	v14 =	vadd.s32 $0x7680, v1;
	v1 =	vmov v2;
	v2 =	vmov v3;
	v3 =	vld [tilespmem:s21+$0x15400]  }
0x78: {  	[tilespmem:v10+s14+$0x0] =	vst.idx.add.f32.msk $0xffff, v8;
	v15 =	vmov v6  }
0x79: {  	v16 =	vld.idx.msk [tilespmem:v9+s2+$0x0], $0xffff  }
0x7a: {  	v17 =	vadd.s32 $0x4F00, v1;
	[tilespmem:v12+s14+$0x0] =	vst.idx.add.f32.msk $0xffff, v11  }
0x7b: {  	v18 =	vadd.s32 $0x7680, v4;
	v4 =	vmov v5;
	v5 =	vmov v6;
	v8 =	vld.idx.msk [tilespmem:v13+s2+$0x0], $0xffff  }
.Ltmp2:
0x7c: {  	s21 =	sshra.s32 s20, $0x2;
	[tilespmem:v14+s14+$0x0] =	vst.idx.add.f32.msk $0xffff, v7;
	v12 =	vmov v3;
	(pc) =	sbr.rel @p0 .LBB2_7-.Ltmp2, $4  }
0x7d: {  	v10 =	vadd.s32 $0x2780, v2;
	v6 =	vld [tilespmem:s21+$0x14400]  }
0x7e: {  	v9 =	vadd.s32 $0x4F00, v4;
	v11 =	vld.idx.msk [tilespmem:v15+s2+$0x0], $0xffff  }
0x7f: {  	[tilespmem:v17+s14+$0x0] =	vst.idx.add.f32.msk $0xffff, v16  }
0x80: {  	s20 =	sadd.s32 $0x40, s20;
	v13 =	vadd.s32 $0x2780, v5;
	v7 =	vld.idx.msk [tilespmem:v18+s2+$0x0], $0xffff  }
0x81: {  	_ =	sdelay $0x1  }
0x82: {  	v14 =	vld [tilespmem:s21+$0x15400];
	_ =	sdelay $0x2  }
0x83: {  	v15 =	vld.idx.msk [tilespmem:v6+s2+$0x0], $0xffff  }
0x84: {  	v16 =	vadd.s32 $0x2780, v6;
	_ =	sdelay $0x1  }
0x85: {  	[tilespmem:v12+s14+$0x0] =	vst.idx.add.f32.msk $0xffff, v11  }
0x86: {  	v54 =	vadd.s32 $0x2780, v3;
	v11 =	vld.idx.msk [tilespmem:v13+s2+$0x0], $0xffff  }
0x87: {  	v55 =	vadd.s32 $0x4F00, v5;
	[tilespmem:v14+s14+$0x0] =	vst.idx.add.f32.msk $0xffff, v15  }
0x88: {  	v56 =	vadd.s32 $0x2780, v14;
	v15 =	vld.idx.msk [tilespmem:v16+s2+$0x0], $0xffff  }
0x89: {  	[tilespmem:v10+s14+$0x0] =	vst.idx.add.f32.msk $0xffff, v8;
	v57 =	vadd.s32 $0x4F00, v6  }
0x8a: {  	v58 =	vadd.s32 $0x4F00, v2;
	v9 =	vld.idx.msk [tilespmem:v9+s2+$0x0], $0xffff  }
0x8b: {  	v4 =	vadd.s32 $0x7680, v4;
	[tilespmem:v54+s14+$0x0] =	vst.idx.add.f32.msk $0xffff, v11  }
0x8c: {  	v59 =	vadd.s32 $0x4F00, v3;
	v11 =	vld.idx.msk [tilespmem:v55+s2+$0x0], $0xffff  }
0x8d: {  	v60 =	vadd.s32 $0x7680, v5;
	[tilespmem:v56+s14+$0x0] =	vst.idx.add.f32.msk $0xffff, v15  }
0x8e: {  	v61 =	vadd.s32 $0x4F00, v14;
	v8 =	vld.idx.msk [tilespmem:v57+s2+$0x0], $0xffff  }
0x8f: {  	v62 =	vadd.s32 $0x7680, v6;
	[tilespmem:v58+s14+$0x0] =	vst.idx.add.f32.msk $0xffff, v9  }
0x90: {  	v4 =	vld.idx.msk [tilespmem:v4+s2+$0x0], $0xffff  }
0x91: {  	v1 =	vadd.s32 $0x7680, v1;
	[tilespmem:v59+s14+$0x0] =	vst.idx.add.f32.msk $0xffff, v11  }
0x92: {  	v2 =	vadd.s32 $0x7680, v2;
	v5 =	vld.idx.msk [tilespmem:v60+s2+$0x0], $0xffff  }
0x93: {  	v3 =	vadd.s32 $0x7680, v3;
	s19 =	sadd.s32 $0x1, s19;
	[tilespmem:v61+s14+$0x0] =	vst.idx.add.f32.msk $0xffff, v8  }
0x94: {  	p0 =	sne.s32 s19, $0x4E;
	v63 =	vadd.s32 $0x7680, v14;
	v6 =	vld.idx.msk [tilespmem:v62+s2+$0x0], $0xffff  }
.Ltmp3:
0x95: {  	_ = 	snop;
	(pc) =	sbr.rel @p0 .LBB2_4-.Ltmp3, $4  }
0x96: {  	[tilespmem:v1+s14+$0x0] =	vst.idx.add.f32.msk $0xffff, v7  }
0x97: {  	[tilespmem:v2+s14+$0x0] =	vst.idx.add.f32.msk $0xffff, v4  }
0x98: {  	[tilespmem:v3+s14+$0x0] =	vst.idx.add.f32.msk $0xffff, v5  }
0x99: {  	[tilespmem:v63+s14+$0x0] =	vst.idx.add.f32.msk $0xffff, v6  }
0x9a: {  	_ =	swait.ge [sflag:s13], $0x800  }
0x9b: {  	[sflag:s13] =	ssyncset.done $0x0  }
0x9c: {  	[sflag:s13] =	ssyncadd.s32 $0xFFFFF800  }
0x9d: {  	_ =	swait.ge [sflag:s8], $0x800  }
0x9e: {  	[sflag:s8] =	ssyncset.done $0x0  }
0x9f: {  	s18 =	simm.s32 $0x0;
	[sflag:s8] =	ssyncadd.s32 $0xFFFFF800  }
0xa0: {  	v6 =	vld [tilespmem:s18+$0x13C00];
	_ =	sdelay $0x4  }
0xa1: {  	v1 =	vld [tilespmem:s18+$0x14C00];
	_ =	sdelay $0x2  }
0xa2: {  	s30 =	simm.s32 $0x10;
	v3 =	vld.idx.msk [tilespmem:v6+s2+$0x0], $0xffff  }
0xa3: {  	v4 =	vld [tilespmem:s30+$0x13C00];
	v5 =	vadd.s32 $0x2780, v6;
	_ =	sdelay $0x2  }
0xa4: {  	v2 =	vld [tilespmem:s30+$0x14C00]  }
0xa5: {  	[tilespmem:v1+s14+$0x0] =	vst.idx.add.f32.msk $0xffff, v3  }
0xa6: {  	v8 =	vadd.s32 $0x2780, v1;
	v7 =	vld.idx.msk [tilespmem:v5+s2+$0x0], $0xffff  }
0xa7: {  	s31 =	simm.s32 $0x20;
	v9 =	vadd.s32 $0x4F00, v6  }
0xa8: {  	v5 =	vld [tilespmem:s31+$0x13C00]  }
0xa9: {  	s19 =	simm.s32 $0x30;
	v10 =	vld.idx.msk [tilespmem:v4+s2+$0x0], $0xffff  }
0xaa: {  	v11 =	vadd.s32 $0x2780, v4;
	v12 =	vadd.s32 $0x7680, v6;
	v6 =	vld [tilespmem:s19+$0x13C00]  }
0xab: {  	[tilespmem:v8+s14+$0x0] =	vst.idx.add.f32.msk $0xffff, v7  }
0xac: {  	v7 =	vld.idx.msk [tilespmem:v9+s2+$0x0], $0xffff;
	v9 =	vadd.s32 $0x4F00, v1  }
0xad: {  	v3 =	vld [tilespmem:s31+$0x14C00]  }
0xae: {  	[tilespmem:v2+s14+$0x0] =	vst.idx.add.f32.msk $0xffff, v10  }
0xaf: {  	v8 =	vld.idx.msk [tilespmem:v11+s2+$0x0], $0xffff  }
0xb0: {  	v10 =	vadd.s32 $0x2780, v2;
	v11 =	vld.idx.msk [tilespmem:v5+s2+$0x0], $0xffff  }
0xb1: {  	[tilespmem:v9+s14+$0x0] =	vst.idx.add.f32.msk $0xffff, v7;
	v9 =	vadd.s32 $0x4F00, v4  }
0xb2: {  	v7 =	vld.idx.msk [tilespmem:v12+s2+$0x0], $0xffff;
	v12 =	vmov v3  }
0xb3: {  	s18 =	simm.s32 $0x100;
	v13 =	vadd.s32 $0x2780, v5  }
.LBB2_10:
0xb4: {  	p0 =	sne.s32 s18, $0x1FC0;
	v14 =	vadd.s32 $0x7680, v1;
	v1 =	vmov v2;
	v2 =	vmov v3;
	v3 =	vld [tilespmem:s19+$0x14C00]  }
0xb5: {  	[tilespmem:v10+s14+$0x0] =	vst.idx.add.f32.msk $0xffff, v8;
	v15 =	vmov v6  }
0xb6: {  	v16 =	vld.idx.msk [tilespmem:v9+s2+$0x0], $0xffff  }
0xb7: {  	v17 =	vadd.s32 $0x4F00, v1;
	[tilespmem:v12+s14+$0x0] =	vst.idx.add.f32.msk $0xffff, v11  }
0xb8: {  	v18 =	vadd.s32 $0x7680, v4;
	v4 =	vmov v5;
	v5 =	vmov v6;
	v8 =	vld.idx.msk [tilespmem:v13+s2+$0x0], $0xffff  }
.Ltmp4:
0xb9: {  	s19 =	sshra.s32 s18, $0x2;
	[tilespmem:v14+s14+$0x0] =	vst.idx.add.f32.msk $0xffff, v7;
	v12 =	vmov v3;
	(pc) =	sbr.rel @p0 .LBB2_10-.Ltmp4, $4  }
0xba: {  	v10 =	vadd.s32 $0x2780, v2;
	v6 =	vld [tilespmem:s19+$0x13C00]  }
0xbb: {  	v9 =	vadd.s32 $0x4F00, v4;
	v11 =	vld.idx.msk [tilespmem:v15+s2+$0x0], $0xffff  }
0xbc: {  	[tilespmem:v17+s14+$0x0] =	vst.idx.add.f32.msk $0xffff, v16  }
0xbd: {  	s18 =	sadd.s32 $0x40, s18;
	v13 =	vadd.s32 $0x2780, v5;
	v7 =	vld.idx.msk [tilespmem:v18+s2+$0x0], $0xffff  }
0xbe: {  	_ =	sdelay $0x1  }
0xbf: {  	v14 =	vld [tilespmem:s19+$0x14C00];
	_ =	sdelay $0x2  }
0xc0: {  	v15 =	vld.idx.msk [tilespmem:v6+s2+$0x0], $0xffff  }
0xc1: {  	v16 =	vadd.s32 $0x2780, v6;
	_ =	sdelay $0x1  }
0xc2: {  	[tilespmem:v12+s14+$0x0] =	vst.idx.add.f32.msk $0xffff, v11  }
0xc3: {  	v54 =	vadd.s32 $0x2780, v3;
	v11 =	vld.idx.msk [tilespmem:v13+s2+$0x0], $0xffff  }
0xc4: {  	v55 =	vadd.s32 $0x4F00, v5;
	[tilespmem:v14+s14+$0x0] =	vst.idx.add.f32.msk $0xffff, v15  }
0xc5: {  	v56 =	vadd.s32 $0x2780, v14;
	v15 =	vld.idx.msk [tilespmem:v16+s2+$0x0], $0xffff  }
0xc6: {  	[tilespmem:v10+s14+$0x0] =	vst.idx.add.f32.msk $0xffff, v8;
	v57 =	vadd.s32 $0x4F00, v6  }
0xc7: {  	v58 =	vadd.s32 $0x4F00, v2;
	v9 =	vld.idx.msk [tilespmem:v9+s2+$0x0], $0xffff  }
0xc8: {  	v4 =	vadd.s32 $0x7680, v4;
	[tilespmem:v54+s14+$0x0] =	vst.idx.add.f32.msk $0xffff, v11  }
0xc9: {  	v59 =	vadd.s32 $0x4F00, v3;
	v11 =	vld.idx.msk [tilespmem:v55+s2+$0x0], $0xffff  }
0xca: {  	v60 =	vadd.s32 $0x7680, v5;
	[tilespmem:v56+s14+$0x0] =	vst.idx.add.f32.msk $0xffff, v15  }
0xcb: {  	v61 =	vadd.s32 $0x4F00, v14;
	v8 =	vld.idx.msk [tilespmem:v57+s2+$0x0], $0xffff  }
0xcc: {  	v62 =	vadd.s32 $0x7680, v6;
	[tilespmem:v58+s14+$0x0] =	vst.idx.add.f32.msk $0xffff, v9  }
0xcd: {  	v4 =	vld.idx.msk [tilespmem:v4+s2+$0x0], $0xffff  }
0xce: {  	v1 =	vadd.s32 $0x7680, v1;
	[tilespmem:v59+s14+$0x0] =	vst.idx.add.f32.msk $0xffff, v11  }
0xcf: {  	v2 =	vadd.s32 $0x7680, v2;
	v5 =	vld.idx.msk [tilespmem:v60+s2+$0x0], $0xffff  }
0xd0: {  	v3 =	vadd.s32 $0x7680, v3;
	[tilespmem:v61+s14+$0x0] =	vst.idx.add.f32.msk $0xffff, v8  }
0xd1: {  	v63 =	vadd.s32 $0x7680, v14;
	v6 =	vld.idx.msk [tilespmem:v62+s2+$0x0], $0xffff;
	_ =	sdelay $0x1  }
0xd2: {  	[tilespmem:v1+s14+$0x0] =	vst.idx.add.f32.msk $0xffff, v7  }
0xd3: {  	s17 =	sadd.s32 $0x1, s17;
	[tilespmem:v2+s14+$0x0] =	vst.idx.add.f32.msk $0xffff, v4  }
0xd4: {  	p0 =	sne.s32 s17, s7;
	[tilespmem:v3+s14+$0x0] =	vst.idx.add.f32.msk $0xffff, v5  }
.Ltmp5:
0xd5: {  	[tilespmem:v63+s14+$0x0] =	vst.idx.add.f32.msk $0xffff, v6;
	(pc) =	sbr.rel @p0 .LBB2_1-.Ltmp5, $4  }
0xd6: {  	[hbm4b:s6+s2] =	stream.linear.scatter [tilespmem:s14], [sflag:$0x1], $0x9E00, $0x38;
	[tilespmem:$0x15C00] =	vst v63  }
0xd7: {  	_ =	swait.ge [sflag:s8], $0x9E00  }
0xd8: {  	[sflag:s8] =	ssyncset.done $0x0  }
0xd9: {  	[sflag:s8] =	ssyncadd.s32 $0xFFFF6200  }
0xda: {  	_ =	sfence.sel $0x180000  }
0xdb: {  	[bflag:$0x0] =	sbarrier.arrive $0xFFFF  }
0xdc: {  	p0 =	sne.s32 s0, $0x0;
	_ =	strace $0x9000004A  }
0xdd: {  	s0 =	sadd.s32 @!p0 $0x100000, s1;
	[bflag:$0x2] =	sbarrier.arrive $0xFFFF  }
0xde: {  	[sflag:s0] =	ssyncadd.tile.s32 @!p0 $0x1;
	_ =	shalt  }
.Lfunc_end2:
_tile_overlayer_lowered:
.L_overlay_start_2:
0xdf: {  	(tag) =	ssettag $0x2  }
0xe0: {  	s0 =	rddreg [dreg:$0x0];
	s2 =	stileid.u32  }
0xe1: {  	s1 =	rddreg [dreg:$0x1];
	p0 =	sne.s32 s2, $0x0  }
0xe2: {  	s3 =	rddreg [dreg:$0x2];
	[bflag:$0x3] =	sbarrier.arrive $0xFFFF;
	s2 =	simm.s32 @!p0 $0x1C01  }
0xe3: {  	[timem:s3], [sflag:s2] =	dma.local @!p0 [hbm:s0], s1  }
0xe4: {  	s0 =	simm.s32 @!p0 $0x1  }
0xe5: {  	_ =	swait.ge @!p0 [sflag:s0], s1  }
0xe6: {  	s1 =	ssub.s32 @!p0 $0x0, s1;
	[sflag:s0] =	ssyncset.done @!p0 $0x0  }
0xe7: {  	[sflag:s0] =	ssyncadd.s32 @!p0 s1  }
0xe8: {  	[bflag:$0x3] =	sbarrier.arrive $0xFFFF  }
0xe9: {  	_ =	shalt  }

// kernel: kernel.17.cloned.1.call-start
scs
__scs_entry_jumppad:
0x0: {  	(pc) =	sbr.rel $0x88, $3  }
0x1: {  	(tag) =	ssettag $0x0;
	lr =	simm.s32 $0x1  }
0x2: {  	[smem:$0x3F92] =	sst lr;
	_ =	strace $0xD0000000  }
0x3: {  	_ = 	snop  }
0x4: {  	_ = 	snop  }
0x5: {  	_ = 	snop  }
0x6: {  	_ = 	snop  }
0x7: {  	_ = 	snop  }
__scs_overlays_trampoline_lowered:
0x8: {  	[smem:$0x3FA1] =	sst s0  }
0x9: {  	[smem:$0x3FA2] =	sst s1  }
0xa: {  	[smem:$0x3FA3] =	sst s2  }
0xb: {  	[smem:$0x3FA4] =	sst s3  }
0xc: {  	[smem:$0x3FA5] =	sst s4  }
0xd: {  	[smem:$0x3FA6] =	sst s5  }
0xe: {  	[smem:$0x3FA7] =	sst s6  }
0xf: {  	[smem:$0x3FA8] =	sst s7  }
0x10: {  	[smem:$0x3FA9] =	sst s8  }
0x11: {  	[smem:$0x3FAA] =	sst s9;
	s0 =	simm.s32 @!p0 $0x0  }
0x12: {  	s1 =	sld [smem:$0x3F90];
	s0 =	simm.s32 @p0 $0x1  }
0x13: {  	[smem:$0x3FAB] =	sst s0;
	s0 =	simm.s32 @!p1 $0x0  }
0x14: {  	s2 =	sld [smem:$0x3F8F];
	s0 =	simm.s32 @p1 $0x1  }
0x15: {  	[smem:$0x3FAC] =	sst s0;
	s0 =	simm.s32 @!p2 $0x0  }
0x16: {  	s3 =	sld [smem:$0x3FDB];
	s0 =	simm.s32 @p2 $0x1  }
0x17: {  	s4 =	simm.s32 $0x1BF5;
	[smem:$0x3FAE] =	sst s0  }
0x18: {  	s0 =	sld [smem:$0x3F91];
	_ =	swait.ge [sflag:s4], $0x0  }
0x19: {  	s7 =	sld [smem:$0x3F92]  }
0x1a: {  	s8 =	sadd.s32 $0xFFFFE003, lr  }
0x1b: {  	s9 =	sadd.s32 $0xFFFFFEF7, lr;
	s5 =	simm.s32 $0xFFFFFFFF;
	p2 =	slt.u32 s8, $0xFFFFF086  }
0x1c: {  	p1 =	slt.u32 s9, $0xF7A;
	s5 =	simm.s32 @!p2 $0x0  }
0x1d: {  	s5 =	simm.s32 @p1 $0x1;
	p0 =	seq.s32 s7, s2  }
0x1e: {  	s7 =	smul.u32 @!p0 $0xF7A, s2;
	p2 =	seq.s32 @!p0 s5, $0x0  }
0x1f: {  	s9 =	smul.u32 $0xF7A, s1;
	s8 =	simm.s32 @!p0 $0x1BF5;
	p2 =	por !p2, p0  }
0x20: {  	[sflag:s8] =	ssyncset.s32 @!p0 $0xFFFFF086;
	s6 =	sadd.s32 @!p0 s3, s7;
	s7 =	simm.s32 @!p0 $0x108  }
0x21: {  	s3 =	sadd.s32 s3, s9;
	s6 =	sadd.s32 @!p0 $0x88, s6;
	s7 =	simm.s32 @p2 $0x1082  }
0x22: {  	[simem:s7], [sflag:s8] =	dma.local @!p0 [hbm:s6], $0xF7A  }
0x23: {  	s9 =	sor.u32 $0xD0000000, s2;
	s6 =	simm.s32 $0x108;
	_ =	swait.ge @!p0 [sflag:s8], $0x0  }
0x24: {  	s3 =	sadd.s32 $0x88, s3;
	s6 =	simm.s32 @!p1 $0x1082;
	[sflag:s4] =	ssyncset.s32 $0xFFFFF086  }
0x25: {  	[simem:s6], [sflag:s4] =	dma.local [hbm:s3], $0xF7A  }
0x26: {  	[smem:$0x3F92] =	sst s1;
	(tag) =	ssettag s2;
	_ =	strace s9  }
0x27: {  	s1 =	sld [smem:$0x3FA2]  }
0x28: {  	s2 =	sld [smem:$0x3FA3]  }
0x29: {  	s4 =	sld [smem:$0x3FA5]  }
0x2a: {  	p0 =	seq.s32 s5, $0x0;
	s5 =	sld [smem:$0x3FA6]  }
0x2b: {  	s6 =	sld [smem:$0x3FA7]  }
0x2c: {  	s7 =	sld [smem:$0x3FA8]  }
0x2d: {  	s3 =	simm.s32 $0x108;
	s8 =	sld [smem:$0x3FA9]  }
0x2e: {  	s3 =	simm.s32 @!p0 $0x1082;
	s9 =	sld [smem:$0x3FAA]  }
0x2f: {  	lr =	sadd.s32 s0, s3;
	s0 =	sld [smem:$0x3FA1]  }
0x30: {  	s3 =	sld [smem:$0x3FA4]  }
0x31: {  	[smem:$0x3FAD] =	sst s10  }
0x32: {  	s10 =	sld [smem:$0x3FAB];
	_ =	sdelay $0x3  }
0x33: {  	p0 =	seq.s32 s10, $0x1;
	s10 =	sld [smem:$0x3FAD];
	_ =	sdelay $0x3  }
0x34: {  	[smem:$0x3FAD] =	sst s10  }
0x35: {  	s10 =	sld [smem:$0x3FAC];
	_ =	sdelay $0x3  }
0x36: {  	p1 =	seq.s32 s10, $0x1;
	s10 =	sld [smem:$0x3FAD];
	_ =	sdelay $0x3  }
0x37: {  	[smem:$0x3FAD] =	sst s10  }
0x38: {  	s10 =	sld [smem:$0x3FAE]  }
0x39: {  	_ = 	snop;
	(pc) =	sbr.ind lr, $3  }
0x3a: {  	_ = 	snop  }
0x3b: {  	_ = 	snop  }
0x3c: {  	p2 =	seq.s32 s10, $0x1;
	s10 =	sld [smem:$0x3FAD]  }
0x3d: {  	_ =	shalt  }
0x3e: {  	_ =	shalt  }
0x3f: {  	_ =	shalt  }
0x40: {  	_ =	shalt  }
0x41: {  	_ =	shalt  }
0x42: {  	_ =	shalt  }
0x43: {  	_ =	shalt  }
0x44: {  	_ =	shalt  }
0x45: {  	_ =	shalt  }
0x46: {  	_ =	shalt  }
0x47: {  	_ =	shalt  }
0x48: {  	_ =	shalt  }
0x49: {  	_ =	shalt  }
0x4a: {  	_ =	shalt  }
0x4b: {  	_ =	shalt  }
0x4c: {  	_ =	shalt  }
0x4d: {  	_ =	shalt  }
0x4e: {  	_ =	shalt  }
0x4f: {  	_ =	shalt  }
0x50: {  	_ =	shalt  }
0x51: {  	_ =	shalt  }
0x52: {  	_ =	shalt  }
0x53: {  	_ =	shalt  }
0x54: {  	_ =	shalt  }
0x55: {  	_ =	shalt  }
0x56: {  	_ =	shalt  }
0x57: {  	_ =	shalt  }
0x58: {  	_ =	shalt  }
0x59: {  	_ =	shalt  }
0x5a: {  	_ =	shalt  }
0x5b: {  	_ =	shalt  }
0x5c: {  	_ =	shalt  }
0x5d: {  	_ =	shalt  }
0x5e: {  	_ =	shalt  }
0x5f: {  	_ =	shalt  }
0x60: {  	_ =	shalt  }
0x61: {  	_ =	shalt  }
0x62: {  	_ =	shalt  }
0x63: {  	_ =	shalt  }
0x64: {  	_ =	shalt  }
0x65: {  	_ =	shalt  }
0x66: {  	_ =	shalt  }
0x67: {  	_ =	shalt  }
0x68: {  	_ =	shalt  }
0x69: {  	_ =	shalt  }
0x6a: {  	_ =	shalt  }
0x6b: {  	_ =	shalt  }
0x6c: {  	_ =	shalt  }
0x6d: {  	_ =	shalt  }
0x6e: {  	_ =	shalt  }
0x6f: {  	_ =	shalt  }
0x70: {  	_ =	shalt  }
0x71: {  	_ =	shalt  }
0x72: {  	_ =	shalt  }
0x73: {  	_ =	shalt  }
0x74: {  	_ =	shalt  }
0x75: {  	_ =	shalt  }
0x76: {  	_ =	shalt  }
0x77: {  	_ =	shalt  }
0x78: {  	_ =	shalt  }
0x79: {  	_ =	shalt  }
0x7a: {  	_ =	shalt  }
0x7b: {  	_ =	shalt  }
0x7c: {  	_ =	shalt  }
0x7d: {  	_ =	shalt  }
0x7e: {  	_ =	shalt  }
0x7f: {  	_ =	shalt  }
0x80: {  	_ =	shalt  }
0x81: {  	_ =	shalt  }
0x82: {  	_ =	shalt  }
0x83: {  	_ =	shalt  }
0x84: {  	_ =	shalt  }
0x85: {  	_ =	shalt  }
0x86: {  	_ =	shalt  }
0x87: {  	_ =	shalt  }
.Lfunc_end0:
.L_simem_size_0:
called_computation.2_lowered:
.L_overlay_start_0:
0x88: {  	s2 =	sld [smem:$0x3FD9]  }
0x89: {  	s3 =	sld [smem:$0x3FFE];
	_ =	sdelay $0x1  }
0x8a: {  	s1 =	srdreg.scid  }
0x8b: {  	s0 =	sand.u32 $0x1, s1  }
0x8c: {  	s16 =	sshll.u32 s0, $0xA;
	s2 =	sadd.s32 s3, s2  }
0x8d: {  	s2 =	sadd.s32 s2, s16  }
0x8e: {  	[smem:$0x3FB9] =	sst s2  }
0x8f: {  	_ = 	snop  }
0x90: {  	(tm) =	ssettm $0x1  }
0x91: {  	s17 =	sld [smem:$0x3FFB];
	_ =	sdelay $0x3  }
0x92: {  	_ =	strace s17  }
0x93: {  	s2 =	sld [smem:$0x3FFC];
	_ =	sdelay $0x3  }
0x94: {  	_ =	strace s2  }
0x95: {  	s2 =	sld [smem:$0x3FFD];
	_ =	sdelay $0x3  }
0x96: {  	_ =	strace s2  }
0x97: {  	_ =	strace $0x8FFFFFFF  }
0x98: {  	s18 =	sld [smem:$0x3FDB];
	_ =	sdelay $0x1  }
0x99: {  	s19 =	simm.s32 $_scs_section_size  }
0x9a: {  	s4 =	simm.s32 $_size__tile_overlayer_lowered;
	s5 =	simm.s32 $_tile_overlayer_lowered  }
0x9b: {  	s22 =	simm.s32 $0x1BFF;
	s21 =	sshll.u32 s5, $0x1;
	s2 =	sadd.s32 s19, s18  }
0x9c: {  	s6 =	simm.s32 $0x0;
	s20 =	sshll.u32 s4, $0x1;
	s4 =	sadd.s32 s21, s2  }
0x9d: {  	[timem:s6], [sflag:s22] =	dma.local [hbm:s4], s20  }
0x9e: {  	_ =	swait.ge [sflag:s22], s20  }
0x9f: {  	s3 =	ssub.s32 $0x0, s20;
	[sflag:s22] =	ssyncset.done $0x0  }
0xa0: {  	[sflag:s22] =	ssyncadd.s32 s3;
	_ =	sdelay $0x1  }
0xa1: {  	s23 =	simm.s32 $0x1B8B  }
0xa2: {  	_ =	swait.ge [sflag:s23], $0x1  }
0xa3: {  	[sflag:s23] =	ssyncset.done $0x0  }
0xa4: {  	s25 =	simm.s32 $0x1B8E;
	s24 =	sld [smem:$0x3FFE];
	[sflag:s23] =	ssyncadd.s32 $0xFFFFFFFF  }
0xa5: {  	s26 =	simm.s32 $execute0_lowered;
	[smem:$0x3FD2] =	sst s25  }
0xa6: {  	s4 =	sshll.u32 s26, $0x1;
	_ =	strace $0x8000004C;
	[dreg:$0x1] =	wrdreg $0xFFFFFFFF  }
0xa7: {  	s28 =	simm.s32 $_size_execute0_lowered;
	s2 =	sadd.s32 s2, s4;
	[dreg:$0x0] =	wrdreg $0x0  }
0xa8: {  	s4 =	sshll.u32 s28, $0x1;
	[dreg:$0x2] =	wrdreg s2  }
0xa9: {  	[dreg:$0x3] =	wrdreg s4  }
0xaa: {  	[dreg:$0x4] =	wrdreg $0xC0  }
0xab: {  	_ =	task [dreg:s6], $0x5FFFF  }
0xac: {  	[dreg:$0x1] =	wrdreg $0xFFFFFFFF  }
0xad: {  	[dreg:$0x0] =	wrdreg $0x60  }
0xae: {  	[dreg:$0x2] =	wrdreg s24  }
0xaf: {  	[dreg:$0x3] =	wrdreg $0x9  }
0xb0: {  	_ =	task.clear_ibuf [dreg:s6], $0x4FFFF;
	_ =	strace $0x9000004C  }
0xb1: {  	s29 =	simm.s32 $0x9;
	_ =	strace $0x8000004E  }
0xb2: {  	_ =	swait.ge [sflag:s29], $0x1  }
0xb3: {  	[sflag:s29] =	ssyncadd.s32 $0xFFFFFFFF  }
0xb4: {  	_ =	strace $0x9000004E  }
0xb5: {  	_ =	sfence  }
0xb6: {  	s30 =	sld [smem:$0x0];
	_ =	sdelay $0x2  }
0xb7: {  	s31 =	sshll.u32 s1, $0xD;
	s1 =	sshrl.u32 s1, $0x2  }
0xb8: {  	s3 =	sand.u32 $0x4000, s31;
	s1 =	sadd.s32 s1, s30  }
0xb9: {  	s0 =	sor.u32 s3, s0;
	s1 =	sshll.u32 s1, $0x11  }
0xba: {  	s0 =	sor.u32 s1, s0  }
0xbb: {  	s0 =	sadd.s32 $0x8F2B, s0  }
0xbc: {  	[sflag:s0] =	ssyncadd.remote.s32 $0x1  }
0xbd: {  	_ =	sfence.sel $0xFFFF  }
0xbe: {  	[dreg:$0x0] =	wrdreg $0xFFFFFFFF;
	(pc) =	sbr.abs _section_cstart, $3  }
0xbf: {  	[dreg:$0x1] =	wrdreg $0xFFFFFFFF  }
0xc0: {  	_ =	task.clear_ibuf [dreg:s6], $0x2FFFF;
	_ =	strace $0x9FFFFFFF  }
0xc1: {  	(tm) =	ssettm $0x7FFFFFFF  }
tec
execute0_lowered:
.L_overlay_start_1:
0x0: {  	(tag) =	ssettag $0x1  }
0x1: {  	s1 =	srdreg.scid  }
0x2: {  	s0 =	stileid.u32;
	s4 =	rddreg [dreg:$0x0]  }
0x3: {  	s2 =	simm.s32 $0x0;
	s9 =	simm.s32 $0x13C00;
	s10 =	simm.s32 $0x14C00  }
0x4: {  	s11 =	simm.s32 $0x14400;
	s12 =	simm.s32 $0x15400;
	s13 =	simm.s32 $0x3  }
0x5: {  	s14 =	simm.s32 $0x9E00;
	s3 =	sand.u32 $0x1, s1;
	s5 =	sshll.u32 s0, $0x1  }
0x6: {  	s15 =	simm.s32 $0x4;
	s16 =	simm.s32 $0x2;
	s5 =	sor.u32 s3, s5  }
0x7: {  	s17 =	simm.s32 $0x0;
	[smem:$0x7FF] =	sst s2;
	s5 =	smul.u32 $0x13C0, s5  }
0x8: {  	s1 =	rddreg [dreg:$0x1];
	_ =	strace $0x8000004D;
	s6 =	ssub.s32 $0x2, s3  }
0x9: {  	s3 =	sadd.s32 $0x16800, s4;
	s31 =	sshrl.u32 s6, $0x1;
	s7 =	sadd.s32 s5, s4  }
0xa: {  	s8 =	ssub.s32 s6, s31;
	s4 =	sadd.s32 $0x2C00, s4;
	s5 =	sadd.s32 $0x20600, s7  }
0xb: {  	v0 =	vimm.f32 $0.0e+00;
	s6 =	sadd.s32 $0x47E00, s7;
	s7 =	smax.u32 s8, $0x1;
	s8 =	simm.s32 $0x1  }
.LBB2_1:
0xc: {  	[tilespmem:s2], [sflag:$0x1] =	stream.linear.gather [hbm4b:s5+s2], $0x9E00, $0x38;
	[tilespmem:$0x15C00] =	vst v63  }
0xd: {  	_ =	swait.ge [sflag:s8], $0x9E00  }
0xe: {  	[sflag:s8] =	ssyncset.done $0x0  }
0xf: {  	s18 =	simm.s32 $0x40;
	s19 =	simm.s32 $0x0;
	[sflag:s8] =	ssyncadd.s32 $0xFFFF6200  }
.LBB2_2:
0x10: {  	p0 =	sne.s32 s18, $0x277C0;
	[tilespmem:s19+$0x9E00] =	vst v0;
	s19 =	smov.u32 s18;
	s18 =	sadd.s32 $0x40, s18  }
.Ltmp0:
0x11: {  	(pc) =	sbr.rel @p0 .LBB2_2-.Ltmp0, $2  }
0x12: {  	_ =	sdelay $0x2  }
0x13: {  	s19 =	sshra.s32 s19, $0x2  }
0x14: {  	[tilespmem:s19+$0x9E00] =	vst v0;
	s18 =	simm.s32 $0x0  }
0x15: {  	[tilespmem:s9], [sflag:$0x3] =	stream.linear.gather [hbm4b:s3+s18], $0x800, $0x38;
	[tilespmem:$0x15C00] =	vst v63  }
0x16: {  	s19 =	simm.s32 $0x0  }
0x17: {  	[tilespmem:s10], [sflag:$0x1] =	stream.linear.gather [hbm4b:s4+s18], $0x800, $0x38;
	[tilespmem:$0x15C00] =	vst v63  }
.LBB2_4:
0x18: {  	s20 =	sshll.u32 s19, $0x9  }
0x19: {  	s21 =	sor.u32 $0x100, s20  }
0x1a: {  	s22 =	sadd.s32 s3, s21  }
0x1b: {  	[tilespmem:s11], [sflag:$0x4] =	stream.linear.gather [hbm4b:s22+s18], $0x800, $0x38;
	[tilespmem:$0x15C00] =	vst v63  }
0x1c: {  	s21 =	sadd.s32 s4, s21  }
0x1d: {  	[tilespmem:s12], [sflag:$0x2] =	stream.linear.gather [hbm4b:s21+s18], $0x800, $0x38;
	[tilespmem:$0x15C00] =	vst v63  }
0x1e: {  	_ =	swait.ge [sflag:s13], $0x800  }
0x1f: {  	[sflag:s13] =	ssyncset.done $0x0  }
0x20: {  	[sflag:s13] =	ssyncadd.s32 $0xFFFFF800  }
0x21: {  	_ =	swait.ge [sflag:s8], $0x800  }
0x22: {  	[sflag:s8] =	ssyncset.done $0x0  }
0x23: {  	s29 =	simm.s32 $0x0;
	[sflag:s8] =	ssyncadd.s32 $0xFFFFF800  }
0x24: {  	v6 =	vld [tilespmem:s29+$0x13C00];
	_ =	sdelay $0x4  }
0x25: {  	v1 =	vld [tilespmem:s29+$0x14C00];
	_ =	sdelay $0x2  }
0x26: {  	s30 =	simm.s32 $0x10;
	v3 =	vld.idx.msk [tilespmem:v6+s2+$0x0], $0xffff  }
0x27: {  	v4 =	vld [tilespmem:s30+$0x13C00];
	v5 =	vadd.s32 $0x2780, v6;
	_ =	sdelay $0x2  }
0x28: {  	v2 =	vld [tilespmem:s30+$0x14C00]  }
0x29: {  	[tilespmem:v1+s14+$0x0] =	vst.idx.add.f32.msk $0xffff, v3  }
0x2a: {  	v8 =	vadd.s32 $0x2780, v1;
	v7 =	vld.idx.msk [tilespmem:v5+s2+$0x0], $0xffff  }
0x2b: {  	s31 =	simm.s32 $0x20;
	v9 =	vadd.s32 $0x4F00, v6  }
0x2c: {  	v5 =	vld [tilespmem:s31+$0x13C00]  }
0x2d: {  	s22 =	simm.s32 $0x30;
	v10 =	vld.idx.msk [tilespmem:v4+s2+$0x0], $0xffff  }
0x2e: {  	v11 =	vadd.s32 $0x2780, v4;
	v12 =	vadd.s32 $0x7680, v6;
	v6 =	vld [tilespmem:s22+$0x13C00]  }
0x2f: {  	[tilespmem:v8+s14+$0x0] =	vst.idx.add.f32.msk $0xffff, v7  }
0x30: {  	v7 =	vld.idx.msk [tilespmem:v9+s2+$0x0], $0xffff;
	v9 =	vadd.s32 $0x4F00, v1  }
0x31: {  	v3 =	vld [tilespmem:s31+$0x14C00]  }
0x32: {  	[tilespmem:v2+s14+$0x0] =	vst.idx.add.f32.msk $0xffff, v10  }
0x33: {  	v8 =	vld.idx.msk [tilespmem:v11+s2+$0x0], $0xffff  }
0x34: {  	v10 =	vadd.s32 $0x2780, v2;
	v11 =	vld.idx.msk [tilespmem:v5+s2+$0x0], $0xffff  }
0x35: {  	[tilespmem:v9+s14+$0x0] =	vst.idx.add.f32.msk $0xffff, v7;
	v9 =	vadd.s32 $0x4F00, v4  }
0x36: {  	v7 =	vld.idx.msk [tilespmem:v12+s2+$0x0], $0xffff;
	v12 =	vmov v3  }
0x37: {  	s21 =	simm.s32 $0x100;
	v13 =	vadd.s32 $0x2780, v5  }
.LBB2_5:
0x38: {  	p0 =	sne.s32 s21, $0x1FC0;
	v14 =	vadd.s32 $0x7680, v1;
	v1 =	vmov v2;
	v2 =	vmov v3;
	v3 =	vld [tilespmem:s22+$0x14C00]  }
0x39: {  	[tilespmem:v10+s14+$0x0] =	vst.idx.add.f32.msk $0xffff, v8;
	v15 =	vmov v6  }
0x3a: {  	v16 =	vld.idx.msk [tilespmem:v9+s2+$0x0], $0xffff  }
0x3b: {  	v17 =	vadd.s32 $0x4F00, v1;
	[tilespmem:v12+s14+$0x0] =	vst.idx.add.f32.msk $0xffff, v11  }
0x3c: {  	v18 =	vadd.s32 $0x7680, v4;
	v4 =	vmov v5;
	v5 =	vmov v6;
	v8 =	vld.idx.msk [tilespmem:v13+s2+$0x0], $0xffff  }
.Ltmp1:
0x3d: {  	s22 =	sshra.s32 s21, $0x2;
	[tilespmem:v14+s14+$0x0] =	vst.idx.add.f32.msk $0xffff, v7;
	v12 =	vmov v3;
	(pc) =	sbr.rel @p0 .LBB2_5-.Ltmp1, $4  }
0x3e: {  	v10 =	vadd.s32 $0x2780, v2;
	v6 =	vld [tilespmem:s22+$0x13C00]  }
0x3f: {  	v9 =	vadd.s32 $0x4F00, v4;
	v11 =	vld.idx.msk [tilespmem:v15+s2+$0x0], $0xffff  }
0x40: {  	[tilespmem:v17+s14+$0x0] =	vst.idx.add.f32.msk $0xffff, v16  }
0x41: {  	s21 =	sadd.s32 $0x40, s21;
	v13 =	vadd.s32 $0x2780, v5;
	v7 =	vld.idx.msk [tilespmem:v18+s2+$0x0], $0xffff  }
0x42: {  	_ =	sdelay $0x1  }
0x43: {  	v14 =	vld [tilespmem:s22+$0x14C00];
	_ =	sdelay $0x2  }
0x44: {  	v15 =	vld.idx.msk [tilespmem:v6+s2+$0x0], $0xffff  }
0x45: {  	v16 =	vadd.s32 $0x2780, v6;
	_ =	sdelay $0x1  }
0x46: {  	[tilespmem:v12+s14+$0x0] =	vst.idx.add.f32.msk $0xffff, v11  }
0x47: {  	v12 =	vadd.s32 $0x2780, v3;
	v11 =	vld.idx.msk [tilespmem:v13+s2+$0x0], $0xffff  }
0x48: {  	v13 =	vadd.s32 $0x4F00, v5;
	[tilespmem:v14+s14+$0x0] =	vst.idx.add.f32.msk $0xffff, v15  }
0x49: {  	v63 =	vadd.s32 $0x2780, v14;
	v15 =	vld.idx.msk [tilespmem:v16+s2+$0x0], $0xffff  }
0x4a: {  	[tilespmem:v10+s14+$0x0] =	vst.idx.add.f32.msk $0xffff, v8;
	v8 =	vadd.s32 $0x4F00, v6  }
0x4b: {  	v10 =	vadd.s32 $0x4F00, v2;
	v9 =	vld.idx.msk [tilespmem:v9+s2+$0x0], $0xffff  }
0x4c: {  	v4 =	vadd.s32 $0x7680, v4;
	[tilespmem:v12+s14+$0x0] =	vst.idx.add.f32.msk $0xffff, v11  }
0x4d: {  	v12 =	vadd.s32 $0x4F00, v3;
	v11 =	vld.idx.msk [tilespmem:v13+s2+$0x0], $0xffff  }
0x4e: {  	v5 =	vadd.s32 $0x7680, v5;
	[tilespmem:v63+s14+$0x0] =	vst.idx.add.f32.msk $0xffff, v15  }
0x4f: {  	v13 =	vadd.s32 $0x4F00, v14;
	v8 =	vld.idx.msk [tilespmem:v8+s2+$0x0], $0xffff  }
0x50: {  	v6 =	vadd.s32 $0x7680, v6;
	[tilespmem:v10+s14+$0x0] =	vst.idx.add.f32.msk $0xffff, v9  }
0x51: {  	v4 =	vld.idx.msk [tilespmem:v4+s2+$0x0], $0xffff  }
0x52: {  	v1 =	vadd.s32 $0x7680, v1;
	[tilespmem:v12+s14+$0x0] =	vst.idx.add.f32.msk $0xffff, v11  }
0x53: {  	v2 =	vadd.s32 $0x7680, v2;
	v5 =	vld.idx.msk [tilespmem:v5+s2+$0x0], $0xffff  }
0x54: {  	v3 =	vadd.s32 $0x7680, v3;
	[tilespmem:v13+s14+$0x0] =	vst.idx.add.f32.msk $0xffff, v8  }
0x55: {  	v8 =	vadd.s32 $0x7680, v14;
	v6 =	vld.idx.msk [tilespmem:v6+s2+$0x0], $0xffff;
	_ =	sdelay $0x1  }
0x56: {  	[tilespmem:v1+s14+$0x0] =	vst.idx.add.f32.msk $0xffff, v7  }
0x57: {  	[tilespmem:v2+s14+$0x0] =	vst.idx.add.f32.msk $0xffff, v4  }
0x58: {  	s20 =	sadd.s32 $0x200, s20;
	[tilespmem:v3+s14+$0x0] =	vst.idx.add.f32.msk $0xffff, v5  }
0x59: {  	s28 =	simm.s32 $0x0;
	s21 =	sadd.s32 s3, s20;
	[tilespmem:v8+s14+$0x0] =	vst.idx.add.f32.msk $0xffff, v6  }
0x5a: {  	[tilespmem:s9], [sflag:$0x3] =	stream.linear.gather [hbm4b:s21+s28], $0x800, $0x38;
	[tilespmem:$0x15C00] =	vst v63  }
0x5b: {  	s20 =	sadd.s32 s4, s20  }
0x5c: {  	[tilespmem:s10], [sflag:$0x1] =	stream.linear.gather [hbm4b:s20+s28], $0x800, $0x38;
	[tilespmem:$0x15C00] =	vst v63  }
0x5d: {  	_ =	swait.ge [sflag:s15], $0x800  }
0x5e: {  	[sflag:s15] =	ssyncset.done $0x0  }
0x5f: {  	[sflag:s15] =	ssyncadd.s32 $0xFFFFF800  }
0x60: {  	_ =	swait.ge [sflag:s16], $0x800  }
0x61: {  	[sflag:s16] =	ssyncset.done $0x0  }
0x62: {  	s29 =	simm.s32 $0x0;
	[sflag:s16] =	ssyncadd.s32 $0xFFFFF800  }
0x63: {  	v6 =	vld [tilespmem:s29+$0x14400];
	_ =	sdelay $0x4  }
0x64: {  	v1 =	vld [tilespmem:s29+$0x15400];
	_ =	sdelay $0x2  }
0x65: {  	s30 =	simm.s32 $0x10;
	v3 =	vld.idx.msk [tilespmem:v6+s2+$0x0], $0xffff  }
0x66: {  	v4 =	vld [tilespmem:s30+$0x14400];
	v5 =	vadd.s32 $0x2780, v6;
	_ =	sdelay $0x2  }
0x67: {  	v2 =	vld [tilespmem:s30+$0x15400]  }
0x68: {  	[tilespmem:v1+s14+$0x0] =	vst.idx.add.f32.msk $0xffff, v3  }
0x69: {  	v8 =	vadd.s32 $0x2780, v1;
	v7 =	vld.idx.msk [tilespmem:v5+s2+$0x0], $0xffff  }
0x6a: {  	s31 =	simm.s32 $0x20;
	v9 =	vadd.s32 $0x4F00, v6  }
0x6b: {  	v5 =	vld [tilespmem:s31+$0x14400]  }
0x6c: {  	s21 =	simm.s32 $0x30;
	v10 =	vld.idx.msk [tilespmem:v4+s2+$0x0], $0xffff  }
0x6d: {  	v11 =	vadd.s32 $0x2780, v4;
	v12 =	vadd.s32 $0x7680, v6;
	v6 =	vld [tilespmem:s21+$0x14400]  }
0x6e: {  	[tilespmem:v8+s14+$0x0] =	vst.idx.add.f32.msk $0xffff, v7  }
0x6f: {  	v7 =	vld.idx.msk [tilespmem:v9+s2+$0x0], $0xffff;
	v9 =	vadd.s32 $0x4F00, v1  }
0x70: {  	v3 =	vld [tilespmem:s31+$0x15400]  }
0x71: {  	[tilespmem:v2+s14+$0x0] =	vst.idx.add.f32.msk $0xffff, v10  }
0x72: {  	v8 =	vld.idx.msk [tilespmem:v11+s2+$0x0], $0xffff  }
0x73: {  	v10 =	vadd.s32 $0x2780, v2;
	v11 =	vld.idx.msk [tilespmem:v5+s2+$0x0], $0xffff  }
0x74: {  	[tilespmem:v9+s14+$0x0] =	vst.idx.add.f32.msk $0xffff, v7;
	v9 =	vadd.s32 $0x4F00, v4  }
0x75: {  	v7 =	vld.idx.msk [tilespmem:v12+s2+$0x0], $0xffff;
	v12 =	vmov v3  }
0x76: {  	s20 =	simm.s32 $0x100;
	v13 =	vadd.s32 $0x2780, v5  }
.LBB2_7:
0x77: {  	p0 =	sne.s32 s20, $0x1FC0;
	v14 =	vadd.s32 $0x7680, v1;
	v1 =	vmov v2;
	v2 =	vmov v3;
	v3 =	vld [tilespmem:s21+$0x15400]  }
0x78: {  	[tilespmem:v10+s14+$0x0] =	vst.idx.add.f32.msk $0xffff, v8;
	v15 =	vmov v6  }
0x79: {  	v16 =	vld.idx.msk [tilespmem:v9+s2+$0x0], $0xffff  }
0x7a: {  	v17 =	vadd.s32 $0x4F00, v1;
	[tilespmem:v12+s14+$0x0] =	vst.idx.add.f32.msk $0xffff, v11  }
0x7b: {  	v18 =	vadd.s32 $0x7680, v4;
	v4 =	vmov v5;
	v5 =	vmov v6;
	v8 =	vld.idx.msk [tilespmem:v13+s2+$0x0], $0xffff  }
.Ltmp2:
0x7c: {  	s21 =	sshra.s32 s20, $0x2;
	[tilespmem:v14+s14+$0x0] =	vst.idx.add.f32.msk $0xffff, v7;
	v12 =	vmov v3;
	(pc) =	sbr.rel @p0 .LBB2_7-.Ltmp2, $4  }
0x7d: {  	v10 =	vadd.s32 $0x2780, v2;
	v6 =	vld [tilespmem:s21+$0x14400]  }
0x7e: {  	v9 =	vadd.s32 $0x4F00, v4;
	v11 =	vld.idx.msk [tilespmem:v15+s2+$0x0], $0xffff  }
0x7f: {  	[tilespmem:v17+s14+$0x0] =	vst.idx.add.f32.msk $0xffff, v16  }
0x80: {  	s20 =	sadd.s32 $0x40, s20;
	v13 =	vadd.s32 $0x2780, v5;
	v7 =	vld.idx.msk [tilespmem:v18+s2+$0x0], $0xffff  }
0x81: {  	_ =	sdelay $0x1  }
0x82: {  	v14 =	vld [tilespmem:s21+$0x15400];
	_ =	sdelay $0x2  }
0x83: {  	v15 =	vld.idx.msk [tilespmem:v6+s2+$0x0], $0xffff  }
0x84: {  	v16 =	vadd.s32 $0x2780, v6;
	_ =	sdelay $0x1  }
0x85: {  	[tilespmem:v12+s14+$0x0] =	vst.idx.add.f32.msk $0xffff, v11  }
0x86: {  	v54 =	vadd.s32 $0x2780, v3;
	v11 =	vld.idx.msk [tilespmem:v13+s2+$0x0], $0xffff  }
0x87: {  	v55 =	vadd.s32 $0x4F00, v5;
	[tilespmem:v14+s14+$0x0] =	vst.idx.add.f32.msk $0xffff, v15  }
0x88: {  	v56 =	vadd.s32 $0x2780, v14;
	v15 =	vld.idx.msk [tilespmem:v16+s2+$0x0], $0xffff  }
0x89: {  	[tilespmem:v10+s14+$0x0] =	vst.idx.add.f32.msk $0xffff, v8;
	v57 =	vadd.s32 $0x4F00, v6  }
0x8a: {  	v58 =	vadd.s32 $0x4F00, v2;
	v9 =	vld.idx.msk [tilespmem:v9+s2+$0x0], $0xffff  }
0x8b: {  	v4 =	vadd.s32 $0x7680, v4;
	[tilespmem:v54+s14+$0x0] =	vst.idx.add.f32.msk $0xffff, v11  }
0x8c: {  	v59 =	vadd.s32 $0x4F00, v3;
	v11 =	vld.idx.msk [tilespmem:v55+s2+$0x0], $0xffff  }
0x8d: {  	v60 =	vadd.s32 $0x7680, v5;
	[tilespmem:v56+s14+$0x0] =	vst.idx.add.f32.msk $0xffff, v15  }
0x8e: {  	v61 =	vadd.s32 $0x4F00, v14;
	v8 =	vld.idx.msk [tilespmem:v57+s2+$0x0], $0xffff  }
0x8f: {  	v62 =	vadd.s32 $0x7680, v6;
	[tilespmem:v58+s14+$0x0] =	vst.idx.add.f32.msk $0xffff, v9  }
0x90: {  	v4 =	vld.idx.msk [tilespmem:v4+s2+$0x0], $0xffff  }
0x91: {  	v1 =	vadd.s32 $0x7680, v1;
	[tilespmem:v59+s14+$0x0] =	vst.idx.add.f32.msk $0xffff, v11  }
0x92: {  	v2 =	vadd.s32 $0x7680, v2;
	v5 =	vld.idx.msk [tilespmem:v60+s2+$0x0], $0xffff  }
0x93: {  	v3 =	vadd.s32 $0x7680, v3;
	s19 =	sadd.s32 $0x1, s19;
	[tilespmem:v61+s14+$0x0] =	vst.idx.add.f32.msk $0xffff, v8  }
0x94: {  	p0 =	sne.s32 s19, $0x4E;
	v63 =	vadd.s32 $0x7680, v14;
	v6 =	vld.idx.msk [tilespmem:v62+s2+$0x0], $0xffff  }
.Ltmp3:
0x95: {  	_ = 	snop;
	(pc) =	sbr.rel @p0 .LBB2_4-.Ltmp3, $4  }
0x96: {  	[tilespmem:v1+s14+$0x0] =	vst.idx.add.f32.msk $0xffff, v7  }
0x97: {  	[tilespmem:v2+s14+$0x0] =	vst.idx.add.f32.msk $0xffff, v4  }
0x98: {  	[tilespmem:v3+s14+$0x0] =	vst.idx.add.f32.msk $0xffff, v5  }
0x99: {  	[tilespmem:v63+s14+$0x0] =	vst.idx.add.f32.msk $0xffff, v6  }
0x9a: {  	_ =	swait.ge [sflag:s13], $0x800  }
0x9b: {  	[sflag:s13] =	ssyncset.done $0x0  }
0x9c: {  	[sflag:s13] =	ssyncadd.s32 $0xFFFFF800  }
0x9d: {  	_ =	swait.ge [sflag:s8], $0x800  }
0x9e: {  	[sflag:s8] =	ssyncset.done $0x0  }
0x9f: {  	s18 =	simm.s32 $0x0;
	[sflag:s8] =	ssyncadd.s32 $0xFFFFF800  }
0xa0: {  	v6 =	vld [tilespmem:s18+$0x13C00];
	_ =	sdelay $0x4  }
0xa1: {  	v1 =	vld [tilespmem:s18+$0x14C00];
	_ =	sdelay $0x2  }
0xa2: {  	s30 =	simm.s32 $0x10;
	v3 =	vld.idx.msk [tilespmem:v6+s2+$0x0], $0xffff  }
0xa3: {  	v4 =	vld [tilespmem:s30+$0x13C00];
	v5 =	vadd.s32 $0x2780, v6;
	_ =	sdelay $0x2  }
0xa4: {  	v2 =	vld [tilespmem:s30+$0x14C00]  }
0xa5: {  	[tilespmem:v1+s14+$0x0] =	vst.idx.add.f32.msk $0xffff, v3  }
0xa6: {  	v8 =	vadd.s32 $0x2780, v1;
	v7 =	vld.idx.msk [tilespmem:v5+s2+$0x0], $0xffff  }
0xa7: {  	s31 =	simm.s32 $0x20;
	v9 =	vadd.s32 $0x4F00, v6  }
0xa8: {  	v5 =	vld [tilespmem:s31+$0x13C00]  }
0xa9: {  	s19 =	simm.s32 $0x30;
	v10 =	vld.idx.msk [tilespmem:v4+s2+$0x0], $0xffff  }
0xaa: {  	v11 =	vadd.s32 $0x2780, v4;
	v12 =	vadd.s32 $0x7680, v6;
	v6 =	vld [tilespmem:s19+$0x13C00]  }
0xab: {  	[tilespmem:v8+s14+$0x0] =	vst.idx.add.f32.msk $0xffff, v7  }
0xac: {  	v7 =	vld.idx.msk [tilespmem:v9+s2+$0x0], $0xffff;
	v9 =	vadd.s32 $0x4F00, v1  }
0xad: {  	v3 =	vld [tilespmem:s31+$0x14C00]  }
0xae: {  	[tilespmem:v2+s14+$0x0] =	vst.idx.add.f32.msk $0xffff, v10  }
0xaf: {  	v8 =	vld.idx.msk [tilespmem:v11+s2+$0x0], $0xffff  }
0xb0: {  	v10 =	vadd.s32 $0x2780, v2;
	v11 =	vld.idx.msk [tilespmem:v5+s2+$0x0], $0xffff  }
0xb1: {  	[tilespmem:v9+s14+$0x0] =	vst.idx.add.f32.msk $0xffff, v7;
	v9 =	vadd.s32 $0x4F00, v4  }
0xb2: {  	v7 =	vld.idx.msk [tilespmem:v12+s2+$0x0], $0xffff;
	v12 =	vmov v3  }
0xb3: {  	s18 =	simm.s32 $0x100;
	v13 =	vadd.s32 $0x2780, v5  }
.LBB2_10:
0xb4: {  	p0 =	sne.s32 s18, $0x1FC0;
	v14 =	vadd.s32 $0x7680, v1;
	v1 =	vmov v2;
	v2 =	vmov v3;
	v3 =	vld [tilespmem:s19+$0x14C00]  }
0xb5: {  	[tilespmem:v10+s14+$0x0] =	vst.idx.add.f32.msk $0xffff, v8;
	v15 =	vmov v6  }
0xb6: {  	v16 =	vld.idx.msk [tilespmem:v9+s2+$0x0], $0xffff  }
0xb7: {  	v17 =	vadd.s32 $0x4F00, v1;
	[tilespmem:v12+s14+$0x0] =	vst.idx.add.f32.msk $0xffff, v11  }
0xb8: {  	v18 =	vadd.s32 $0x7680, v4;
	v4 =	vmov v5;
	v5 =	vmov v6;
	v8 =	vld.idx.msk [tilespmem:v13+s2+$0x0], $0xffff  }
.Ltmp4:
0xb9: {  	s19 =	sshra.s32 s18, $0x2;
	[tilespmem:v14+s14+$0x0] =	vst.idx.add.f32.msk $0xffff, v7;
	v12 =	vmov v3;
	(pc) =	sbr.rel @p0 .LBB2_10-.Ltmp4, $4  }
0xba: {  	v10 =	vadd.s32 $0x2780, v2;
	v6 =	vld [tilespmem:s19+$0x13C00]  }
0xbb: {  	v9 =	vadd.s32 $0x4F00, v4;
	v11 =	vld.idx.msk [tilespmem:v15+s2+$0x0], $0xffff  }
0xbc: {  	[tilespmem:v17+s14+$0x0] =	vst.idx.add.f32.msk $0xffff, v16  }
0xbd: {  	s18 =	sadd.s32 $0x40, s18;
	v13 =	vadd.s32 $0x2780, v5;
	v7 =	vld.idx.msk [tilespmem:v18+s2+$0x0], $0xffff  }
0xbe: {  	_ =	sdelay $0x1  }
0xbf: {  	v14 =	vld [tilespmem:s19+$0x14C00];
	_ =	sdelay $0x2  }
0xc0: {  	v15 =	vld.idx.msk [tilespmem:v6+s2+$0x0], $0xffff  }
0xc1: {  	v16 =	vadd.s32 $0x2780, v6;
	_ =	sdelay $0x1  }
0xc2: {  	[tilespmem:v12+s14+$0x0] =	vst.idx.add.f32.msk $0xffff, v11  }
0xc3: {  	v54 =	vadd.s32 $0x2780, v3;
	v11 =	vld.idx.msk [tilespmem:v13+s2+$0x0], $0xffff  }
0xc4: {  	v55 =	vadd.s32 $0x4F00, v5;
	[tilespmem:v14+s14+$0x0] =	vst.idx.add.f32.msk $0xffff, v15  }
0xc5: {  	v56 =	vadd.s32 $0x2780, v14;
	v15 =	vld.idx.msk [tilespmem:v16+s2+$0x0], $0xffff  }
0xc6: {  	[tilespmem:v10+s14+$0x0] =	vst.idx.add.f32.msk $0xffff, v8;
	v57 =	vadd.s32 $0x4F00, v6  }
0xc7: {  	v58 =	vadd.s32 $0x4F00, v2;
	v9 =	vld.idx.msk [tilespmem:v9+s2+$0x0], $0xffff  }
0xc8: {  	v4 =	vadd.s32 $0x7680, v4;
	[tilespmem:v54+s14+$0x0] =	vst.idx.add.f32.msk $0xffff, v11  }
0xc9: {  	v59 =	vadd.s32 $0x4F00, v3;
	v11 =	vld.idx.msk [tilespmem:v55+s2+$0x0], $0xffff  }
0xca: {  	v60 =	vadd.s32 $0x7680, v5;
	[tilespmem:v56+s14+$0x0] =	vst.idx.add.f32.msk $0xffff, v15  }
0xcb: {  	v61 =	vadd.s32 $0x4F00, v14;
	v8 =	vld.idx.msk [tilespmem:v57+s2+$0x0], $0xffff  }
0xcc: {  	v62 =	vadd.s32 $0x7680, v6;
	[tilespmem:v58+s14+$0x0] =	vst.idx.add.f32.msk $0xffff, v9  }
0xcd: {  	v4 =	vld.idx.msk [tilespmem:v4+s2+$0x0], $0xffff  }
0xce: {  	v1 =	vadd.s32 $0x7680, v1;
	[tilespmem:v59+s14+$0x0] =	vst.idx.add.f32.msk $0xffff, v11  }
0xcf: {  	v2 =	vadd.s32 $0x7680, v2;
	v5 =	vld.idx.msk [tilespmem:v60+s2+$0x0], $0xffff  }
0xd0: {  	v3 =	vadd.s32 $0x7680, v3;
	[tilespmem:v61+s14+$0x0] =	vst.idx.add.f32.msk $0xffff, v8  }
0xd1: {  	v63 =	vadd.s32 $0x7680, v14;
	v6 =	vld.idx.msk [tilespmem:v62+s2+$0x0], $0xffff;
	_ =	sdelay $0x1  }
0xd2: {  	[tilespmem:v1+s14+$0x0] =	vst.idx.add.f32.msk $0xffff, v7  }
0xd3: {  	s17 =	sadd.s32 $0x1, s17;
	[tilespmem:v2+s14+$0x0] =	vst.idx.add.f32.msk $0xffff, v4  }
0xd4: {  	p0 =	sne.s32 s17, s7;
	[tilespmem:v3+s14+$0x0] =	vst.idx.add.f32.msk $0xffff, v5  }
.Ltmp5:
0xd5: {  	[tilespmem:v63+s14+$0x0] =	vst.idx.add.f32.msk $0xffff, v6;
	(pc) =	sbr.rel @p0 .LBB2_1-.Ltmp5, $4  }
0xd6: {  	[hbm4b:s6+s2] =	stream.linear.scatter [tilespmem:s14], [sflag:$0x1], $0x9E00, $0x38;
	[tilespmem:$0x15C00] =	vst v63  }
0xd7: {  	_ =	swait.ge [sflag:s8], $0x9E00  }
0xd8: {  	[sflag:s8] =	ssyncset.done $0x0  }
0xd9: {  	[sflag:s8] =	ssyncadd.s32 $0xFFFF6200  }
0xda: {  	_ =	sfence.sel $0x180000  }
0xdb: {  	[bflag:$0x0] =	sbarrier.arrive $0xFFFF  }
0xdc: {  	p0 =	sne.s32 s0, $0x0;
	_ =	strace $0x9000004D  }
0xdd: {  	s0 =	sadd.s32 @!p0 $0x100000, s1;
	[bflag:$0x2] =	sbarrier.arrive $0xFFFF  }
0xde: {  	[sflag:s0] =	ssyncadd.tile.s32 @!p0 $0x1;
	_ =	shalt  }
.Lfunc_end2:
_tile_overlayer_lowered:
.L_overlay_start_2:
0xdf: {  	(tag) =	ssettag $0x2  }
0xe0: {  	s0 =	rddreg [dreg:$0x0];
	s2 =	stileid.u32  }
0xe1: {  	s1 =	rddreg [dreg:$0x1];
	p0 =	sne.s32 s2, $0x0  }
0xe2: {  	s3 =	rddreg [dreg:$0x2];
	[bflag:$0x3] =	sbarrier.arrive $0xFFFF;
	s2 =	simm.s32 @!p0 $0x1C01  }
0xe3: {  	[timem:s3], [sflag:s2] =	dma.local @!p0 [hbm:s0], s1  }
0xe4: {  	s0 =	simm.s32 @!p0 $0x1  }
0xe5: {  	_ =	swait.ge @!p0 [sflag:s0], s1  }
0xe6: {  	s1 =	ssub.s32 @!p0 $0x0, s1;
	[sflag:s0] =	ssyncset.done @!p0 $0x0  }
0xe7: {  	[sflag:s0] =	ssyncadd.s32 @!p0 s1  }
0xe8: {  	[bflag:$0x3] =	sbarrier.arrive $0xFFFF  }
0xe9: {  	_ =	shalt  }

// kernel: kernel.20.cloned.1.call-start
scs
__scs_entry_jumppad:
0x0: {  	(pc) =	sbr.rel $0x88, $3  }
0x1: {  	(tag) =	ssettag $0x0;
	lr =	simm.s32 $0x1  }
0x2: {  	[smem:$0x3F92] =	sst lr;
	_ =	strace $0xD0000000  }
0x3: {  	_ = 	snop  }
0x4: {  	_ = 	snop  }
0x5: {  	_ = 	snop  }
0x6: {  	_ = 	snop  }
0x7: {  	_ = 	snop  }
__scs_overlays_trampoline_lowered:
0x8: {  	[smem:$0x3FA1] =	sst s0  }
0x9: {  	[smem:$0x3FA2] =	sst s1  }
0xa: {  	[smem:$0x3FA3] =	sst s2  }
0xb: {  	[smem:$0x3FA4] =	sst s3  }
0xc: {  	[smem:$0x3FA5] =	sst s4  }
0xd: {  	[smem:$0x3FA6] =	sst s5  }
0xe: {  	[smem:$0x3FA7] =	sst s6  }
0xf: {  	[smem:$0x3FA8] =	sst s7  }
0x10: {  	[smem:$0x3FA9] =	sst s8  }
0x11: {  	[smem:$0x3FAA] =	sst s9;
	s0 =	simm.s32 @!p0 $0x0  }
0x12: {  	s1 =	sld [smem:$0x3F90];
	s0 =	simm.s32 @p0 $0x1  }
0x13: {  	[smem:$0x3FAB] =	sst s0;
	s0 =	simm.s32 @!p1 $0x0  }
0x14: {  	s2 =	sld [smem:$0x3F8F];
	s0 =	simm.s32 @p1 $0x1  }
0x15: {  	[smem:$0x3FAC] =	sst s0;
	s0 =	simm.s32 @!p2 $0x0  }
0x16: {  	s3 =	sld [smem:$0x3FDB];
	s0 =	simm.s32 @p2 $0x1  }
0x17: {  	s4 =	simm.s32 $0x1BF5;
	[smem:$0x3FAE] =	sst s0  }
0x18: {  	s0 =	sld [smem:$0x3F91];
	_ =	swait.ge [sflag:s4], $0x0  }
0x19: {  	s7 =	sld [smem:$0x3F92]  }
0x1a: {  	s8 =	sadd.s32 $0xFFFFE003, lr  }
0x1b: {  	s9 =	sadd.s32 $0xFFFFFEF7, lr;
	s5 =	simm.s32 $0xFFFFFFFF;
	p2 =	slt.u32 s8, $0xFFFFF086  }
0x1c: {  	p1 =	slt.u32 s9, $0xF7A;
	s5 =	simm.s32 @!p2 $0x0  }
0x1d: {  	s5 =	simm.s32 @p1 $0x1;
	p0 =	seq.s32 s7, s2  }
0x1e: {  	s7 =	smul.u32 @!p0 $0xF7A, s2;
	p2 =	seq.s32 @!p0 s5, $0x0  }
0x1f: {  	s9 =	smul.u32 $0xF7A, s1;
	s8 =	simm.s32 @!p0 $0x1BF5;
	p2 =	por !p2, p0  }
0x20: {  	[sflag:s8] =	ssyncset.s32 @!p0 $0xFFFFF086;
	s6 =	sadd.s32 @!p0 s3, s7;
	s7 =	simm.s32 @!p0 $0x108  }
0x21: {  	s3 =	sadd.s32 s3, s9;
	s6 =	sadd.s32 @!p0 $0x88, s6;
	s7 =	simm.s32 @p2 $0x1082  }
0x22: {  	[simem:s7], [sflag:s8] =	dma.local @!p0 [hbm:s6], $0xF7A  }
0x23: {  	s9 =	sor.u32 $0xD0000000, s2;
	s6 =	simm.s32 $0x108;
	_ =	swait.ge @!p0 [sflag:s8], $0x0  }
0x24: {  	s3 =	sadd.s32 $0x88, s3;
	s6 =	simm.s32 @!p1 $0x1082;
	[sflag:s4] =	ssyncset.s32 $0xFFFFF086  }
0x25: {  	[simem:s6], [sflag:s4] =	dma.local [hbm:s3], $0xF7A  }
0x26: {  	[smem:$0x3F92] =	sst s1;
	(tag) =	ssettag s2;
	_ =	strace s9  }
0x27: {  	s1 =	sld [smem:$0x3FA2]  }
0x28: {  	s2 =	sld [smem:$0x3FA3]  }
0x29: {  	s4 =	sld [smem:$0x3FA5]  }
0x2a: {  	p0 =	seq.s32 s5, $0x0;
	s5 =	sld [smem:$0x3FA6]  }
0x2b: {  	s6 =	sld [smem:$0x3FA7]  }
0x2c: {  	s7 =	sld [smem:$0x3FA8]  }
0x2d: {  	s3 =	simm.s32 $0x108;
	s8 =	sld [smem:$0x3FA9]  }
0x2e: {  	s3 =	simm.s32 @!p0 $0x1082;
	s9 =	sld [smem:$0x3FAA]  }
0x2f: {  	lr =	sadd.s32 s0, s3;
	s0 =	sld [smem:$0x3FA1]  }
0x30: {  	s3 =	sld [smem:$0x3FA4]  }
0x31: {  	[smem:$0x3FAD] =	sst s10  }
0x32: {  	s10 =	sld [smem:$0x3FAB];
	_ =	sdelay $0x3  }
0x33: {  	p0 =	seq.s32 s10, $0x1;
	s10 =	sld [smem:$0x3FAD];
	_ =	sdelay $0x3  }
0x34: {  	[smem:$0x3FAD] =	sst s10  }
0x35: {  	s10 =	sld [smem:$0x3FAC];
	_ =	sdelay $0x3  }
0x36: {  	p1 =	seq.s32 s10, $0x1;
	s10 =	sld [smem:$0x3FAD];
	_ =	sdelay $0x3  }
0x37: {  	[smem:$0x3FAD] =	sst s10  }
0x38: {  	s10 =	sld [smem:$0x3FAE]  }
0x39: {  	_ = 	snop;
	(pc) =	sbr.ind lr, $3  }
0x3a: {  	_ = 	snop  }
0x3b: {  	_ = 	snop  }
0x3c: {  	p2 =	seq.s32 s10, $0x1;
	s10 =	sld [smem:$0x3FAD]  }
0x3d: {  	_ =	shalt  }
0x3e: {  	_ =	shalt  }
0x3f: {  	_ =	shalt  }
0x40: {  	_ =	shalt  }
0x41: {  	_ =	shalt  }
0x42: {  	_ =	shalt  }
0x43: {  	_ =	shalt  }
0x44: {  	_ =	shalt  }
0x45: {  	_ =	shalt  }
0x46: {  	_ =	shalt  }
0x47: {  	_ =	shalt  }
0x48: {  	_ =	shalt  }
0x49: {  	_ =	shalt  }
0x4a: {  	_ =	shalt  }
0x4b: {  	_ =	shalt  }
0x4c: {  	_ =	shalt  }
0x4d: {  	_ =	shalt  }
0x4e: {  	_ =	shalt  }
0x4f: {  	_ =	shalt  }
0x50: {  	_ =	shalt  }
0x51: {  	_ =	shalt  }
0x52: {  	_ =	shalt  }
0x53: {  	_ =	shalt  }
0x54: {  	_ =	shalt  }
0x55: {  	_ =	shalt  }
0x56: {  	_ =	shalt  }
0x57: {  	_ =	shalt  }
0x58: {  	_ =	shalt  }
0x59: {  	_ =	shalt  }
0x5a: {  	_ =	shalt  }
0x5b: {  	_ =	shalt  }
0x5c: {  	_ =	shalt  }
0x5d: {  	_ =	shalt  }
0x5e: {  	_ =	shalt  }
0x5f: {  	_ =	shalt  }
0x60: {  	_ =	shalt  }
0x61: {  	_ =	shalt  }
0x62: {  	_ =	shalt  }
0x63: {  	_ =	shalt  }
0x64: {  	_ =	shalt  }
0x65: {  	_ =	shalt  }
0x66: {  	_ =	shalt  }
0x67: {  	_ =	shalt  }
0x68: {  	_ =	shalt  }
0x69: {  	_ =	shalt  }
0x6a: {  	_ =	shalt  }
0x6b: {  	_ =	shalt  }
0x6c: {  	_ =	shalt  }
0x6d: {  	_ =	shalt  }
0x6e: {  	_ =	shalt  }
0x6f: {  	_ =	shalt  }
0x70: {  	_ =	shalt  }
0x71: {  	_ =	shalt  }
0x72: {  	_ =	shalt  }
0x73: {  	_ =	shalt  }
0x74: {  	_ =	shalt  }
0x75: {  	_ =	shalt  }
0x76: {  	_ =	shalt  }
0x77: {  	_ =	shalt  }
0x78: {  	_ =	shalt  }
0x79: {  	_ =	shalt  }
0x7a: {  	_ =	shalt  }
0x7b: {  	_ =	shalt  }
0x7c: {  	_ =	shalt  }
0x7d: {  	_ =	shalt  }
0x7e: {  	_ =	shalt  }
0x7f: {  	_ =	shalt  }
0x80: {  	_ =	shalt  }
0x81: {  	_ =	shalt  }
0x82: {  	_ =	shalt  }
0x83: {  	_ =	shalt  }
0x84: {  	_ =	shalt  }
0x85: {  	_ =	shalt  }
0x86: {  	_ =	shalt  }
0x87: {  	_ =	shalt  }
.Lfunc_end0:
.L_simem_size_0:
called_computation.3_lowered:
.L_overlay_start_0:
0x88: {  	s2 =	sld [smem:$0x3FD9]  }
0x89: {  	s3 =	sld [smem:$0x3FFE];
	_ =	sdelay $0x1  }
0x8a: {  	s1 =	srdreg.scid  }
0x8b: {  	s0 =	sand.u32 $0x1, s1  }
0x8c: {  	s16 =	sshll.u32 s0, $0xA;
	s2 =	sadd.s32 s3, s2  }
0x8d: {  	s2 =	sadd.s32 s2, s16  }
0x8e: {  	[smem:$0x3FB9] =	sst s2  }
0x8f: {  	_ = 	snop  }
0x90: {  	(tm) =	ssettm $0x1  }
0x91: {  	s17 =	sld [smem:$0x3FFB];
	_ =	sdelay $0x3  }
0x92: {  	_ =	strace s17  }
0x93: {  	s2 =	sld [smem:$0x3FFC];
	_ =	sdelay $0x3  }
0x94: {  	_ =	strace s2  }
0x95: {  	s2 =	sld [smem:$0x3FFD];
	_ =	sdelay $0x3  }
0x96: {  	_ =	strace s2  }
0x97: {  	_ =	strace $0x8FFFFFFF  }
0x98: {  	s18 =	sld [smem:$0x3FDB];
	_ =	sdelay $0x1  }
0x99: {  	s19 =	simm.s32 $_scs_section_size  }
0x9a: {  	s4 =	simm.s32 $_size__tile_overlayer_lowered;
	s5 =	simm.s32 $_tile_overlayer_lowered  }
0x9b: {  	s22 =	simm.s32 $0x1BFF;
	s21 =	sshll.u32 s5, $0x1;
	s2 =	sadd.s32 s19, s18  }
0x9c: {  	s6 =	simm.s32 $0x0;
	s20 =	sshll.u32 s4, $0x1;
	s4 =	sadd.s32 s21, s2  }
0x9d: {  	[timem:s6], [sflag:s22] =	dma.local [hbm:s4], s20  }
0x9e: {  	_ =	swait.ge [sflag:s22], s20  }
0x9f: {  	s3 =	ssub.s32 $0x0, s20;
	[sflag:s22] =	ssyncset.done $0x0  }
0xa0: {  	[sflag:s22] =	ssyncadd.s32 s3;
	_ =	sdelay $0x1  }
0xa1: {  	s23 =	simm.s32 $0x1B8B  }
0xa2: {  	_ =	swait.ge [sflag:s23], $0x1  }
0xa3: {  	[sflag:s23] =	ssyncset.done $0x0  }
0xa4: {  	s25 =	simm.s32 $0x1B8E;
	s24 =	sld [smem:$0x3FFE];
	[sflag:s23] =	ssyncadd.s32 $0xFFFFFFFF  }
0xa5: {  	s26 =	simm.s32 $execute0_lowered;
	[smem:$0x3FD2] =	sst s25  }
0xa6: {  	s4 =	sshll.u32 s26, $0x1;
	_ =	strace $0x8000004F;
	[dreg:$0x1] =	wrdreg $0xFFFFFFFF  }
0xa7: {  	s28 =	simm.s32 $_size_execute0_lowered;
	s2 =	sadd.s32 s2, s4;
	[dreg:$0x0] =	wrdreg $0x0  }
0xa8: {  	s4 =	sshll.u32 s28, $0x1;
	[dreg:$0x2] =	wrdreg s2  }
0xa9: {  	[dreg:$0x3] =	wrdreg s4  }
0xaa: {  	[dreg:$0x4] =	wrdreg $0xC0  }
0xab: {  	_ =	task [dreg:s6], $0x5FFFF  }
0xac: {  	[dreg:$0x1] =	wrdreg $0xFFFFFFFF  }
0xad: {  	[dreg:$0x0] =	wrdreg $0x60  }
0xae: {  	[dreg:$0x2] =	wrdreg s24  }
0xaf: {  	[dreg:$0x3] =	wrdreg $0x9  }
0xb0: {  	_ =	task.clear_ibuf [dreg:s6], $0x4FFFF;
	_ =	strace $0x9000004F  }
0xb1: {  	s29 =	simm.s32 $0x9;
	_ =	strace $0x80000051  }
0xb2: {  	_ =	swait.ge [sflag:s29], $0x1  }
0xb3: {  	[sflag:s29] =	ssyncadd.s32 $0xFFFFFFFF  }
0xb4: {  	_ =	strace $0x90000051  }
0xb5: {  	_ =	sfence  }
0xb6: {  	s30 =	sld [smem:$0x0];
	_ =	sdelay $0x2  }
0xb7: {  	s31 =	sshll.u32 s1, $0xD;
	s1 =	sshrl.u32 s1, $0x2  }
0xb8: {  	s3 =	sand.u32 $0x4000, s31;
	s1 =	sadd.s32 s1, s30  }
0xb9: {  	s0 =	sor.u32 s3, s0;
	s1 =	sshll.u32 s1, $0x11  }
0xba: {  	s0 =	sor.u32 s1, s0  }
0xbb: {  	s0 =	sadd.s32 $0x8F2B, s0  }
0xbc: {  	[sflag:s0] =	ssyncadd.remote.s32 $0x1  }
0xbd: {  	_ =	sfence.sel $0xFFFF  }
0xbe: {  	[dreg:$0x0] =	wrdreg $0xFFFFFFFF;
	(pc) =	sbr.abs _section_cstart, $3  }
0xbf: {  	[dreg:$0x1] =	wrdreg $0xFFFFFFFF  }
0xc0: {  	_ =	task.clear_ibuf [dreg:s6], $0x2FFFF;
	_ =	strace $0x9FFFFFFF  }
0xc1: {  	(tm) =	ssettm $0x7FFFFFFF  }
tec
execute0_lowered:
.L_overlay_start_1:
0x0: {  	(tag) =	ssettag $0x1  }
0x1: {  	s1 =	srdreg.scid  }
0x2: {  	s0 =	stileid.u32;
	s4 =	rddreg [dreg:$0x0]  }
0x3: {  	s2 =	simm.s32 $0x0;
	s9 =	simm.s32 $0x13C00;
	s10 =	simm.s32 $0x14C00  }
0x4: {  	s11 =	simm.s32 $0x14400;
	s12 =	simm.s32 $0x15400;
	s13 =	simm.s32 $0x3  }
0x5: {  	s14 =	simm.s32 $0x9E00;
	s3 =	sand.u32 $0x1, s1;
	s5 =	sshll.u32 s0, $0x1  }
0x6: {  	s15 =	simm.s32 $0x4;
	s16 =	simm.s32 $0x2;
	s5 =	sor.u32 s3, s5  }
0x7: {  	s17 =	simm.s32 $0x0;
	[smem:$0x7FF] =	sst s2;
	s5 =	smul.u32 $0x13C0, s5  }
0x8: {  	s1 =	rddreg [dreg:$0x1];
	_ =	strace $0x80000050;
	s6 =	ssub.s32 $0x2, s3  }
0x9: {  	s3 =	sadd.s32 $0x16800, s4;
	s31 =	sshrl.u32 s6, $0x1;
	s7 =	sadd.s32 s5, s4  }
0xa: {  	s8 =	ssub.s32 s6, s31;
	s4 =	sadd.s32 $0x2C00, s4;
	s5 =	sadd.s32 $0x20600, s7  }
0xb: {  	v0 =	vimm.f32 $0.0e+00;
	s6 =	sadd.s32 $0x47E00, s7;
	s7 =	smax.u32 s8, $0x1;
	s8 =	simm.s32 $0x1  }
.LBB2_1:
0xc: {  	[tilespmem:s2], [sflag:$0x1] =	stream.linear.gather [hbm4b:s5+s2], $0x9E00, $0x38;
	[tilespmem:$0x15C00] =	vst v63  }
0xd: {  	_ =	swait.ge [sflag:s8], $0x9E00  }
0xe: {  	[sflag:s8] =	ssyncset.done $0x0  }
0xf: {  	s18 =	simm.s32 $0x40;
	s19 =	simm.s32 $0x0;
	[sflag:s8] =	ssyncadd.s32 $0xFFFF6200  }
.LBB2_2:
0x10: {  	p0 =	sne.s32 s18, $0x277C0;
	[tilespmem:s19+$0x9E00] =	vst v0;
	s19 =	smov.u32 s18;
	s18 =	sadd.s32 $0x40, s18  }
.Ltmp0:
0x11: {  	(pc) =	sbr.rel @p0 .LBB2_2-.Ltmp0, $2  }
0x12: {  	_ =	sdelay $0x2  }
0x13: {  	s19 =	sshra.s32 s19, $0x2  }
0x14: {  	[tilespmem:s19+$0x9E00] =	vst v0;
	s18 =	simm.s32 $0x0  }
0x15: {  	[tilespmem:s9], [sflag:$0x3] =	stream.linear.gather [hbm4b:s3+s18], $0x800, $0x38;
	[tilespmem:$0x15C00] =	vst v63  }
0x16: {  	s19 =	simm.s32 $0x0  }
0x17: {  	[tilespmem:s10], [sflag:$0x1] =	stream.linear.gather [hbm4b:s4+s18], $0x800, $0x38;
	[tilespmem:$0x15C00] =	vst v63  }
.LBB2_4:
0x18: {  	s20 =	sshll.u32 s19, $0x9  }
0x19: {  	s21 =	sor.u32 $0x100, s20  }
0x1a: {  	s22 =	sadd.s32 s3, s21  }
0x1b: {  	[tilespmem:s11], [sflag:$0x4] =	stream.linear.gather [hbm4b:s22+s18], $0x800, $0x38;
	[tilespmem:$0x15C00] =	vst v63  }
0x1c: {  	s21 =	sadd.s32 s4, s21  }
0x1d: {  	[tilespmem:s12], [sflag:$0x2] =	stream.linear.gather [hbm4b:s21+s18], $0x800, $0x38;
	[tilespmem:$0x15C00] =	vst v63  }
0x1e: {  	_ =	swait.ge [sflag:s13], $0x800  }
0x1f: {  	[sflag:s13] =	ssyncset.done $0x0  }
0x20: {  	[sflag:s13] =	ssyncadd.s32 $0xFFFFF800  }
0x21: {  	_ =	swait.ge [sflag:s8], $0x800  }
0x22: {  	[sflag:s8] =	ssyncset.done $0x0  }
0x23: {  	s29 =	simm.s32 $0x0;
	[sflag:s8] =	ssyncadd.s32 $0xFFFFF800  }
0x24: {  	v6 =	vld [tilespmem:s29+$0x13C00];
	_ =	sdelay $0x4  }
0x25: {  	v1 =	vld [tilespmem:s29+$0x14C00];
	_ =	sdelay $0x2  }
0x26: {  	s30 =	simm.s32 $0x10;
	v3 =	vld.idx.msk [tilespmem:v6+s2+$0x0], $0xffff  }
0x27: {  	v4 =	vld [tilespmem:s30+$0x13C00];
	v5 =	vadd.s32 $0x2780, v6;
	_ =	sdelay $0x2  }
0x28: {  	v2 =	vld [tilespmem:s30+$0x14C00]  }
0x29: {  	[tilespmem:v1+s14+$0x0] =	vst.idx.add.f32.msk $0xffff, v3  }
0x2a: {  	v8 =	vadd.s32 $0x2780, v1;
	v7 =	vld.idx.msk [tilespmem:v5+s2+$0x0], $0xffff  }
0x2b: {  	s31 =	simm.s32 $0x20;
	v9 =	vadd.s32 $0x4F00, v6  }
0x2c: {  	v5 =	vld [tilespmem:s31+$0x13C00]  }
0x2d: {  	s22 =	simm.s32 $0x30;
	v10 =	vld.idx.msk [tilespmem:v4+s2+$0x0], $0xffff  }
0x2e: {  	v11 =	vadd.s32 $0x2780, v4;
	v12 =	vadd.s32 $0x7680, v6;
	v6 =	vld [tilespmem:s22+$0x13C00]  }
0x2f: {  	[tilespmem:v8+s14+$0x0] =	vst.idx.add.f32.msk $0xffff, v7  }
0x30: {  	v7 =	vld.idx.msk [tilespmem:v9+s2+$0x0], $0xffff;
	v9 =	vadd.s32 $0x4F00, v1  }
0x31: {  	v3 =	vld [tilespmem:s31+$0x14C00]  }
0x32: {  	[tilespmem:v2+s14+$0x0] =	vst.idx.add.f32.msk $0xffff, v10  }
0x33: {  	v8 =	vld.idx.msk [tilespmem:v11+s2+$0x0], $0xffff  }
0x34: {  	v10 =	vadd.s32 $0x2780, v2;
	v11 =	vld.idx.msk [tilespmem:v5+s2+$0x0], $0xffff  }
0x35: {  	[tilespmem:v9+s14+$0x0] =	vst.idx.add.f32.msk $0xffff, v7;
	v9 =	vadd.s32 $0x4F00, v4  }
0x36: {  	v7 =	vld.idx.msk [tilespmem:v12+s2+$0x0], $0xffff;
	v12 =	vmov v3  }
0x37: {  	s21 =	simm.s32 $0x100;
	v13 =	vadd.s32 $0x2780, v5  }
.LBB2_5:
0x38: {  	p0 =	sne.s32 s21, $0x1FC0;
	v14 =	vadd.s32 $0x7680, v1;
	v1 =	vmov v2;
	v2 =	vmov v3;
	v3 =	vld [tilespmem:s22+$0x14C00]  }
0x39: {  	[tilespmem:v10+s14+$0x0] =	vst.idx.add.f32.msk $0xffff, v8;
	v15 =	vmov v6  }
0x3a: {  	v16 =	vld.idx.msk [tilespmem:v9+s2+$0x0], $0xffff  }
0x3b: {  	v17 =	vadd.s32 $0x4F00, v1;
	[tilespmem:v12+s14+$0x0] =	vst.idx.add.f32.msk $0xffff, v11  }
0x3c: {  	v18 =	vadd.s32 $0x7680, v4;
	v4 =	vmov v5;
	v5 =	vmov v6;
	v8 =	vld.idx.msk [tilespmem:v13+s2+$0x0], $0xffff  }
.Ltmp1:
0x3d: {  	s22 =	sshra.s32 s21, $0x2;
	[tilespmem:v14+s14+$0x0] =	vst.idx.add.f32.msk $0xffff, v7;
	v12 =	vmov v3;
	(pc) =	sbr.rel @p0 .LBB2_5-.Ltmp1, $4  }
0x3e: {  	v10 =	vadd.s32 $0x2780, v2;
	v6 =	vld [tilespmem:s22+$0x13C00]  }
0x3f: {  	v9 =	vadd.s32 $0x4F00, v4;
	v11 =	vld.idx.msk [tilespmem:v15+s2+$0x0], $0xffff  }
0x40: {  	[tilespmem:v17+s14+$0x0] =	vst.idx.add.f32.msk $0xffff, v16  }
0x41: {  	s21 =	sadd.s32 $0x40, s21;
	v13 =	vadd.s32 $0x2780, v5;
	v7 =	vld.idx.msk [tilespmem:v18+s2+$0x0], $0xffff  }
0x42: {  	_ =	sdelay $0x1  }
0x43: {  	v14 =	vld [tilespmem:s22+$0x14C00];
	_ =	sdelay $0x2  }
0x44: {  	v15 =	vld.idx.msk [tilespmem:v6+s2+$0x0], $0xffff  }
0x45: {  	v16 =	vadd.s32 $0x2780, v6;
	_ =	sdelay $0x1  }
0x46: {  	[tilespmem:v12+s14+$0x0] =	vst.idx.add.f32.msk $0xffff, v11  }
0x47: {  	v12 =	vadd.s32 $0x2780, v3;
	v11 =	vld.idx.msk [tilespmem:v13+s2+$0x0], $0xffff  }
0x48: {  	v13 =	vadd.s32 $0x4F00, v5;
	[tilespmem:v14+s14+$0x0] =	vst.idx.add.f32.msk $0xffff, v15  }
0x49: {  	v63 =	vadd.s32 $0x2780, v14;
	v15 =	vld.idx.msk [tilespmem:v16+s2+$0x0], $0xffff  }
0x4a: {  	[tilespmem:v10+s14+$0x0] =	vst.idx.add.f32.msk $0xffff, v8;
	v8 =	vadd.s32 $0x4F00, v6  }
0x4b: {  	v10 =	vadd.s32 $0x4F00, v2;
	v9 =	vld.idx.msk [tilespmem:v9+s2+$0x0], $0xffff  }
0x4c: {  	v4 =	vadd.s32 $0x7680, v4;
	[tilespmem:v12+s14+$0x0] =	vst.idx.add.f32.msk $0xffff, v11  }
0x4d: {  	v12 =	vadd.s32 $0x4F00, v3;
	v11 =	vld.idx.msk [tilespmem:v13+s2+$0x0], $0xffff  }
0x4e: {  	v5 =	vadd.s32 $0x7680, v5;
	[tilespmem:v63+s14+$0x0] =	vst.idx.add.f32.msk $0xffff, v15  }
0x4f: {  	v13 =	vadd.s32 $0x4F00, v14;
	v8 =	vld.idx.msk [tilespmem:v8+s2+$0x0], $0xffff  }
0x50: {  	v6 =	vadd.s32 $0x7680, v6;
	[tilespmem:v10+s14+$0x0] =	vst.idx.add.f32.msk $0xffff, v9  }
0x51: {  	v4 =	vld.idx.msk [tilespmem:v4+s2+$0x0], $0xffff  }
0x52: {  	v1 =	vadd.s32 $0x7680, v1;
	[tilespmem:v12+s14+$0x0] =	vst.idx.add.f32.msk $0xffff, v11  }
0x53: {  	v2 =	vadd.s32 $0x7680, v2;
	v5 =	vld.idx.msk [tilespmem:v5+s2+$0x0], $0xffff  }
0x54: {  	v3 =	vadd.s32 $0x7680, v3;
	[tilespmem:v13+s14+$0x0] =	vst.idx.add.f32.msk $0xffff, v8  }
0x55: {  	v8 =	vadd.s32 $0x7680, v14;
	v6 =	vld.idx.msk [tilespmem:v6+s2+$0x0], $0xffff;
	_ =	sdelay $0x1  }
0x56: {  	[tilespmem:v1+s14+$0x0] =	vst.idx.add.f32.msk $0xffff, v7  }
0x57: {  	[tilespmem:v2+s14+$0x0] =	vst.idx.add.f32.msk $0xffff, v4  }
0x58: {  	s20 =	sadd.s32 $0x200, s20;
	[tilespmem:v3+s14+$0x0] =	vst.idx.add.f32.msk $0xffff, v5  }
0x59: {  	s28 =	simm.s32 $0x0;
	s21 =	sadd.s32 s3, s20;
	[tilespmem:v8+s14+$0x0] =	vst.idx.add.f32.msk $0xffff, v6  }
0x5a: {  	[tilespmem:s9], [sflag:$0x3] =	stream.linear.gather [hbm4b:s21+s28], $0x800, $0x38;
	[tilespmem:$0x15C00] =	vst v63  }
0x5b: {  	s20 =	sadd.s32 s4, s20  }
0x5c: {  	[tilespmem:s10], [sflag:$0x1] =	stream.linear.gather [hbm4b:s20+s28], $0x800, $0x38;
	[tilespmem:$0x15C00] =	vst v63  }
0x5d: {  	_ =	swait.ge [sflag:s15], $0x800  }
0x5e: {  	[sflag:s15] =	ssyncset.done $0x0  }
0x5f: {  	[sflag:s15] =	ssyncadd.s32 $0xFFFFF800  }
0x60: {  	_ =	swait.ge [sflag:s16], $0x800  }
0x61: {  	[sflag:s16] =	ssyncset.done $0x0  }
0x62: {  	s29 =	simm.s32 $0x0;
	[sflag:s16] =	ssyncadd.s32 $0xFFFFF800  }
0x63: {  	v6 =	vld [tilespmem:s29+$0x14400];
	_ =	sdelay $0x4  }
0x64: {  	v1 =	vld [tilespmem:s29+$0x15400];
	_ =	sdelay $0x2  }
0x65: {  	s30 =	simm.s32 $0x10;
	v3 =	vld.idx.msk [tilespmem:v6+s2+$0x0], $0xffff  }
0x66: {  	v4 =	vld [tilespmem:s30+$0x14400];
	v5 =	vadd.s32 $0x2780, v6;
	_ =	sdelay $0x2  }
0x67: {  	v2 =	vld [tilespmem:s30+$0x15400]  }
0x68: {  	[tilespmem:v1+s14+$0x0] =	vst.idx.add.f32.msk $0xffff, v3  }
0x69: {  	v8 =	vadd.s32 $0x2780, v1;
	v7 =	vld.idx.msk [tilespmem:v5+s2+$0x0], $0xffff  }
0x6a: {  	s31 =	simm.s32 $0x20;
	v9 =	vadd.s32 $0x4F00, v6  }
0x6b: {  	v5 =	vld [tilespmem:s31+$0x14400]  }
0x6c: {  	s21 =	simm.s32 $0x30;
	v10 =	vld.idx.msk [tilespmem:v4+s2+$0x0], $0xffff  }
0x6d: {  	v11 =	vadd.s32 $0x2780, v4;
	v12 =	vadd.s32 $0x7680, v6;
	v6 =	vld [tilespmem:s21+$0x14400]  }
0x6e: {  	[tilespmem:v8+s14+$0x0] =	vst.idx.add.f32.msk $0xffff, v7  }
0x6f: {  	v7 =	vld.idx.msk [tilespmem:v9+s2+$0x0], $0xffff;
	v9 =	vadd.s32 $0x4F00, v1  }
0x70: {  	v3 =	vld [tilespmem:s31+$0x15400]  }
0x71: {  	[tilespmem:v2+s14+$0x0] =	vst.idx.add.f32.msk $0xffff, v10  }
0x72: {  	v8 =	vld.idx.msk [tilespmem:v11+s2+$0x0], $0xffff  }
0x73: {  	v10 =	vadd.s32 $0x2780, v2;
	v11 =	vld.idx.msk [tilespmem:v5+s2+$0x0], $0xffff  }
0x74: {  	[tilespmem:v9+s14+$0x0] =	vst.idx.add.f32.msk $0xffff, v7;
	v9 =	vadd.s32 $0x4F00, v4  }
0x75: {  	v7 =	vld.idx.msk [tilespmem:v12+s2+$0x0], $0xffff;
	v12 =	vmov v3  }
0x76: {  	s20 =	simm.s32 $0x100;
	v13 =	vadd.s32 $0x2780, v5  }
.LBB2_7:
0x77: {  	p0 =	sne.s32 s20, $0x1FC0;
	v14 =	vadd.s32 $0x7680, v1;
	v1 =	vmov v2;
	v2 =	vmov v3;
	v3 =	vld [tilespmem:s21+$0x15400]  }
0x78: {  	[tilespmem:v10+s14+$0x0] =	vst.idx.add.f32.msk $0xffff, v8;
	v15 =	vmov v6  }
0x79: {  	v16 =	vld.idx.msk [tilespmem:v9+s2+$0x0], $0xffff  }
0x7a: {  	v17 =	vadd.s32 $0x4F00, v1;
	[tilespmem:v12+s14+$0x0] =	vst.idx.add.f32.msk $0xffff, v11  }
0x7b: {  	v18 =	vadd.s32 $0x7680, v4;
	v4 =	vmov v5;
	v5 =	vmov v6;
	v8 =	vld.idx.msk [tilespmem:v13+s2+$0x0], $0xffff  }
.Ltmp2:
0x7c: {  	s21 =	sshra.s32 s20, $0x2;
	[tilespmem:v14+s14+$0x0] =	vst.idx.add.f32.msk $0xffff, v7;
	v12 =	vmov v3;
	(pc) =	sbr.rel @p0 .LBB2_7-.Ltmp2, $4  }
0x7d: {  	v10 =	vadd.s32 $0x2780, v2;
	v6 =	vld [tilespmem:s21+$0x14400]  }
0x7e: {  	v9 =	vadd.s32 $0x4F00, v4;
	v11 =	vld.idx.msk [tilespmem:v15+s2+$0x0], $0xffff  }
0x7f: {  	[tilespmem:v17+s14+$0x0] =	vst.idx.add.f32.msk $0xffff, v16  }
0x80: {  	s20 =	sadd.s32 $0x40, s20;
	v13 =	vadd.s32 $0x2780, v5;
	v7 =	vld.idx.msk [tilespmem:v18+s2+$0x0], $0xffff  }
0x81: {  	_ =	sdelay $0x1  }
0x82: {  	v14 =	vld [tilespmem:s21+$0x15400];
	_ =	sdelay $0x2  }
0x83: {  	v15 =	vld.idx.msk [tilespmem:v6+s2+$0x0], $0xffff  }
0x84: {  	v16 =	vadd.s32 $0x2780, v6;
	_ =	sdelay $0x1  }
0x85: {  	[tilespmem:v12+s14+$0x0] =	vst.idx.add.f32.msk $0xffff, v11  }
0x86: {  	v54 =	vadd.s32 $0x2780, v3;
	v11 =	vld.idx.msk [tilespmem:v13+s2+$0x0], $0xffff  }
0x87: {  	v55 =	vadd.s32 $0x4F00, v5;
	[tilespmem:v14+s14+$0x0] =	vst.idx.add.f32.msk $0xffff, v15  }
0x88: {  	v56 =	vadd.s32 $0x2780, v14;
	v15 =	vld.idx.msk [tilespmem:v16+s2+$0x0], $0xffff  }
0x89: {  	[tilespmem:v10+s14+$0x0] =	vst.idx.add.f32.msk $0xffff, v8;
	v57 =	vadd.s32 $0x4F00, v6  }
0x8a: {  	v58 =	vadd.s32 $0x4F00, v2;
	v9 =	vld.idx.msk [tilespmem:v9+s2+$0x0], $0xffff  }
0x8b: {  	v4 =	vadd.s32 $0x7680, v4;
	[tilespmem:v54+s14+$0x0] =	vst.idx.add.f32.msk $0xffff, v11  }
0x8c: {  	v59 =	vadd.s32 $0x4F00, v3;
	v11 =	vld.idx.msk [tilespmem:v55+s2+$0x0], $0xffff  }
0x8d: {  	v60 =	vadd.s32 $0x7680, v5;
	[tilespmem:v56+s14+$0x0] =	vst.idx.add.f32.msk $0xffff, v15  }
0x8e: {  	v61 =	vadd.s32 $0x4F00, v14;
	v8 =	vld.idx.msk [tilespmem:v57+s2+$0x0], $0xffff  }
0x8f: {  	v62 =	vadd.s32 $0x7680, v6;
	[tilespmem:v58+s14+$0x0] =	vst.idx.add.f32.msk $0xffff, v9  }
0x90: {  	v4 =	vld.idx.msk [tilespmem:v4+s2+$0x0], $0xffff  }
0x91: {  	v1 =	vadd.s32 $0x7680, v1;
	[tilespmem:v59+s14+$0x0] =	vst.idx.add.f32.msk $0xffff, v11  }
0x92: {  	v2 =	vadd.s32 $0x7680, v2;
	v5 =	vld.idx.msk [tilespmem:v60+s2+$0x0], $0xffff  }
0x93: {  	v3 =	vadd.s32 $0x7680, v3;
	s19 =	sadd.s32 $0x1, s19;
	[tilespmem:v61+s14+$0x0] =	vst.idx.add.f32.msk $0xffff, v8  }
0x94: {  	p0 =	sne.s32 s19, $0x4E;
	v63 =	vadd.s32 $0x7680, v14;
	v6 =	vld.idx.msk [tilespmem:v62+s2+$0x0], $0xffff  }
.Ltmp3:
0x95: {  	_ = 	snop;
	(pc) =	sbr.rel @p0 .LBB2_4-.Ltmp3, $4  }
0x96: {  	[tilespmem:v1+s14+$0x0] =	vst.idx.add.f32.msk $0xffff, v7  }
0x97: {  	[tilespmem:v2+s14+$0x0] =	vst.idx.add.f32.msk $0xffff, v4  }
0x98: {  	[tilespmem:v3+s14+$0x0] =	vst.idx.add.f32.msk $0xffff, v5  }
0x99: {  	[tilespmem:v63+s14+$0x0] =	vst.idx.add.f32.msk $0xffff, v6  }
0x9a: {  	_ =	swait.ge [sflag:s13], $0x800  }
0x9b: {  	[sflag:s13] =	ssyncset.done $0x0  }
0x9c: {  	[sflag:s13] =	ssyncadd.s32 $0xFFFFF800  }
0x9d: {  	_ =	swait.ge [sflag:s8], $0x800  }
0x9e: {  	[sflag:s8] =	ssyncset.done $0x0  }
0x9f: {  	s18 =	simm.s32 $0x0;
	[sflag:s8] =	ssyncadd.s32 $0xFFFFF800  }
0xa0: {  	v6 =	vld [tilespmem:s18+$0x13C00];
	_ =	sdelay $0x4  }
0xa1: {  	v1 =	vld [tilespmem:s18+$0x14C00];
	_ =	sdelay $0x2  }
0xa2: {  	s30 =	simm.s32 $0x10;
	v3 =	vld.idx.msk [tilespmem:v6+s2+$0x0], $0xffff  }
0xa3: {  	v4 =	vld [tilespmem:s30+$0x13C00];
	v5 =	vadd.s32 $0x2780, v6;
	_ =	sdelay $0x2  }
0xa4: {  	v2 =	vld [tilespmem:s30+$0x14C00]  }
0xa5: {  	[tilespmem:v1+s14+$0x0] =	vst.idx.add.f32.msk $0xffff, v3  }
0xa6: {  	v8 =	vadd.s32 $0x2780, v1;
	v7 =	vld.idx.msk [tilespmem:v5+s2+$0x0], $0xffff  }
0xa7: {  	s31 =	simm.s32 $0x20;
	v9 =	vadd.s32 $0x4F00, v6  }
0xa8: {  	v5 =	vld [tilespmem:s31+$0x13C00]  }
0xa9: {  	s19 =	simm.s32 $0x30;
	v10 =	vld.idx.msk [tilespmem:v4+s2+$0x0], $0xffff  }
0xaa: {  	v11 =	vadd.s32 $0x2780, v4;
	v12 =	vadd.s32 $0x7680, v6;
	v6 =	vld [tilespmem:s19+$0x13C00]  }
0xab: {  	[tilespmem:v8+s14+$0x0] =	vst.idx.add.f32.msk $0xffff, v7  }
0xac: {  	v7 =	vld.idx.msk [tilespmem:v9+s2+$0x0], $0xffff;
	v9 =	vadd.s32 $0x4F00, v1  }
0xad: {  	v3 =	vld [tilespmem:s31+$0x14C00]  }
0xae: {  	[tilespmem:v2+s14+$0x0] =	vst.idx.add.f32.msk $0xffff, v10  }
0xaf: {  	v8 =	vld.idx.msk [tilespmem:v11+s2+$0x0], $0xffff  }
0xb0: {  	v10 =	vadd.s32 $0x2780, v2;
	v11 =	vld.idx.msk [tilespmem:v5+s2+$0x0], $0xffff  }
0xb1: {  	[tilespmem:v9+s14+$0x0] =	vst.idx.add.f32.msk $0xffff, v7;
	v9 =	vadd.s32 $0x4F00, v4  }
0xb2: {  	v7 =	vld.idx.msk [tilespmem:v12+s2+$0x0], $0xffff;
	v12 =	vmov v3  }
0xb3: {  	s18 =	simm.s32 $0x100;
	v13 =	vadd.s32 $0x2780, v5  }
.LBB2_10:
0xb4: {  	p0 =	sne.s32 s18, $0x1FC0;
	v14 =	vadd.s32 $0x7680, v1;
	v1 =	vmov v2;
	v2 =	vmov v3;
	v3 =	vld [tilespmem:s19+$0x14C00]  }
0xb5: {  	[tilespmem:v10+s14+$0x0] =	vst.idx.add.f32.msk $0xffff, v8;
	v15 =	vmov v6  }
0xb6: {  	v16 =	vld.idx.msk [tilespmem:v9+s2+$0x0], $0xffff  }
0xb7: {  	v17 =	vadd.s32 $0x4F00, v1;
	[tilespmem:v12+s14+$0x0] =	vst.idx.add.f32.msk $0xffff, v11  }
0xb8: {  	v18 =	vadd.s32 $0x7680, v4;
	v4 =	vmov v5;
	v5 =	vmov v6;
	v8 =	vld.idx.msk [tilespmem:v13+s2+$0x0], $0xffff  }
.Ltmp4:
0xb9: {  	s19 =	sshra.s32 s18, $0x2;
	[tilespmem:v14+s14+$0x0] =	vst.idx.add.f32.msk $0xffff, v7;
	v12 =	vmov v3;
	(pc) =	sbr.rel @p0 .LBB2_10-.Ltmp4, $4  }
0xba: {  	v10 =	vadd.s32 $0x2780, v2;
	v6 =	vld [tilespmem:s19+$0x13C00]  }
0xbb: {  	v9 =	vadd.s32 $0x4F00, v4;
	v11 =	vld.idx.msk [tilespmem:v15+s2+$0x0], $0xffff  }
0xbc: {  	[tilespmem:v17+s14+$0x0] =	vst.idx.add.f32.msk $0xffff, v16  }
0xbd: {  	s18 =	sadd.s32 $0x40, s18;
	v13 =	vadd.s32 $0x2780, v5;
	v7 =	vld.idx.msk [tilespmem:v18+s2+$0x0], $0xffff  }
0xbe: {  	_ =	sdelay $0x1  }
0xbf: {  	v14 =	vld [tilespmem:s19+$0x14C00];
	_ =	sdelay $0x2  }
0xc0: {  	v15 =	vld.idx.msk [tilespmem:v6+s2+$0x0], $0xffff  }
0xc1: {  	v16 =	vadd.s32 $0x2780, v6;
	_ =	sdelay $0x1  }
0xc2: {  	[tilespmem:v12+s14+$0x0] =	vst.idx.add.f32.msk $0xffff, v11  }
0xc3: {  	v54 =	vadd.s32 $0x2780, v3;
	v11 =	vld.idx.msk [tilespmem:v13+s2+$0x0], $0xffff  }
0xc4: {  	v55 =	vadd.s32 $0x4F00, v5;
	[tilespmem:v14+s14+$0x0] =	vst.idx.add.f32.msk $0xffff, v15  }
0xc5: {  	v56 =	vadd.s32 $0x2780, v14;
	v15 =	vld.idx.msk [tilespmem:v16+s2+$0x0], $0xffff  }
0xc6: {  	[tilespmem:v10+s14+$0x0] =	vst.idx.add.f32.msk $0xffff, v8;
	v57 =	vadd.s32 $0x4F00, v6  }
0xc7: {  	v58 =	vadd.s32 $0x4F00, v2;
	v9 =	vld.idx.msk [tilespmem:v9+s2+$0x0], $0xffff  }
0xc8: {  	v4 =	vadd.s32 $0x7680, v4;
	[tilespmem:v54+s14+$0x0] =	vst.idx.add.f32.msk $0xffff, v11  }
0xc9: {  	v59 =	vadd.s32 $0x4F00, v3;
	v11 =	vld.idx.msk [tilespmem:v55+s2+$0x0], $0xffff  }
0xca: {  	v60 =	vadd.s32 $0x7680, v5;
	[tilespmem:v56+s14+$0x0] =	vst.idx.add.f32.msk $0xffff, v15  }
0xcb: {  	v61 =	vadd.s32 $0x4F00, v14;
	v8 =	vld.idx.msk [tilespmem:v57+s2+$0x0], $0xffff  }
0xcc: {  	v62 =	vadd.s32 $0x7680, v6;
	[tilespmem:v58+s14+$0x0] =	vst.idx.add.f32.msk $0xffff, v9  }
0xcd: {  	v4 =	vld.idx.msk [tilespmem:v4+s2+$0x0], $0xffff  }
0xce: {  	v1 =	vadd.s32 $0x7680, v1;
	[tilespmem:v59+s14+$0x0] =	vst.idx.add.f32.msk $0xffff, v11  }
0xcf: {  	v2 =	vadd.s32 $0x7680, v2;
	v5 =	vld.idx.msk [tilespmem:v60+s2+$0x0], $0xffff  }
0xd0: {  	v3 =	vadd.s32 $0x7680, v3;
	[tilespmem:v61+s14+$0x0] =	vst.idx.add.f32.msk $0xffff, v8  }
0xd1: {  	v63 =	vadd.s32 $0x7680, v14;
	v6 =	vld.idx.msk [tilespmem:v62+s2+$0x0], $0xffff;
	_ =	sdelay $0x1  }
0xd2: {  	[tilespmem:v1+s14+$0x0] =	vst.idx.add.f32.msk $0xffff, v7  }
0xd3: {  	s17 =	sadd.s32 $0x1, s17;
	[tilespmem:v2+s14+$0x0] =	vst.idx.add.f32.msk $0xffff, v4  }
0xd4: {  	p0 =	sne.s32 s17, s7;
	[tilespmem:v3+s14+$0x0] =	vst.idx.add.f32.msk $0xffff, v5  }
.Ltmp5:
0xd5: {  	[tilespmem:v63+s14+$0x0] =	vst.idx.add.f32.msk $0xffff, v6;
	(pc) =	sbr.rel @p0 .LBB2_1-.Ltmp5, $4  }
0xd6: {  	[hbm4b:s6+s2] =	stream.linear.scatter [tilespmem:s14], [sflag:$0x1], $0x9E00, $0x38;
	[tilespmem:$0x15C00] =	vst v63  }
0xd7: {  	_ =	swait.ge [sflag:s8], $0x9E00  }
0xd8: {  	[sflag:s8] =	ssyncset.done $0x0  }
0xd9: {  	[sflag:s8] =	ssyncadd.s32 $0xFFFF6200  }
0xda: {  	_ =	sfence.sel $0x180000  }
0xdb: {  	[bflag:$0x0] =	sbarrier.arrive $0xFFFF  }
0xdc: {  	p0 =	sne.s32 s0, $0x0;
	_ =	strace $0x90000050  }
0xdd: {  	s0 =	sadd.s32 @!p0 $0x100000, s1;
	[bflag:$0x2] =	sbarrier.arrive $0xFFFF  }
0xde: {  	[sflag:s0] =	ssyncadd.tile.s32 @!p0 $0x1;
	_ =	shalt  }
.Lfunc_end2:
_tile_overlayer_lowered:
.L_overlay_start_2:
0xdf: {  	(tag) =	ssettag $0x2  }
0xe0: {  	s0 =	rddreg [dreg:$0x0];
	s2 =	stileid.u32  }
0xe1: {  	s1 =	rddreg [dreg:$0x1];
	p0 =	sne.s32 s2, $0x0  }
0xe2: {  	s3 =	rddreg [dreg:$0x2];
	[bflag:$0x3] =	sbarrier.arrive $0xFFFF;
	s2 =	simm.s32 @!p0 $0x1C01  }
0xe3: {  	[timem:s3], [sflag:s2] =	dma.local @!p0 [hbm:s0], s1  }
0xe4: {  	s0 =	simm.s32 @!p0 $0x1  }
0xe5: {  	_ =	swait.ge @!p0 [sflag:s0], s1  }
0xe6: {  	s1 =	ssub.s32 @!p0 $0x0, s1;
	[sflag:s0] =	ssyncset.done @!p0 $0x0  }
0xe7: {  	[sflag:s0] =	ssyncadd.s32 @!p0 s1  }
0xe8: {  	[bflag:$0x3] =	sbarrier.arrive $0xFFFF  }
0xe9: {  	_ =	shalt  }

</sc_bundles>
